<compile_context>
chip_gen: v7x
topology: tpu7x:2x2x1
jax: 0.10.2.dev20260603
libtpu: 0.0.44.dev20260713+nightly
codegen_flags: <defaults>
</compile_context>

<pallas_src>
import functools

import jax
import jax.numpy as jnp
from jax import lax
from jax.experimental import pallas as pl
from jax.experimental.pallas import tpu as pltpu
from jax.experimental.pallas import tpu_sc as plsc

N = 10000
E = 320000
D = 128
C = 64
NP = 10240
RPT = NP // 16
NC = 2
NS = 16
NW = NC * NS
EPW = E // NW
CH = 125
NCH = EPW // CH
BM = 2048

_sc_mesh = plsc.VectorSubcoreMesh(core_axis_name="c", subcore_axis_name="s")


@functools.partial(
    pl.kernel,
    out_type=(jax.ShapeDtypeStruct((NP,), jnp.float32),
              jax.ShapeDtypeStruct((NP,), jnp.float32)),
    mesh=_sc_mesh,
    scratch_types=[
        pltpu.VMEM((NCH, CH), jnp.int32),
        pltpu.VMEM((CH,), jnp.float32),
        pltpu.VMEM_SHARED((NP,), jnp.float32),
        [pltpu.SemaphoreType.DMA for _ in range(8)],
    ],
    compiler_params=pltpu.CompilerParams(use_tc_tiling_on_sc=False),
)
def _deg_call(ei_hbm, ones_hbm, zer_hbm, out0, out1, idx_c, ones_v, acc, ssem):
    NB = 8
    c = lax.axis_index("c")
    s = lax.axis_index("s")
    wid = c * NS + s
    pltpu.sync_copy(zer_hbm.at[pl.ds(s * RPT, RPT)], acc.at[pl.ds(s * RPT, RPT)])
    pltpu.sync_copy(ei_hbm.at[1, wid], idx_c)
    pltpu.sync_copy(ones_hbm, ones_v)
    plsc.subcore_barrier()

    for k in range(NB):
        pltpu.async_copy(ones_v, acc.at[idx_c.at[k]], ssem[k], add=True)

    def round_(i, carry):
        for k in range(NB):
            j = i * NB + k
            pltpu.make_async_copy(ones_v, acc.at[idx_c.at[j]], ssem[k]).wait()
            pltpu.async_copy(ones_v, acc.at[idx_c.at[j + NB]], ssem[k], add=True)
        return carry

    lax.fori_loop(0, NCH // NB - 1, round_, 0)
    for k in range(NB):
        pltpu.make_async_copy(ones_v, acc.at[idx_c.at[k]], ssem[k]).wait()
    plsc.subcore_barrier()

    @pl.when(c == 0)
    def _():
        pltpu.sync_copy(acc.at[pl.ds(s * RPT, RPT)], out0.at[pl.ds(s * RPT, RPT)])

    @pl.when(c == 1)
    def _():
        pltpu.sync_copy(acc.at[pl.ds(s * RPT, RPT)], out1.at[pl.ds(s * RPT, RPT)])


@functools.partial(
    pl.kernel,
    out_type=(jax.ShapeDtypeStruct((NP, C), jnp.float32),
              jax.ShapeDtypeStruct((NP, C), jnp.float32)),
    mesh=_sc_mesh,
    scratch_types=[
        pltpu.VMEM((NCH, CH), jnp.int32),
        pltpu.VMEM((NCH, CH), jnp.int32),
        [pltpu.VMEM((CH, C), jnp.float32) for _ in range(8)],
        pltpu.VMEM_SHARED((NP, C), jnp.float32),
        [pltpu.SemaphoreType.DMA for _ in range(8)],
        [pltpu.SemaphoreType.DMA for _ in range(8)],
    ],
    compiler_params=pltpu.CompilerParams(use_tc_tiling_on_sc=False),
)
def _hop_call(g_hbm, ei_hbm, zer_hbm, out0, out1,
              idx_r, idx_c, bufs, acc, gsem, ssem):
    NB = 8
    c = lax.axis_index("c")
    s = lax.axis_index("s")
    wid = c * NS + s
    pltpu.sync_copy(zer_hbm, acc.at[pl.ds(s * RPT, RPT)])
    pltpu.sync_copy(ei_hbm.at[0, wid], idx_r)
    pltpu.sync_copy(ei_hbm.at[1, wid], idx_c)
    plsc.subcore_barrier()

    for k in range(NB):
        pltpu.async_copy(g_hbm.at[idx_r.at[k]], bufs[k], gsem[k])

    def round_(i, carry):
        for k in range(NB):
            j = i * NB + k
            pltpu.make_async_copy(g_hbm.at[idx_r.at[j]], bufs[k], gsem[k]).wait()
            pltpu.async_copy(bufs[k], acc.at[idx_c.at[j]], ssem[k], add=True)
        for k in range(NB):
            j = i * NB + k
            jn = lax.min(j + NB, NCH - 1)
            pltpu.make_async_copy(bufs[k], acc.at[idx_c.at[j]], ssem[k]).wait()
            pltpu.async_copy(g_hbm.at[idx_r.at[jn]], bufs[k], gsem[k])
        return carry

    lax.fori_loop(0, NCH // NB, round_, 0)
    for k in range(NB):
        pltpu.make_async_copy(g_hbm.at[idx_r.at[0]], bufs[k], gsem[k]).wait()
    plsc.subcore_barrier()

    @pl.when(c == 0)
    def _():
        pltpu.sync_copy(acc.at[pl.ds(s * RPT, RPT)], out0.at[pl.ds(s * RPT, RPT)])

    @pl.when(c == 1)
    def _():
        pltpu.sync_copy(acc.at[pl.ds(s * RPT, RPT)], out1.at[pl.ds(s * RPT, RPT)])


NPW = NP // 2
WC = 2 * C


def _dis128(dis2):
    l = jnp.broadcast_to(dis2[:, 0:1], (dis2.shape[0], C))
    r = jnp.broadcast_to(dis2[:, 1:2], (dis2.shape[0], C))
    return jnp.concatenate([l, r], axis=1)


def _lin_body(x_ref, w2_ref, d0_ref, d1_ref, g_ref, dis_ref):
    deg = d0_ref[...] + d1_ref[...] + 1.0
    dis = lax.rsqrt(deg)
    z = lax.dot_general(x_ref[...], w2_ref[...], (((1,), (0,)), ((), ())),
                        preferred_element_type=jnp.float32)
    g_ref[...] = z * _dis128(dis)
    dis_ref[...] = dis


def _lin_call(xw, W2, d0, d1):
    BLW = BM // 2
    return pl.pallas_call(
        _lin_body,
        grid=(NPW // BLW,),
        in_specs=[pl.BlockSpec((BLW, 2 * D), lambda i: (i, 0)),
                  pl.BlockSpec((2 * D, WC), lambda i: (0, 0)),
                  pl.BlockSpec((BLW, 2), lambda i: (i, 0)),
                  pl.BlockSpec((BLW, 2), lambda i: (i, 0))],
        out_specs=[pl.BlockSpec((BLW, WC), lambda i: (i, 0)),
                   pl.BlockSpec((BLW, 2), lambda i: (i, 0))],
        out_shape=[jax.ShapeDtypeStruct((NPW, WC), jnp.float32),
                   jax.ShapeDtypeStruct((NPW, 2), jnp.float32)],
    )(xw, W2, d0, d1)


def _comb_body(p0_ref, p1_ref, g_ref, dis_ref, out_ref):
    d = _dis128(dis_ref[...])
    out_ref[...] = (d * d) * (p0_ref[...] + p1_ref[...] + g_ref[...])


def _comb_call(p0, p1, g0, dis):
    BMW = BM // 2
    return pl.pallas_call(
        _comb_body,
        grid=(NPW // BMW,),
        in_specs=[pl.BlockSpec((BMW, WC), lambda i: (i, 0)),
                  pl.BlockSpec((BMW, WC), lambda i: (i, 0)),
                  pl.BlockSpec((BMW, WC), lambda i: (i, 0)),
                  pl.BlockSpec((BMW, 2), lambda i: (i, 0))],
        out_specs=pl.BlockSpec((BMW, WC), lambda i: (i, 0)),
        out_shape=jax.ShapeDtypeStruct((NPW, WC), jnp.float32),
    )(p0, p1, g0, dis)


def _final_body(p0_ref, p1_ref, g_ref, dis_ref, b_ref, out_ref):
    y = _dis128(dis_ref[...]) * (p0_ref[...] + p1_ref[...] + g_ref[...]) + b_ref[...]
    yl = y[:, :C]
    yr = y[:, C:]

    def lsm(h):
        m = jnp.max(h, axis=1, keepdims=True)
        e = jnp.exp(h - m)
        return (h - m) - jnp.log(jnp.sum(e, axis=1, keepdims=True))

    out_ref[...] = jnp.concatenate([lsm(yl), lsm(yr)], axis=1)


def _final_call(p0, p1, g1, dis, b2):
    BFW = 1000
    return pl.pallas_call(
        _final_body,
        grid=(N // (2 * BFW),),
        in_specs=[pl.BlockSpec((BFW, WC), lambda i: (i, 0)),
                  pl.BlockSpec((BFW, WC), lambda i: (i, 0)),
                  pl.BlockSpec((BFW, WC), lambda i: (i, 0)),
                  pl.BlockSpec((BFW, 2), lambda i: (i, 0)),
                  pl.BlockSpec((1, WC), lambda i: (0, 0))],
        out_specs=pl.BlockSpec((BFW, WC), lambda i: (i, 0)),
        out_shape=jax.ShapeDtypeStruct((N // 2, WC), jnp.float32),
    )(p0, p1, g1, dis, b2)


def kernel(x, edge_index, W, b):
    e4 = edge_index.reshape(2, NW, NCH, CH)
    xw = jnp.pad(x, ((0, NP - N), (0, 0))).reshape(NPW, 2 * D)
    W2 = jnp.zeros((2 * D, WC), jnp.float32)
    W2 = W2.at[:D, :C].set(W.T).at[D:, C:].set(W.T)
    ones_ch = jnp.ones((CH,), jnp.float32)
    zer1 = jnp.zeros((NP,), jnp.float32)

    dp0, dp1 = _deg_call(e4, ones_ch, zer1)
    g0w, dis = _lin_call(xw, W2, dp0.reshape(NPW, 2), dp1.reshape(NPW, 2))
    zer_t = jnp.zeros((RPT, C), jnp.float32)
    p0, p1 = _hop_call(g0w.reshape(NP, C), e4, zer_t)
    g1w = _comb_call(p0.reshape(NPW, WC), p1.reshape(NPW, WC), g0w, dis)
    q0, q1 = _hop_call(g1w.reshape(NP, C), e4, zer_t)
    outw = _final_call(q0.reshape(NPW, WC), q1.reshape(NPW, WC),
                       g1w, dis, jnp.concatenate([b, b]).reshape(1, WC))
    return outw.reshape(N, C)

# --- scband reference (transcript-rebuilt; emitter-appended) ---
"""Pipeline reference for scband-sgc-4647154614446 (READ-ONLY COPY).

The authoritative reference and input builder live on the scoring server;
editing this copy changes nothing except your own understanding.
"""

import jax, jax.numpy as jnp
import numpy as np

N_NODES = 10000
N_EDGES = 320000
D_FEAT = 128
N_CLASSES = 64
K_HOPS = 2


def setup_inputs(seed: int = 0) -> dict:
    key = jax.random.key(seed)
    k1, k2, k3, k4 = jax.random.split(key, 4)
    x = jax.random.normal(k1, (N_NODES, D_FEAT), dtype=jnp.float32)
    edge_index = jax.random.randint(k2, (2, N_EDGES), 0, N_NODES, dtype=jnp.int32)
    # SGConv linear layer params (PyG Linear: out = x @ W.T + b)
    bound = 1.0 / np.sqrt(D_FEAT)
    W = jax.random.uniform(k3, (N_CLASSES, D_FEAT), dtype=jnp.float32, minval=-bound, maxval=bound)
    b = jax.random.uniform(k4, (N_CLASSES,), dtype=jnp.float32, minval=-bound, maxval=bound)
    return {"x": x, "edge_index": edge_index, "W": W, "b": b}


def reference(x, edge_index, W, b):
    # gcn_norm with added self-loops (fill value 1.0), symmetric normalization
    loop_idx = jnp.arange(N_NODES, dtype=edge_index.dtype)
    row = jnp.concatenate([edge_index[0], loop_idx])
    col = jnp.concatenate([edge_index[1], loop_idx])
    ew = jnp.ones(row.shape[0], dtype=jnp.float32)
    deg = jnp.zeros((N_NODES,), dtype=jnp.float32).at[col].add(ew)
    deg_inv_sqrt = jnp.where(deg > 0, 1.0 / jnp.sqrt(deg), 0.0)
    norm = deg_inv_sqrt[row] * ew * deg_inv_sqrt[col]
    # K=2 propagation steps: h <- A_hat @ h (aggregate messages at target=col)
    h = x
    for _ in range(K_HOPS):
        msg = h[row] * norm[:, None]
        h = jnp.zeros((N_NODES, h.shape[1]), dtype=h.dtype).at[col].add(msg)
    out = h @ W.T + b
    return jax.nn.log_softmax(out, axis=1)

if __name__ == "__main__":
    import jax
    _d = setup_inputs()
    print(jax.jit(kernel)(*tuple(_d.values())))

</pallas_src>

<mosaic_0001>
#map = affine_map<(d0, d1) -> (0, 0)>
#map1 = affine_map<(d0, d1) -> (0, 0, 0, 0)>
module attributes {stable_mosaic.version = 14 : i64} {
  func.func @_hop_call(%arg0: i32, %arg1: i32, %arg2: memref<10240x64xf32, #tpu.memory_space<hbm>>, %arg3: memref<2x32x80x125xi32, #tpu.memory_space<hbm>>, %arg4: memref<640x64xf32, #tpu.memory_space<hbm>>, %arg5: memref<10240x64xf32, #tpu.memory_space<hbm>>, %arg6: memref<10240x64xf32, #tpu.memory_space<hbm>>, %arg7: memref<80x125xi32, #tpu.memory_space<vmem>>, %arg8: memref<80x125xi32, #tpu.memory_space<vmem>>, %arg9: memref<125x64xf32, #tpu.memory_space<vmem>>, %arg10: memref<125x64xf32, #tpu.memory_space<vmem>>, %arg11: memref<125x64xf32, #tpu.memory_space<vmem>>, %arg12: memref<125x64xf32, #tpu.memory_space<vmem>>, %arg13: memref<125x64xf32, #tpu.memory_space<vmem>>, %arg14: memref<125x64xf32, #tpu.memory_space<vmem>>, %arg15: memref<125x64xf32, #tpu.memory_space<vmem>>, %arg16: memref<125x64xf32, #tpu.memory_space<vmem>>, %arg17: memref<10240x64xf32, #tpu.memory_space<vmem_shared>>, %arg18: memref<!tpu.dma_semaphore, #tpu.memory_space<semaphore_mem>>, %arg19: memref<!tpu.dma_semaphore, #tpu.memory_space<semaphore_mem>>, %arg20: memref<!tpu.dma_semaphore, #tpu.memory_space<semaphore_mem>>, %arg21: memref<!tpu.dma_semaphore, #tpu.memory_space<semaphore_mem>>, %arg22: memref<!tpu.dma_semaphore, #tpu.memory_space<semaphore_mem>>, %arg23: memref<!tpu.dma_semaphore, #tpu.memory_space<semaphore_mem>>, %arg24: memref<!tpu.dma_semaphore, #tpu.memory_space<semaphore_mem>>, %arg25: memref<!tpu.dma_semaphore, #tpu.memory_space<semaphore_mem>>, %arg26: memref<!tpu.dma_semaphore, #tpu.memory_space<semaphore_mem>>, %arg27: memref<!tpu.dma_semaphore, #tpu.memory_space<semaphore_mem>>, %arg28: memref<!tpu.dma_semaphore, #tpu.memory_space<semaphore_mem>>, %arg29: memref<!tpu.dma_semaphore, #tpu.memory_space<semaphore_mem>>, %arg30: memref<!tpu.dma_semaphore, #tpu.memory_space<semaphore_mem>>, %arg31: memref<!tpu.dma_semaphore, #tpu.memory_space<semaphore_mem>>, %arg32: memref<!tpu.dma_semaphore, #tpu.memory_space<semaphore_mem>>, %arg33: memref<!tpu.dma_semaphore, #tpu.memory_space<semaphore_mem>>) attributes {dimension_semantics = [#tpu.dimension_semantics<core_parallel>, #tpu.dimension_semantics<subcore_parallel>], iteration_bounds = array<i64: 2, 16>, scalar_prefetch = 0 : i64, scratch_operands = 27 : i64, tpu.core_type = #tpu.core_type<sc_vector_subcore>, window_params = [{transform_indices = #map}, {transform_indices = #map1}, {transform_indices = #map}, {transform_indices = #map}, {transform_indices = #map}]} {
    %mul3A = arith.constant 16 : i32
    %mul3A_0 = arith.muli %arg0, %mul3A : i32
    %add3A = arith.addi %mul3A_0, %arg1 : i32
    %mul3A_1 = arith.constant 640 : i32
    %mul3A_2 = arith.muli %arg1, %mul3A_1 : i32
    "tpu.region"() ({
      %run_scoped3A_127 = tpu.sem_alloc : memref<!tpu.dma_semaphore, #tpu.memory_space<semaphore_mem>>
      %dma_start3A_128 = arith.constant 0 : i32
      %dma_start3A_129 = tpu.memref_slice %arg17[%mul3A_2, %dma_start3A_128] : memref<10240x64xf32, #tpu.memory_space<vmem_shared>> -> memref<640x64xf32, #tpu.memory_space<vmem_shared>>
      tpu.enqueue_dma source(%arg4 : memref<640x64xf32, #tpu.memory_space<hbm>>) target(%dma_start3A_129 : memref<640x64xf32, #tpu.memory_space<vmem_shared>>) target_semaphore(%run_scoped3A_127 : memref<!tpu.dma_semaphore, #tpu.memory_space<semaphore_mem>>)
      %dma_wait3A_130 = arith.constant 0 : i32
      %dma_wait3A_131 = tpu.memref_slice %arg17[%mul3A_2, %dma_wait3A_130] : memref<10240x64xf32, #tpu.memory_space<vmem_shared>> -> memref<640x64xf32, #tpu.memory_space<vmem_shared>>
      tpu.wait_dma2 semaphore(%run_scoped3A_127 : memref<!tpu.dma_semaphore, #tpu.memory_space<semaphore_mem>>) src(%arg4 : memref<640x64xf32, #tpu.memory_space<hbm>>) dst(%dma_wait3A_131 : memref<640x64xf32, #tpu.memory_space<vmem_shared>>)
      tpu.yield
    }) : () -> ()
    %run_scoped3A = arith.constant 0 : i32
    "tpu.region"() ({
      %run_scoped3A_127 = tpu.sem_alloc : memref<!tpu.dma_semaphore, #tpu.memory_space<semaphore_mem>>
      %dma_start3A_128 = arith.constant 0 : i32
      %dma_start3A_129 = arith.constant 0 : i32
      %dma_start3A_130 = tpu.memref_slice %arg3[%run_scoped3A, %add3A, %dma_start3A_128, %dma_start3A_129] : memref<2x32x80x125xi32, #tpu.memory_space<hbm>> -> memref<1x1x80x125xi32, #tpu.memory_space<hbm>>
      %dma_start3A_131 = tpu.memref_squeeze %dma_start3A_130 : memref<1x1x80x125xi32, #tpu.memory_space<hbm>> -> memref<80x125xi32, #tpu.memory_space<hbm>>
      %dma_start3A_132 = arith.constant 0 : i32
      %dma_start3A_133 = arith.constant 0 : i32
      %dma_start3A_134 = tpu.memref_slice %arg3[%run_scoped3A, %add3A, %dma_start3A_132, %dma_start3A_133] : memref<2x32x80x125xi32, #tpu.memory_space<hbm>> -> memref<1x1x80x125xi32, #tpu.memory_space<hbm>>
      %dma_start3A_135 = tpu.memref_squeeze %dma_start3A_134 : memref<1x1x80x125xi32, #tpu.memory_space<hbm>> -> memref<80x125xi32, #tpu.memory_space<hbm>>
      tpu.enqueue_dma source(%dma_start3A_135 : memref<80x125xi32, #tpu.memory_space<hbm>>) target(%arg7 : memref<80x125xi32, #tpu.memory_space<vmem>>) target_semaphore(%run_scoped3A_127 : memref<!tpu.dma_semaphore, #tpu.memory_space<semaphore_mem>>)
      %dma_wait3A_136 = arith.constant 0 : i32
      %dma_wait3A_137 = arith.constant 0 : i32
      %dma_wait3A_138 = tpu.memref_slice %arg3[%run_scoped3A, %add3A, %dma_wait3A_136, %dma_wait3A_137] : memref<2x32x80x125xi32, #tpu.memory_space<hbm>> -> memref<1x1x80x125xi32, #tpu.memory_space<hbm>>
      %dma_wait3A_139 = tpu.memref_squeeze %dma_wait3A_138 : memref<1x1x80x125xi32, #tpu.memory_space<hbm>> -> memref<80x125xi32, #tpu.memory_space<hbm>>
      %dma_wait3A_140 = arith.constant 0 : i32
      %dma_wait3A_141 = arith.constant 0 : i32
      %dma_wait3A_142 = tpu.memref_slice %arg3[%run_scoped3A, %add3A, %dma_wait3A_140, %dma_wait3A_141] : memref<2x32x80x125xi32, #tpu.memory_space<hbm>> -> memref<1x1x80x125xi32, #tpu.memory_space<hbm>>
      %dma_wait3A_143 = tpu.memref_squeeze %dma_wait3A_142 : memref<1x1x80x125xi32, #tpu.memory_space<hbm>> -> memref<80x125xi32, #tpu.memory_space<hbm>>
      tpu.wait_dma2 semaphore(%run_scoped3A_127 : memref<!tpu.dma_semaphore, #tpu.memory_space<semaphore_mem>>) src(%dma_wait3A_143 : memref<80x125xi32, #tpu.memory_space<hbm>>) dst(%arg7 : memref<80x125xi32, #tpu.memory_space<vmem>>)
      tpu.yield
    }) : () -> ()
    %run_scoped3A_3 = arith.constant 1 : i32
    "tpu.region"() ({
      %run_scoped3A_127 = tpu.sem_alloc : memref<!tpu.dma_semaphore, #tpu.memory_space<semaphore_mem>>
      %dma_start3A_128 = arith.constant 0 : i32
      %dma_start3A_129 = arith.constant 0 : i32
      %dma_start3A_130 = tpu.memref_slice %arg3[%run_scoped3A_3, %add3A, %dma_start3A_128, %dma_start3A_129] : memref<2x32x80x125xi32, #tpu.memory_space<hbm>> -> memref<1x1x80x125xi32, #tpu.memory_space<hbm>>
      %dma_start3A_131 = tpu.memref_squeeze %dma_start3A_130 : memref<1x1x80x125xi32, #tpu.memory_space<hbm>> -> memref<80x125xi32, #tpu.memory_space<hbm>>
      %dma_start3A_132 = arith.constant 0 : i32
      %dma_start3A_133 = arith.constant 0 : i32
      %dma_start3A_134 = tpu.memref_slice %arg3[%run_scoped3A_3, %add3A, %dma_start3A_132, %dma_start3A_133] : memref<2x32x80x125xi32, #tpu.memory_space<hbm>> -> memref<1x1x80x125xi32, #tpu.memory_space<hbm>>
      %dma_start3A_135 = tpu.memref_squeeze %dma_start3A_134 : memref<1x1x80x125xi32, #tpu.memory_space<hbm>> -> memref<80x125xi32, #tpu.memory_space<hbm>>
      tpu.enqueue_dma source(%dma_start3A_135 : memref<80x125xi32, #tpu.memory_space<hbm>>) target(%arg8 : memref<80x125xi32, #tpu.memory_space<vmem>>) target_semaphore(%run_scoped3A_127 : memref<!tpu.dma_semaphore, #tpu.memory_space<semaphore_mem>>)
      %dma_wait3A_136 = arith.constant 0 : i32
      %dma_wait3A_137 = arith.constant 0 : i32
      %dma_wait3A_138 = tpu.memref_slice %arg3[%run_scoped3A_3, %add3A, %dma_wait3A_136, %dma_wait3A_137] : memref<2x32x80x125xi32, #tpu.memory_space<hbm>> -> memref<1x1x80x125xi32, #tpu.memory_space<hbm>>
      %dma_wait3A_139 = tpu.memref_squeeze %dma_wait3A_138 : memref<1x1x80x125xi32, #tpu.memory_space<hbm>> -> memref<80x125xi32, #tpu.memory_space<hbm>>
      %dma_wait3A_140 = arith.constant 0 : i32
      %dma_wait3A_141 = arith.constant 0 : i32
      %dma_wait3A_142 = tpu.memref_slice %arg3[%run_scoped3A_3, %add3A, %dma_wait3A_140, %dma_wait3A_141] : memref<2x32x80x125xi32, #tpu.memory_space<hbm>> -> memref<1x1x80x125xi32, #tpu.memory_space<hbm>>
      %dma_wait3A_143 = tpu.memref_squeeze %dma_wait3A_142 : memref<1x1x80x125xi32, #tpu.memory_space<hbm>> -> memref<80x125xi32, #tpu.memory_space<hbm>>
      tpu.wait_dma2 semaphore(%run_scoped3A_127 : memref<!tpu.dma_semaphore, #tpu.memory_space<semaphore_mem>>) src(%dma_wait3A_143 : memref<80x125xi32, #tpu.memory_space<hbm>>) dst(%arg8 : memref<80x125xi32, #tpu.memory_space<vmem>>)
      tpu.yield
    }) : () -> ()
    %barrier3A = arith.constant 0 : index
    tpu.barrier barrier_id(%barrier3A)
    %dma_start3A = arith.constant 0 : i32
    %dma_start3A_4 = arith.constant 0 : i32
    %dma_start3A_5 = tpu.memref_slice %arg7[%dma_start3A, %dma_start3A_4] : memref<80x125xi32, #tpu.memory_space<vmem>> -> memref<1x125xi32, #tpu.memory_space<vmem>>
    %dma_start3A_6 = tpu.memref_squeeze %dma_start3A_5 : memref<1x125xi32, #tpu.memory_space<vmem>> -> memref<125xi32, #tpu.memory_space<vmem>>
    %dma_start3A_7 = arith.constant 0 : i32
    %dma_start3A_8 = arith.constant 0 : i32
    %dma_start3A_9 = tpu.memref_slice %arg2[%dma_start3A_7, %dma_start3A_8] : memref<10240x64xf32, #tpu.memory_space<hbm>> -> memref<10240x64xf32, #tpu.memory_space<hbm>>
    tpu.enqueue_indirect_dma source(%dma_start3A_9 : memref<10240x64xf32, #tpu.memory_space<hbm>>) target(%arg9 : memref<125x64xf32, #tpu.memory_space<vmem>>) offsets(%dma_start3A_6 : memref<125xi32, #tpu.memory_space<vmem>>) semaphore(%arg18 : memref<!tpu.dma_semaphore, #tpu.memory_space<semaphore_mem>>)
    %dma_start3A_10 = arith.constant 1 : i32
    %dma_start3A_11 = arith.constant 0 : i32
    %dma_start3A_12 = tpu.memref_slice %arg7[%dma_start3A_10, %dma_start3A_11] : memref<80x125xi32, #tpu.memory_space<vmem>> -> memref<1x125xi32, #tpu.memory_space<vmem>>
    %dma_start3A_13 = tpu.memref_squeeze %dma_start3A_12 : memref<1x125xi32, #tpu.memory_space<vmem>> -> memref<125xi32, #tpu.memory_space<vmem>>
    %dma_start3A_14 = arith.constant 0 : i32
    %dma_start3A_15 = arith.constant 0 : i32
    %dma_start3A_16 = tpu.memref_slice %arg2[%dma_start3A_14, %dma_start3A_15] : memref<10240x64xf32, #tpu.memory_space<hbm>> -> memref<10240x64xf32, #tpu.memory_space<hbm>>
    tpu.enqueue_indirect_dma source(%dma_start3A_16 : memref<10240x64xf32, #tpu.memory_space<hbm>>) target(%arg10 : memref<125x64xf32, #tpu.memory_space<vmem>>) offsets(%dma_start3A_13 : memref<125xi32, #tpu.memory_space<vmem>>) semaphore(%arg19 : memref<!tpu.dma_semaphore, #tpu.memory_space<semaphore_mem>>)
    %dma_start3A_17 = arith.constant 2 : i32
    %dma_start3A_18 = arith.constant 0 : i32
    %dma_start3A_19 = tpu.memref_slice %arg7[%dma_start3A_17, %dma_start3A_18] : memref<80x125xi32, #tpu.memory_space<vmem>> -> memref<1x125xi32, #tpu.memory_space<vmem>>
    %dma_start3A_20 = tpu.memref_squeeze %dma_start3A_19 : memref<1x125xi32, #tpu.memory_space<vmem>> -> memref<125xi32, #tpu.memory_space<vmem>>
    %dma_start3A_21 = arith.constant 0 : i32
    %dma_start3A_22 = arith.constant 0 : i32
    %dma_start3A_23 = tpu.memref_slice %arg2[%dma_start3A_21, %dma_start3A_22] : memref<10240x64xf32, #tpu.memory_space<hbm>> -> memref<10240x64xf32, #tpu.memory_space<hbm>>
    tpu.enqueue_indirect_dma source(%dma_start3A_23 : memref<10240x64xf32, #tpu.memory_space<hbm>>) target(%arg11 : memref<125x64xf32, #tpu.memory_space<vmem>>) offsets(%dma_start3A_20 : memref<125xi32, #tpu.memory_space<vmem>>) semaphore(%arg20 : memref<!tpu.dma_semaphore, #tpu.memory_space<semaphore_mem>>)
    %dma_start3A_24 = arith.constant 3 : i32
    %dma_start3A_25 = arith.constant 0 : i32
    %dma_start3A_26 = tpu.memref_slice %arg7[%dma_start3A_24, %dma_start3A_25] : memref<80x125xi32, #tpu.memory_space<vmem>> -> memref<1x125xi32, #tpu.memory_space<vmem>>
    %dma_start3A_27 = tpu.memref_squeeze %dma_start3A_26 : memref<1x125xi32, #tpu.memory_space<vmem>> -> memref<125xi32, #tpu.memory_space<vmem>>
    %dma_start3A_28 = arith.constant 0 : i32
    %dma_start3A_29 = arith.constant 0 : i32
    %dma_start3A_30 = tpu.memref_slice %arg2[%dma_start3A_28, %dma_start3A_29] : memref<10240x64xf32, #tpu.memory_space<hbm>> -> memref<10240x64xf32, #tpu.memory_space<hbm>>
    tpu.enqueue_indirect_dma source(%dma_start3A_30 : memref<10240x64xf32, #tpu.memory_space<hbm>>) target(%arg12 : memref<125x64xf32, #tpu.memory_space<vmem>>) offsets(%dma_start3A_27 : memref<125xi32, #tpu.memory_space<vmem>>) semaphore(%arg21 : memref<!tpu.dma_semaphore, #tpu.memory_space<semaphore_mem>>)
    %dma_start3A_31 = arith.constant 4 : i32
    %dma_start3A_32 = arith.constant 0 : i32
    %dma_start3A_33 = tpu.memref_slice %arg7[%dma_start3A_31, %dma_start3A_32] : memref<80x125xi32, #tpu.memory_space<vmem>> -> memref<1x125xi32, #tpu.memory_space<vmem>>
    %dma_start3A_34 = tpu.memref_squeeze %dma_start3A_33 : memref<1x125xi32, #tpu.memory_space<vmem>> -> memref<125xi32, #tpu.memory_space<vmem>>
    %dma_start3A_35 = arith.constant 0 : i32
    %dma_start3A_36 = arith.constant 0 : i32
    %dma_start3A_37 = tpu.memref_slice %arg2[%dma_start3A_35, %dma_start3A_36] : memref<10240x64xf32, #tpu.memory_space<hbm>> -> memref<10240x64xf32, #tpu.memory_space<hbm>>
    tpu.enqueue_indirect_dma source(%dma_start3A_37 : memref<10240x64xf32, #tpu.memory_space<hbm>>) target(%arg13 : memref<125x64xf32, #tpu.memory_space<vmem>>) offsets(%dma_start3A_34 : memref<125xi32, #tpu.memory_space<vmem>>) semaphore(%arg22 : memref<!tpu.dma_semaphore, #tpu.memory_space<semaphore_mem>>)
    %dma_start3A_38 = arith.constant 5 : i32
    %dma_start3A_39 = arith.constant 0 : i32
    %dma_start3A_40 = tpu.memref_slice %arg7[%dma_start3A_38, %dma_start3A_39] : memref<80x125xi32, #tpu.memory_space<vmem>> -> memref<1x125xi32, #tpu.memory_space<vmem>>
    %dma_start3A_41 = tpu.memref_squeeze %dma_start3A_40 : memref<1x125xi32, #tpu.memory_space<vmem>> -> memref<125xi32, #tpu.memory_space<vmem>>
    %dma_start3A_42 = arith.constant 0 : i32
    %dma_start3A_43 = arith.constant 0 : i32
    %dma_start3A_44 = tpu.memref_slice %arg2[%dma_start3A_42, %dma_start3A_43] : memref<10240x64xf32, #tpu.memory_space<hbm>> -> memref<10240x64xf32, #tpu.memory_space<hbm>>
    tpu.enqueue_indirect_dma source(%dma_start3A_44 : memref<10240x64xf32, #tpu.memory_space<hbm>>) target(%arg14 : memref<125x64xf32, #tpu.memory_space<vmem>>) offsets(%dma_start3A_41 : memref<125xi32, #tpu.memory_space<vmem>>) semaphore(%arg23 : memref<!tpu.dma_semaphore, #tpu.memory_space<semaphore_mem>>)
    %dma_start3A_45 = arith.constant 6 : i32
    %dma_start3A_46 = arith.constant 0 : i32
    %dma_start3A_47 = tpu.memref_slice %arg7[%dma_start3A_45, %dma_start3A_46] : memref<80x125xi32, #tpu.memory_space<vmem>> -> memref<1x125xi32, #tpu.memory_space<vmem>>
    %dma_start3A_48 = tpu.memref_squeeze %dma_start3A_47 : memref<1x125xi32, #tpu.memory_space<vmem>> -> memref<125xi32, #tpu.memory_space<vmem>>
    %dma_start3A_49 = arith.constant 0 : i32
    %dma_start3A_50 = arith.constant 0 : i32
    %dma_start3A_51 = tpu.memref_slice %arg2[%dma_start3A_49, %dma_start3A_50] : memref<10240x64xf32, #tpu.memory_space<hbm>> -> memref<10240x64xf32, #tpu.memory_space<hbm>>
    tpu.enqueue_indirect_dma source(%dma_start3A_51 : memref<10240x64xf32, #tpu.memory_space<hbm>>) target(%arg15 : memref<125x64xf32, #tpu.memory_space<vmem>>) offsets(%dma_start3A_48 : memref<125xi32, #tpu.memory_space<vmem>>) semaphore(%arg24 : memref<!tpu.dma_semaphore, #tpu.memory_space<semaphore_mem>>)
    %dma_start3A_52 = arith.constant 7 : i32
    %dma_start3A_53 = arith.constant 0 : i32
    %dma_start3A_54 = tpu.memref_slice %arg7[%dma_start3A_52, %dma_start3A_53] : memref<80x125xi32, #tpu.memory_space<vmem>> -> memref<1x125xi32, #tpu.memory_space<vmem>>
    %dma_start3A_55 = tpu.memref_squeeze %dma_start3A_54 : memref<1x125xi32, #tpu.memory_space<vmem>> -> memref<125xi32, #tpu.memory_space<vmem>>
    %dma_start3A_56 = arith.constant 0 : i32
    %dma_start3A_57 = arith.constant 0 : i32
    %dma_start3A_58 = tpu.memref_slice %arg2[%dma_start3A_56, %dma_start3A_57] : memref<10240x64xf32, #tpu.memory_space<hbm>> -> memref<10240x64xf32, #tpu.memory_space<hbm>>
    tpu.enqueue_indirect_dma source(%dma_start3A_58 : memref<10240x64xf32, #tpu.memory_space<hbm>>) target(%arg16 : memref<125x64xf32, #tpu.memory_space<vmem>>) offsets(%dma_start3A_55 : memref<125xi32, #tpu.memory_space<vmem>>) semaphore(%arg25 : memref<!tpu.dma_semaphore, #tpu.memory_space<semaphore_mem>>)
    %scan3A = arith.constant 0 : i32
    %scan3A_59 = arith.constant 0 : i32
    %scan3A_60 = arith.constant 10 : i32
    %scan3A_61 = arith.addi %scan3A_59, %scan3A_60 : i32
    %scan3A_62 = arith.constant 1 : i32
    scf.for %scan3A_127 = %scan3A_59 to %scan3A_61 step %scan3A_62  : i32 {
      %mul3A_128 = arith.constant 8 : i32
      %mul3A_129 = arith.muli %scan3A_127, %mul3A_128 : i32
      %add3A_130 = arith.constant 0 : i32
      %add3A_131 = arith.addi %mul3A_129, %add3A_130 : i32
      %dma_wait3A_132 = arith.constant 0 : i32
      %dma_wait3A_133 = tpu.memref_slice %arg7[%add3A_131, %dma_wait3A_132] : memref<80x125xi32, #tpu.memory_space<vmem>> -> memref<1x125xi32, #tpu.memory_space<vmem>>
      %dma_wait3A_134 = tpu.memref_squeeze %dma_wait3A_133 : memref<1x125xi32, #tpu.memory_space<vmem>> -> memref<125xi32, #tpu.memory_space<vmem>>
      %dma_wait3A_135 = arith.constant 0 : i32
      %dma_wait3A_136 = arith.constant 0 : i32
      %dma_wait3A_137 = tpu.memref_slice %arg2[%dma_wait3A_135, %dma_wait3A_136] : memref<10240x64xf32, #tpu.memory_space<hbm>> -> memref<10240x64xf32, #tpu.memory_space<hbm>>
      tpu.wait_indirect_dma semaphore(%arg18 : memref<!tpu.dma_semaphore, #tpu.memory_space<semaphore_mem>>) src(%dma_wait3A_137 : memref<10240x64xf32, #tpu.memory_space<hbm>>) dst(%arg9 : memref<125x64xf32, #tpu.memory_space<vmem>>)
      %dma_start3A_138 = arith.constant 0 : i32
      %dma_start3A_139 = tpu.memref_slice %arg8[%add3A_131, %dma_start3A_138] : memref<80x125xi32, #tpu.memory_space<vmem>> -> memref<1x125xi32, #tpu.memory_space<vmem>>
      %dma_start3A_140 = tpu.memref_squeeze %dma_start3A_139 : memref<1x125xi32, #tpu.memory_space<vmem>> -> memref<125xi32, #tpu.memory_space<vmem>>
      %dma_start3A_141 = arith.constant 0 : i32
      %dma_start3A_142 = arith.constant 0 : i32
      %dma_start3A_143 = tpu.memref_slice %arg17[%dma_start3A_141, %dma_start3A_142] : memref<10240x64xf32, #tpu.memory_space<vmem_shared>> -> memref<10240x64xf32, #tpu.memory_space<vmem_shared>>
      tpu.enqueue_indirect_dma source(%arg9 : memref<125x64xf32, #tpu.memory_space<vmem>>) target(%dma_start3A_143 : memref<10240x64xf32, #tpu.memory_space<vmem_shared>>) offsets(%dma_start3A_140 : memref<125xi32, #tpu.memory_space<vmem>>) semaphore(%arg26 : memref<!tpu.dma_semaphore, #tpu.memory_space<semaphore_mem>>) {add = true}
      %mul3A_144 = arith.constant 8 : i32
      %mul3A_145 = arith.muli %scan3A_127, %mul3A_144 : i32
      %add3A_146 = arith.constant 1 : i32
      %add3A_147 = arith.addi %mul3A_145, %add3A_146 : i32
      %dma_wait3A_148 = arith.constant 0 : i32
      %dma_wait3A_149 = tpu.memref_slice %arg7[%add3A_147, %dma_wait3A_148] : memref<80x125xi32, #tpu.memory_space<vmem>> -> memref<1x125xi32, #tpu.memory_space<vmem>>
      %dma_wait3A_150 = tpu.memref_squeeze %dma_wait3A_149 : memref<1x125xi32, #tpu.memory_space<vmem>> -> memref<125xi32, #tpu.memory_space<vmem>>
      %dma_wait3A_151 = arith.constant 0 : i32
      %dma_wait3A_152 = arith.constant 0 : i32
      %dma_wait3A_153 = tpu.memref_slice %arg2[%dma_wait3A_151, %dma_wait3A_152] : memref<10240x64xf32, #tpu.memory_space<hbm>> -> memref<10240x64xf32, #tpu.memory_space<hbm>>
      tpu.wait_indirect_dma semaphore(%arg19 : memref<!tpu.dma_semaphore, #tpu.memory_space<semaphore_mem>>) src(%dma_wait3A_153 : memref<10240x64xf32, #tpu.memory_space<hbm>>) dst(%arg10 : memref<125x64xf32, #tpu.memory_space<vmem>>)
      %dma_start3A_154 = arith.constant 0 : i32
      %dma_start3A_155 = tpu.memref_slice %arg8[%add3A_147, %dma_start3A_154] : memref<80x125xi32, #tpu.memory_space<vmem>> -> memref<1x125xi32, #tpu.memory_space<vmem>>
      %dma_start3A_156 = tpu.memref_squeeze %dma_start3A_155 : memref<1x125xi32, #tpu.memory_space<vmem>> -> memref<125xi32, #tpu.memory_space<vmem>>
      %dma_start3A_157 = arith.constant 0 : i32
      %dma_start3A_158 = arith.constant 0 : i32
      %dma_start3A_159 = tpu.memref_slice %arg17[%dma_start3A_157, %dma_start3A_158] : memref<10240x64xf32, #tpu.memory_space<vmem_shared>> -> memref<10240x64xf32, #tpu.memory_space<vmem_shared>>
      tpu.enqueue_indirect_dma source(%arg10 : memref<125x64xf32, #tpu.memory_space<vmem>>) target(%dma_start3A_159 : memref<10240x64xf32, #tpu.memory_space<vmem_shared>>) offsets(%dma_start3A_156 : memref<125xi32, #tpu.memory_space<vmem>>) semaphore(%arg27 : memref<!tpu.dma_semaphore, #tpu.memory_space<semaphore_mem>>) {add = true}
      %mul3A_160 = arith.constant 8 : i32
      %mul3A_161 = arith.muli %scan3A_127, %mul3A_160 : i32
      %add3A_162 = arith.constant 2 : i32
      %add3A_163 = arith.addi %mul3A_161, %add3A_162 : i32
      %dma_wait3A_164 = arith.constant 0 : i32
      %dma_wait3A_165 = tpu.memref_slice %arg7[%add3A_163, %dma_wait3A_164] : memref<80x125xi32, #tpu.memory_space<vmem>> -> memref<1x125xi32, #tpu.memory_space<vmem>>
      %dma_wait3A_166 = tpu.memref_squeeze %dma_wait3A_165 : memref<1x125xi32, #tpu.memory_space<vmem>> -> memref<125xi32, #tpu.memory_space<vmem>>
      %dma_wait3A_167 = arith.constant 0 : i32
      %dma_wait3A_168 = arith.constant 0 : i32
      %dma_wait3A_169 = tpu.memref_slice %arg2[%dma_wait3A_167, %dma_wait3A_168] : memref<10240x64xf32, #tpu.memory_space<hbm>> -> memref<10240x64xf32, #tpu.memory_space<hbm>>
      tpu.wait_indirect_dma semaphore(%arg20 : memref<!tpu.dma_semaphore, #tpu.memory_space<semaphore_mem>>) src(%dma_wait3A_169 : memref<10240x64xf32, #tpu.memory_space<hbm>>) dst(%arg11 : memref<125x64xf32, #tpu.memory_space<vmem>>)
      %dma_start3A_170 = arith.constant 0 : i32
      %dma_start3A_171 = tpu.memref_slice %arg8[%add3A_163, %dma_start3A_170] : memref<80x125xi32, #tpu.memory_space<vmem>> -> memref<1x125xi32, #tpu.memory_space<vmem>>
      %dma_start3A_172 = tpu.memref_squeeze %dma_start3A_171 : memref<1x125xi32, #tpu.memory_space<vmem>> -> memref<125xi32, #tpu.memory_space<vmem>>
      %dma_start3A_173 = arith.constant 0 : i32
      %dma_start3A_174 = arith.constant 0 : i32
      %dma_start3A_175 = tpu.memref_slice %arg17[%dma_start3A_173, %dma_start3A_174] : memref<10240x64xf32, #tpu.memory_space<vmem_shared>> -> memref<10240x64xf32, #tpu.memory_space<vmem_shared>>
      tpu.enqueue_indirect_dma source(%arg11 : memref<125x64xf32, #tpu.memory_space<vmem>>) target(%dma_start3A_175 : memref<10240x64xf32, #tpu.memory_space<vmem_shared>>) offsets(%dma_start3A_172 : memref<125xi32, #tpu.memory_space<vmem>>) semaphore(%arg28 : memref<!tpu.dma_semaphore, #tpu.memory_space<semaphore_mem>>) {add = true}
      %mul3A_176 = arith.constant 8 : i32
      %mul3A_177 = arith.muli %scan3A_127, %mul3A_176 : i32
      %add3A_178 = arith.constant 3 : i32
      %add3A_179 = arith.addi %mul3A_177, %add3A_178 : i32
      %dma_wait3A_180 = arith.constant 0 : i32
      %dma_wait3A_181 = tpu.memref_slice %arg7[%add3A_179, %dma_wait3A_180] : memref<80x125xi32, #tpu.memory_space<vmem>> -> memref<1x125xi32, #tpu.memory_space<vmem>>
      %dma_wait3A_182 = tpu.memref_squeeze %dma_wait3A_181 : memref<1x125xi32, #tpu.memory_space<vmem>> -> memref<125xi32, #tpu.memory_space<vmem>>
      %dma_wait3A_183 = arith.constant 0 : i32
      %dma_wait3A_184 = arith.constant 0 : i32
      %dma_wait3A_185 = tpu.memref_slice %arg2[%dma_wait3A_183, %dma_wait3A_184] : memref<10240x64xf32, #tpu.memory_space<hbm>> -> memref<10240x64xf32, #tpu.memory_space<hbm>>
      tpu.wait_indirect_dma semaphore(%arg21 : memref<!tpu.dma_semaphore, #tpu.memory_space<semaphore_mem>>) src(%dma_wait3A_185 : memref<10240x64xf32, #tpu.memory_space<hbm>>) dst(%arg12 : memref<125x64xf32, #tpu.memory_space<vmem>>)
      %dma_start3A_186 = arith.constant 0 : i32
      %dma_start3A_187 = tpu.memref_slice %arg8[%add3A_179, %dma_start3A_186] : memref<80x125xi32, #tpu.memory_space<vmem>> -> memref<1x125xi32, #tpu.memory_space<vmem>>
      %dma_start3A_188 = tpu.memref_squeeze %dma_start3A_187 : memref<1x125xi32, #tpu.memory_space<vmem>> -> memref<125xi32, #tpu.memory_space<vmem>>
      %dma_start3A_189 = arith.constant 0 : i32
      %dma_start3A_190 = arith.constant 0 : i32
      %dma_start3A_191 = tpu.memref_slice %arg17[%dma_start3A_189, %dma_start3A_190] : memref<10240x64xf32, #tpu.memory_space<vmem_shared>> -> memref<10240x64xf32, #tpu.memory_space<vmem_shared>>
      tpu.enqueue_indirect_dma source(%arg12 : memref<125x64xf32, #tpu.memory_space<vmem>>) target(%dma_start3A_191 : memref<10240x64xf32, #tpu.memory_space<vmem_shared>>) offsets(%dma_start3A_188 : memref<125xi32, #tpu.memory_space<vmem>>) semaphore(%arg29 : memref<!tpu.dma_semaphore, #tpu.memory_space<semaphore_mem>>) {add = true}
      %mul3A_192 = arith.constant 8 : i32
      %mul3A_193 = arith.muli %scan3A_127, %mul3A_192 : i32
      %add3A_194 = arith.constant 4 : i32
      %add3A_195 = arith.addi %mul3A_193, %add3A_194 : i32
      %dma_wait3A_196 = arith.constant 0 : i32
      %dma_wait3A_197 = tpu.memref_slice %arg7[%add3A_195, %dma_wait3A_196] : memref<80x125xi32, #tpu.memory_space<vmem>> -> memref<1x125xi32, #tpu.memory_space<vmem>>
      %dma_wait3A_198 = tpu.memref_squeeze %dma_wait3A_197 : memref<1x125xi32, #tpu.memory_space<vmem>> -> memref<125xi32, #tpu.memory_space<vmem>>
      %dma_wait3A_199 = arith.constant 0 : i32
      %dma_wait3A_200 = arith.constant 0 : i32
      %dma_wait3A_201 = tpu.memref_slice %arg2[%dma_wait3A_199, %dma_wait3A_200] : memref<10240x64xf32, #tpu.memory_space<hbm>> -> memref<10240x64xf32, #tpu.memory_space<hbm>>
      tpu.wait_indirect_dma semaphore(%arg22 : memref<!tpu.dma_semaphore, #tpu.memory_space<semaphore_mem>>) src(%dma_wait3A_201 : memref<10240x64xf32, #tpu.memory_space<hbm>>) dst(%arg13 : memref<125x64xf32, #tpu.memory_space<vmem>>)
      %dma_start3A_202 = arith.constant 0 : i32
      %dma_start3A_203 = tpu.memref_slice %arg8[%add3A_195, %dma_start3A_202] : memref<80x125xi32, #tpu.memory_space<vmem>> -> memref<1x125xi32, #tpu.memory_space<vmem>>
      %dma_start3A_204 = tpu.memref_squeeze %dma_start3A_203 : memref<1x125xi32, #tpu.memory_space<vmem>> -> memref<125xi32, #tpu.memory_space<vmem>>
      %dma_start3A_205 = arith.constant 0 : i32
      %dma_start3A_206 = arith.constant 0 : i32
      %dma_start3A_207 = tpu.memref_slice %arg17[%dma_start3A_205, %dma_start3A_206] : memref<10240x64xf32, #tpu.memory_space<vmem_shared>> -> memref<10240x64xf32, #tpu.memory_space<vmem_shared>>
      tpu.enqueue_indirect_dma source(%arg13 : memref<125x64xf32, #tpu.memory_space<vmem>>) target(%dma_start3A_207 : memref<10240x64xf32, #tpu.memory_space<vmem_shared>>) offsets(%dma_start3A_204 : memref<125xi32, #tpu.memory_space<vmem>>) semaphore(%arg30 : memref<!tpu.dma_semaphore, #tpu.memory_space<semaphore_mem>>) {add = true}
      %mul3A_208 = arith.constant 8 : i32
      %mul3A_209 = arith.muli %scan3A_127, %mul3A_208 : i32
      %add3A_210 = arith.constant 5 : i32
      %add3A_211 = arith.addi %mul3A_209, %add3A_210 : i32
      %dma_wait3A_212 = arith.constant 0 : i32
      %dma_wait3A_213 = tpu.memref_slice %arg7[%add3A_211, %dma_wait3A_212] : memref<80x125xi32, #tpu.memory_space<vmem>> -> memref<1x125xi32, #tpu.memory_space<vmem>>
      %dma_wait3A_214 = tpu.memref_squeeze %dma_wait3A_213 : memref<1x125xi32, #tpu.memory_space<vmem>> -> memref<125xi32, #tpu.memory_space<vmem>>
      %dma_wait3A_215 = arith.constant 0 : i32
      %dma_wait3A_216 = arith.constant 0 : i32
      %dma_wait3A_217 = tpu.memref_slice %arg2[%dma_wait3A_215, %dma_wait3A_216] : memref<10240x64xf32, #tpu.memory_space<hbm>> -> memref<10240x64xf32, #tpu.memory_space<hbm>>
      tpu.wait_indirect_dma semaphore(%arg23 : memref<!tpu.dma_semaphore, #tpu.memory_space<semaphore_mem>>) src(%dma_wait3A_217 : memref<10240x64xf32, #tpu.memory_space<hbm>>) dst(%arg14 : memref<125x64xf32, #tpu.memory_space<vmem>>)
      %dma_start3A_218 = arith.constant 0 : i32
      %dma_start3A_219 = tpu.memref_slice %arg8[%add3A_211, %dma_start3A_218] : memref<80x125xi32, #tpu.memory_space<vmem>> -> memref<1x125xi32, #tpu.memory_space<vmem>>
      %dma_start3A_220 = tpu.memref_squeeze %dma_start3A_219 : memref<1x125xi32, #tpu.memory_space<vmem>> -> memref<125xi32, #tpu.memory_space<vmem>>
      %dma_start3A_221 = arith.constant 0 : i32
      %dma_start3A_222 = arith.constant 0 : i32
      %dma_start3A_223 = tpu.memref_slice %arg17[%dma_start3A_221, %dma_start3A_222] : memref<10240x64xf32, #tpu.memory_space<vmem_shared>> -> memref<10240x64xf32, #tpu.memory_space<vmem_shared>>
      tpu.enqueue_indirect_dma source(%arg14 : memref<125x64xf32, #tpu.memory_space<vmem>>) target(%dma_start3A_223 : memref<10240x64xf32, #tpu.memory_space<vmem_shared>>) offsets(%dma_start3A_220 : memref<125xi32, #tpu.memory_space<vmem>>) semaphore(%arg31 : memref<!tpu.dma_semaphore, #tpu.memory_space<semaphore_mem>>) {add = true}
      %mul3A_224 = arith.constant 8 : i32
      %mul3A_225 = arith.muli %scan3A_127, %mul3A_224 : i32
      %add3A_226 = arith.constant 6 : i32
      %add3A_227 = arith.addi %mul3A_225, %add3A_226 : i32
      %dma_wait3A_228 = arith.constant 0 : i32
      %dma_wait3A_229 = tpu.memref_slice %arg7[%add3A_227, %dma_wait3A_228] : memref<80x125xi32, #tpu.memory_space<vmem>> -> memref<1x125xi32, #tpu.memory_space<vmem>>
      %dma_wait3A_230 = tpu.memref_squeeze %dma_wait3A_229 : memref<1x125xi32, #tpu.memory_space<vmem>> -> memref<125xi32, #tpu.memory_space<vmem>>
      %dma_wait3A_231 = arith.constant 0 : i32
      %dma_wait3A_232 = arith.constant 0 : i32
      %dma_wait3A_233 = tpu.memref_slice %arg2[%dma_wait3A_231, %dma_wait3A_232] : memref<10240x64xf32, #tpu.memory_space<hbm>> -> memref<10240x64xf32, #tpu.memory_space<hbm>>
      tpu.wait_indirect_dma semaphore(%arg24 : memref<!tpu.dma_semaphore, #tpu.memory_space<semaphore_mem>>) src(%dma_wait3A_233 : memref<10240x64xf32, #tpu.memory_space<hbm>>) dst(%arg15 : memref<125x64xf32, #tpu.memory_space<vmem>>)
      %dma_start3A_234 = arith.constant 0 : i32
      %dma_start3A_235 = tpu.memref_slice %arg8[%add3A_227, %dma_start3A_234] : memref<80x125xi32, #tpu.memory_space<vmem>> -> memref<1x125xi32, #tpu.memory_space<vmem>>
      %dma_start3A_236 = tpu.memref_squeeze %dma_start3A_235 : memref<1x125xi32, #tpu.memory_space<vmem>> -> memref<125xi32, #tpu.memory_space<vmem>>
      %dma_start3A_237 = arith.constant 0 : i32
      %dma_start3A_238 = arith.constant 0 : i32
      %dma_start3A_239 = tpu.memref_slice %arg17[%dma_start3A_237, %dma_start3A_238] : memref<10240x64xf32, #tpu.memory_space<vmem_shared>> -> memref<10240x64xf32, #tpu.memory_space<vmem_shared>>
      tpu.enqueue_indirect_dma source(%arg15 : memref<125x64xf32, #tpu.memory_space<vmem>>) target(%dma_start3A_239 : memref<10240x64xf32, #tpu.memory_space<vmem_shared>>) offsets(%dma_start3A_236 : memref<125xi32, #tpu.memory_space<vmem>>) semaphore(%arg32 : memref<!tpu.dma_semaphore, #tpu.memory_space<semaphore_mem>>) {add = true}
      %mul3A_240 = arith.constant 8 : i32
      %mul3A_241 = arith.muli %scan3A_127, %mul3A_240 : i32
      %add3A_242 = arith.constant 7 : i32
      %add3A_243 = arith.addi %mul3A_241, %add3A_242 : i32
      %dma_wait3A_244 = arith.constant 0 : i32
      %dma_wait3A_245 = tpu.memref_slice %arg7[%add3A_243, %dma_wait3A_244] : memref<80x125xi32, #tpu.memory_space<vmem>> -> memref<1x125xi32, #tpu.memory_space<vmem>>
      %dma_wait3A_246 = tpu.memref_squeeze %dma_wait3A_245 : memref<1x125xi32, #tpu.memory_space<vmem>> -> memref<125xi32, #tpu.memory_space<vmem>>
      %dma_wait3A_247 = arith.constant 0 : i32
      %dma_wait3A_248 = arith.constant 0 : i32
      %dma_wait3A_249 = tpu.memref_slice %arg2[%dma_wait3A_247, %dma_wait3A_248] : memref<10240x64xf32, #tpu.memory_space<hbm>> -> memref<10240x64xf32, #tpu.memory_space<hbm>>
      tpu.wait_indirect_dma semaphore(%arg25 : memref<!tpu.dma_semaphore, #tpu.memory_space<semaphore_mem>>) src(%dma_wait3A_249 : memref<10240x64xf32, #tpu.memory_space<hbm>>) dst(%arg16 : memref<125x64xf32, #tpu.memory_space<vmem>>)
      %dma_start3A_250 = arith.constant 0 : i32
      %dma_start3A_251 = tpu.memref_slice %arg8[%add3A_243, %dma_start3A_250] : memref<80x125xi32, #tpu.memory_space<vmem>> -> memref<1x125xi32, #tpu.memory_space<vmem>>
      %dma_start3A_252 = tpu.memref_squeeze %dma_start3A_251 : memref<1x125xi32, #tpu.memory_space<vmem>> -> memref<125xi32, #tpu.memory_space<vmem>>
      %dma_start3A_253 = arith.constant 0 : i32
      %dma_start3A_254 = arith.constant 0 : i32
      %dma_start3A_255 = tpu.memref_slice %arg17[%dma_start3A_253, %dma_start3A_254] : memref<10240x64xf32, #tpu.memory_space<vmem_shared>> -> memref<10240x64xf32, #tpu.memory_space<vmem_shared>>
      tpu.enqueue_indirect_dma source(%arg16 : memref<125x64xf32, #tpu.memory_space<vmem>>) target(%dma_start3A_255 : memref<10240x64xf32, #tpu.memory_space<vmem_shared>>) offsets(%dma_start3A_252 : memref<125xi32, #tpu.memory_space<vmem>>) semaphore(%arg33 : memref<!tpu.dma_semaphore, #tpu.memory_space<semaphore_mem>>) {add = true}
      %mul3A_256 = arith.constant 8 : i32
      %mul3A_257 = arith.muli %scan3A_127, %mul3A_256 : i32
      %add3A_258 = arith.constant 0 : i32
      %add3A_259 = arith.addi %mul3A_257, %add3A_258 : i32
      %add3A_260 = arith.constant 8 : i32
      %add3A_261 = arith.addi %add3A_259, %add3A_260 : i32
      %min3A = arith.constant 79 : i32
      %min3A_262 = arith.minsi %add3A_261, %min3A : i32
      %dma_wait3A_263 = arith.constant 0 : i32
      %dma_wait3A_264 = tpu.memref_slice %arg8[%add3A_259, %dma_wait3A_263] : memref<80x125xi32, #tpu.memory_space<vmem>> -> memref<1x125xi32, #tpu.memory_space<vmem>>
      %dma_wait3A_265 = tpu.memref_squeeze %dma_wait3A_264 : memref<1x125xi32, #tpu.memory_space<vmem>> -> memref<125xi32, #tpu.memory_space<vmem>>
      %dma_wait3A_266 = arith.constant 0 : i32
      %dma_wait3A_267 = arith.constant 0 : i32
      %dma_wait3A_268 = tpu.memref_slice %arg17[%dma_wait3A_266, %dma_wait3A_267] : memref<10240x64xf32, #tpu.memory_space<vmem_shared>> -> memref<10240x64xf32, #tpu.memory_space<vmem_shared>>
      tpu.wait_indirect_dma semaphore(%arg26 : memref<!tpu.dma_semaphore, #tpu.memory_space<semaphore_mem>>) src(%arg9 : memref<125x64xf32, #tpu.memory_space<vmem>>) dst(%dma_wait3A_268 : memref<10240x64xf32, #tpu.memory_space<vmem_shared>>)
      %dma_start3A_269 = arith.constant 0 : i32
      %dma_start3A_270 = tpu.memref_slice %arg7[%min3A_262, %dma_start3A_269] : memref<80x125xi32, #tpu.memory_space<vmem>> -> memref<1x125xi32, #tpu.memory_space<vmem>>
      %dma_start3A_271 = tpu.memref_squeeze %dma_start3A_270 : memref<1x125xi32, #tpu.memory_space<vmem>> -> memref<125xi32, #tpu.memory_space<vmem>>
      %dma_start3A_272 = arith.constant 0 : i32
      %dma_start3A_273 = arith.constant 0 : i32
      %dma_start3A_274 = tpu.memref_slice %arg2[%dma_start3A_272, %dma_start3A_273] : memref<10240x64xf32, #tpu.memory_space<hbm>> -> memref<10240x64xf32, #tpu.memory_space<hbm>>
      tpu.enqueue_indirect_dma source(%dma_start3A_274 : memref<10240x64xf32, #tpu.memory_space<hbm>>) target(%arg9 : memref<125x64xf32, #tpu.memory_space<vmem>>) offsets(%dma_start3A_271 : memref<125xi32, #tpu.memory_space<vmem>>) semaphore(%arg18 : memref<!tpu.dma_semaphore, #tpu.memory_space<semaphore_mem>>)
      %mul3A_275 = arith.constant 8 : i32
      %mul3A_276 = arith.muli %scan3A_127, %mul3A_275 : i32
      %add3A_277 = arith.constant 1 : i32
      %add3A_278 = arith.addi %mul3A_276, %add3A_277 : i32
      %add3A_279 = arith.constant 8 : i32
      %add3A_280 = arith.addi %add3A_278, %add3A_279 : i32
      %min3A_281 = arith.constant 79 : i32
      %min3A_282 = arith.minsi %add3A_280, %min3A_281 : i32
      %dma_wait3A_283 = arith.constant 0 : i32
      %dma_wait3A_284 = tpu.memref_slice %arg8[%add3A_278, %dma_wait3A_283] : memref<80x125xi32, #tpu.memory_space<vmem>> -> memref<1x125xi32, #tpu.memory_space<vmem>>
      %dma_wait3A_285 = tpu.memref_squeeze %dma_wait3A_284 : memref<1x125xi32, #tpu.memory_space<vmem>> -> memref<125xi32, #tpu.memory_space<vmem>>
      %dma_wait3A_286 = arith.constant 0 : i32
      %dma_wait3A_287 = arith.constant 0 : i32
      %dma_wait3A_288 = tpu.memref_slice %arg17[%dma_wait3A_286, %dma_wait3A_287] : memref<10240x64xf32, #tpu.memory_space<vmem_shared>> -> memref<10240x64xf32, #tpu.memory_space<vmem_shared>>
      tpu.wait_indirect_dma semaphore(%arg27 : memref<!tpu.dma_semaphore, #tpu.memory_space<semaphore_mem>>) src(%arg10 : memref<125x64xf32, #tpu.memory_space<vmem>>) dst(%dma_wait3A_288 : memref<10240x64xf32, #tpu.memory_space<vmem_shared>>)
      %dma_start3A_289 = arith.constant 0 : i32
      %dma_start3A_290 = tpu.memref_slice %arg7[%min3A_282, %dma_start3A_289] : memref<80x125xi32, #tpu.memory_space<vmem>> -> memref<1x125xi32, #tpu.memory_space<vmem>>
      %dma_start3A_291 = tpu.memref_squeeze %dma_start3A_290 : memref<1x125xi32, #tpu.memory_space<vmem>> -> memref<125xi32, #tpu.memory_space<vmem>>
      %dma_start3A_292 = arith.constant 0 : i32
      %dma_start3A_293 = arith.constant 0 : i32
      %dma_start3A_294 = tpu.memref_slice %arg2[%dma_start3A_292, %dma_start3A_293] : memref<10240x64xf32, #tpu.memory_space<hbm>> -> memref<10240x64xf32, #tpu.memory_space<hbm>>
      tpu.enqueue_indirect_dma source(%dma_start3A_294 : memref<10240x64xf32, #tpu.memory_space<hbm>>) target(%arg10 : memref<125x64xf32, #tpu.memory_space<vmem>>) offsets(%dma_start3A_291 : memref<125xi32, #tpu.memory_space<vmem>>) semaphore(%arg19 : memref<!tpu.dma_semaphore, #tpu.memory_space<semaphore_mem>>)
      %mul3A_295 = arith.constant 8 : i32
      %mul3A_296 = arith.muli %scan3A_127, %mul3A_295 : i32
      %add3A_297 = arith.constant 2 : i32
      %add3A_298 = arith.addi %mul3A_296, %add3A_297 : i32
      %add3A_299 = arith.constant 8 : i32
      %add3A_300 = arith.addi %add3A_298, %add3A_299 : i32
      %min3A_301 = arith.constant 79 : i32
      %min3A_302 = arith.minsi %add3A_300, %min3A_301 : i32
      %dma_wait3A_303 = arith.constant 0 : i32
      %dma_wait3A_304 = tpu.memref_slice %arg8[%add3A_298, %dma_wait3A_303] : memref<80x125xi32, #tpu.memory_space<vmem>> -> memref<1x125xi32, #tpu.memory_space<vmem>>
      %dma_wait3A_305 = tpu.memref_squeeze %dma_wait3A_304 : memref<1x125xi32, #tpu.memory_space<vmem>> -> memref<125xi32, #tpu.memory_space<vmem>>
      %dma_wait3A_306 = arith.constant 0 : i32
      %dma_wait3A_307 = arith.constant 0 : i32
      %dma_wait3A_308 = tpu.memref_slice %arg17[%dma_wait3A_306, %dma_wait3A_307] : memref<10240x64xf32, #tpu.memory_space<vmem_shared>> -> memref<10240x64xf32, #tpu.memory_space<vmem_shared>>
      tpu.wait_indirect_dma semaphore(%arg28 : memref<!tpu.dma_semaphore, #tpu.memory_space<semaphore_mem>>) src(%arg11 : memref<125x64xf32, #tpu.memory_space<vmem>>) dst(%dma_wait3A_308 : memref<10240x64xf32, #tpu.memory_space<vmem_shared>>)
      %dma_start3A_309 = arith.constant 0 : i32
      %dma_start3A_310 = tpu.memref_slice %arg7[%min3A_302, %dma_start3A_309] : memref<80x125xi32, #tpu.memory_space<vmem>> -> memref<1x125xi32, #tpu.memory_space<vmem>>
      %dma_start3A_311 = tpu.memref_squeeze %dma_start3A_310 : memref<1x125xi32, #tpu.memory_space<vmem>> -> memref<125xi32, #tpu.memory_space<vmem>>
      %dma_start3A_312 = arith.constant 0 : i32
      %dma_start3A_313 = arith.constant 0 : i32
      %dma_start3A_314 = tpu.memref_slice %arg2[%dma_start3A_312, %dma_start3A_313] : memref<10240x64xf32, #tpu.memory_space<hbm>> -> memref<10240x64xf32, #tpu.memory_space<hbm>>
      tpu.enqueue_indirect_dma source(%dma_start3A_314 : memref<10240x64xf32, #tpu.memory_space<hbm>>) target(%arg11 : memref<125x64xf32, #tpu.memory_space<vmem>>) offsets(%dma_start3A_311 : memref<125xi32, #tpu.memory_space<vmem>>) semaphore(%arg20 : memref<!tpu.dma_semaphore, #tpu.memory_space<semaphore_mem>>)
      %mul3A_315 = arith.constant 8 : i32
      %mul3A_316 = arith.muli %scan3A_127, %mul3A_315 : i32
      %add3A_317 = arith.constant 3 : i32
      %add3A_318 = arith.addi %mul3A_316, %add3A_317 : i32
      %add3A_319 = arith.constant 8 : i32
      %add3A_320 = arith.addi %add3A_318, %add3A_319 : i32
      %min3A_321 = arith.constant 79 : i32
      %min3A_322 = arith.minsi %add3A_320, %min3A_321 : i32
      %dma_wait3A_323 = arith.constant 0 : i32
      %dma_wait3A_324 = tpu.memref_slice %arg8[%add3A_318, %dma_wait3A_323] : memref<80x125xi32, #tpu.memory_space<vmem>> -> memref<1x125xi32, #tpu.memory_space<vmem>>
      %dma_wait3A_325 = tpu.memref_squeeze %dma_wait3A_324 : memref<1x125xi32, #tpu.memory_space<vmem>> -> memref<125xi32, #tpu.memory_space<vmem>>
      %dma_wait3A_326 = arith.constant 0 : i32
      %dma_wait3A_327 = arith.constant 0 : i32
      %dma_wait3A_328 = tpu.memref_slice %arg17[%dma_wait3A_326, %dma_wait3A_327] : memref<10240x64xf32, #tpu.memory_space<vmem_shared>> -> memref<10240x64xf32, #tpu.memory_space<vmem_shared>>
      tpu.wait_indirect_dma semaphore(%arg29 : memref<!tpu.dma_semaphore, #tpu.memory_space<semaphore_mem>>) src(%arg12 : memref<125x64xf32, #tpu.memory_space<vmem>>) dst(%dma_wait3A_328 : memref<10240x64xf32, #tpu.memory_space<vmem_shared>>)
      %dma_start3A_329 = arith.constant 0 : i32
      %dma_start3A_330 = tpu.memref_slice %arg7[%min3A_322, %dma_start3A_329] : memref<80x125xi32, #tpu.memory_space<vmem>> -> memref<1x125xi32, #tpu.memory_space<vmem>>
      %dma_start3A_331 = tpu.memref_squeeze %dma_start3A_330 : memref<1x125xi32, #tpu.memory_space<vmem>> -> memref<125xi32, #tpu.memory_space<vmem>>
      %dma_start3A_332 = arith.constant 0 : i32
      %dma_start3A_333 = arith.constant 0 : i32
      %dma_start3A_334 = tpu.memref_slice %arg2[%dma_start3A_332, %dma_start3A_333] : memref<10240x64xf32, #tpu.memory_space<hbm>> -> memref<10240x64xf32, #tpu.memory_space<hbm>>
      tpu.enqueue_indirect_dma source(%dma_start3A_334 : memref<10240x64xf32, #tpu.memory_space<hbm>>) target(%arg12 : memref<125x64xf32, #tpu.memory_space<vmem>>) offsets(%dma_start3A_331 : memref<125xi32, #tpu.memory_space<vmem>>) semaphore(%arg21 : memref<!tpu.dma_semaphore, #tpu.memory_space<semaphore_mem>>)
      %mul3A_335 = arith.constant 8 : i32
      %mul3A_336 = arith.muli %scan3A_127, %mul3A_335 : i32
      %add3A_337 = arith.constant 4 : i32
      %add3A_338 = arith.addi %mul3A_336, %add3A_337 : i32
      %add3A_339 = arith.constant 8 : i32
      %add3A_340 = arith.addi %add3A_338, %add3A_339 : i32
      %min3A_341 = arith.constant 79 : i32
      %min3A_342 = arith.minsi %add3A_340, %min3A_341 : i32
      %dma_wait3A_343 = arith.constant 0 : i32
      %dma_wait3A_344 = tpu.memref_slice %arg8[%add3A_338, %dma_wait3A_343] : memref<80x125xi32, #tpu.memory_space<vmem>> -> memref<1x125xi32, #tpu.memory_space<vmem>>
      %dma_wait3A_345 = tpu.memref_squeeze %dma_wait3A_344 : memref<1x125xi32, #tpu.memory_space<vmem>> -> memref<125xi32, #tpu.memory_space<vmem>>
      %dma_wait3A_346 = arith.constant 0 : i32
      %dma_wait3A_347 = arith.constant 0 : i32
      %dma_wait3A_348 = tpu.memref_slice %arg17[%dma_wait3A_346, %dma_wait3A_347] : memref<10240x64xf32, #tpu.memory_space<vmem_shared>> -> memref<10240x64xf32, #tpu.memory_space<vmem_shared>>
      tpu.wait_indirect_dma semaphore(%arg30 : memref<!tpu.dma_semaphore, #tpu.memory_space<semaphore_mem>>) src(%arg13 : memref<125x64xf32, #tpu.memory_space<vmem>>) dst(%dma_wait3A_348 : memref<10240x64xf32, #tpu.memory_space<vmem_shared>>)
      %dma_start3A_349 = arith.constant 0 : i32
      %dma_start3A_350 = tpu.memref_slice %arg7[%min3A_342, %dma_start3A_349] : memref<80x125xi32, #tpu.memory_space<vmem>> -> memref<1x125xi32, #tpu.memory_space<vmem>>
      %dma_start3A_351 = tpu.memref_squeeze %dma_start3A_350 : memref<1x125xi32, #tpu.memory_space<vmem>> -> memref<125xi32, #tpu.memory_space<vmem>>
      %dma_start3A_352 = arith.constant 0 : i32
      %dma_start3A_353 = arith.constant 0 : i32
      %dma_start3A_354 = tpu.memref_slice %arg2[%dma_start3A_352, %dma_start3A_353] : memref<10240x64xf32, #tpu.memory_space<hbm>> -> memref<10240x64xf32, #tpu.memory_space<hbm>>
      tpu.enqueue_indirect_dma source(%dma_start3A_354 : memref<10240x64xf32, #tpu.memory_space<hbm>>) target(%arg13 : memref<125x64xf32, #tpu.memory_space<vmem>>) offsets(%dma_start3A_351 : memref<125xi32, #tpu.memory_space<vmem>>) semaphore(%arg22 : memref<!tpu.dma_semaphore, #tpu.memory_space<semaphore_mem>>)
      %mul3A_355 = arith.constant 8 : i32
      %mul3A_356 = arith.muli %scan3A_127, %mul3A_355 : i32
      %add3A_357 = arith.constant 5 : i32
      %add3A_358 = arith.addi %mul3A_356, %add3A_357 : i32
      %add3A_359 = arith.constant 8 : i32
      %add3A_360 = arith.addi %add3A_358, %add3A_359 : i32
      %min3A_361 = arith.constant 79 : i32
      %min3A_362 = arith.minsi %add3A_360, %min3A_361 : i32
      %dma_wait3A_363 = arith.constant 0 : i32
      %dma_wait3A_364 = tpu.memref_slice %arg8[%add3A_358, %dma_wait3A_363] : memref<80x125xi32, #tpu.memory_space<vmem>> -> memref<1x125xi32, #tpu.memory_space<vmem>>
      %dma_wait3A_365 = tpu.memref_squeeze %dma_wait3A_364 : memref<1x125xi32, #tpu.memory_space<vmem>> -> memref<125xi32, #tpu.memory_space<vmem>>
      %dma_wait3A_366 = arith.constant 0 : i32
      %dma_wait3A_367 = arith.constant 0 : i32
      %dma_wait3A_368 = tpu.memref_slice %arg17[%dma_wait3A_366, %dma_wait3A_367] : memref<10240x64xf32, #tpu.memory_space<vmem_shared>> -> memref<10240x64xf32, #tpu.memory_space<vmem_shared>>
      tpu.wait_indirect_dma semaphore(%arg31 : memref<!tpu.dma_semaphore, #tpu.memory_space<semaphore_mem>>) src(%arg14 : memref<125x64xf32, #tpu.memory_space<vmem>>) dst(%dma_wait3A_368 : memref<10240x64xf32, #tpu.memory_space<vmem_shared>>)
      %dma_start3A_369 = arith.constant 0 : i32
      %dma_start3A_370 = tpu.memref_slice %arg7[%min3A_362, %dma_start3A_369] : memref<80x125xi32, #tpu.memory_space<vmem>> -> memref<1x125xi32, #tpu.memory_space<vmem>>
      %dma_start3A_371 = tpu.memref_squeeze %dma_start3A_370 : memref<1x125xi32, #tpu.memory_space<vmem>> -> memref<125xi32, #tpu.memory_space<vmem>>
      %dma_start3A_372 = arith.constant 0 : i32
      %dma_start3A_373 = arith.constant 0 : i32
      %dma_start3A_374 = tpu.memref_slice %arg2[%dma_start3A_372, %dma_start3A_373] : memref<10240x64xf32, #tpu.memory_space<hbm>> -> memref<10240x64xf32, #tpu.memory_space<hbm>>
      tpu.enqueue_indirect_dma source(%dma_start3A_374 : memref<10240x64xf32, #tpu.memory_space<hbm>>) target(%arg14 : memref<125x64xf32, #tpu.memory_space<vmem>>) offsets(%dma_start3A_371 : memref<125xi32, #tpu.memory_space<vmem>>) semaphore(%arg23 : memref<!tpu.dma_semaphore, #tpu.memory_space<semaphore_mem>>)
      %mul3A_375 = arith.constant 8 : i32
      %mul3A_376 = arith.muli %scan3A_127, %mul3A_375 : i32
      %add3A_377 = arith.constant 6 : i32
      %add3A_378 = arith.addi %mul3A_376, %add3A_377 : i32
      %add3A_379 = arith.constant 8 : i32
      %add3A_380 = arith.addi %add3A_378, %add3A_379 : i32
      %min3A_381 = arith.constant 79 : i32
      %min3A_382 = arith.minsi %add3A_380, %min3A_381 : i32
      %dma_wait3A_383 = arith.constant 0 : i32
      %dma_wait3A_384 = tpu.memref_slice %arg8[%add3A_378, %dma_wait3A_383] : memref<80x125xi32, #tpu.memory_space<vmem>> -> memref<1x125xi32, #tpu.memory_space<vmem>>
      %dma_wait3A_385 = tpu.memref_squeeze %dma_wait3A_384 : memref<1x125xi32, #tpu.memory_space<vmem>> -> memref<125xi32, #tpu.memory_space<vmem>>
      %dma_wait3A_386 = arith.constant 0 : i32
      %dma_wait3A_387 = arith.constant 0 : i32
      %dma_wait3A_388 = tpu.memref_slice %arg17[%dma_wait3A_386, %dma_wait3A_387] : memref<10240x64xf32, #tpu.memory_space<vmem_shared>> -> memref<10240x64xf32, #tpu.memory_space<vmem_shared>>
      tpu.wait_indirect_dma semaphore(%arg32 : memref<!tpu.dma_semaphore, #tpu.memory_space<semaphore_mem>>) src(%arg15 : memref<125x64xf32, #tpu.memory_space<vmem>>) dst(%dma_wait3A_388 : memref<10240x64xf32, #tpu.memory_space<vmem_shared>>)
      %dma_start3A_389 = arith.constant 0 : i32
      %dma_start3A_390 = tpu.memref_slice %arg7[%min3A_382, %dma_start3A_389] : memref<80x125xi32, #tpu.memory_space<vmem>> -> memref<1x125xi32, #tpu.memory_space<vmem>>
      %dma_start3A_391 = tpu.memref_squeeze %dma_start3A_390 : memref<1x125xi32, #tpu.memory_space<vmem>> -> memref<125xi32, #tpu.memory_space<vmem>>
      %dma_start3A_392 = arith.constant 0 : i32
      %dma_start3A_393 = arith.constant 0 : i32
      %dma_start3A_394 = tpu.memref_slice %arg2[%dma_start3A_392, %dma_start3A_393] : memref<10240x64xf32, #tpu.memory_space<hbm>> -> memref<10240x64xf32, #tpu.memory_space<hbm>>
      tpu.enqueue_indirect_dma source(%dma_start3A_394 : memref<10240x64xf32, #tpu.memory_space<hbm>>) target(%arg15 : memref<125x64xf32, #tpu.memory_space<vmem>>) offsets(%dma_start3A_391 : memref<125xi32, #tpu.memory_space<vmem>>) semaphore(%arg24 : memref<!tpu.dma_semaphore, #tpu.memory_space<semaphore_mem>>)
      %mul3A_395 = arith.constant 8 : i32
      %mul3A_396 = arith.muli %scan3A_127, %mul3A_395 : i32
      %add3A_397 = arith.constant 7 : i32
      %add3A_398 = arith.addi %mul3A_396, %add3A_397 : i32
      %add3A_399 = arith.constant 8 : i32
      %add3A_400 = arith.addi %add3A_398, %add3A_399 : i32
      %min3A_401 = arith.constant 79 : i32
      %min3A_402 = arith.minsi %add3A_400, %min3A_401 : i32
      %dma_wait3A_403 = arith.constant 0 : i32
      %dma_wait3A_404 = tpu.memref_slice %arg8[%add3A_398, %dma_wait3A_403] : memref<80x125xi32, #tpu.memory_space<vmem>> -> memref<1x125xi32, #tpu.memory_space<vmem>>
      %dma_wait3A_405 = tpu.memref_squeeze %dma_wait3A_404 : memref<1x125xi32, #tpu.memory_space<vmem>> -> memref<125xi32, #tpu.memory_space<vmem>>
      %dma_wait3A_406 = arith.constant 0 : i32
      %dma_wait3A_407 = arith.constant 0 : i32
      %dma_wait3A_408 = tpu.memref_slice %arg17[%dma_wait3A_406, %dma_wait3A_407] : memref<10240x64xf32, #tpu.memory_space<vmem_shared>> -> memref<10240x64xf32, #tpu.memory_space<vmem_shared>>
      tpu.wait_indirect_dma semaphore(%arg33 : memref<!tpu.dma_semaphore, #tpu.memory_space<semaphore_mem>>) src(%arg16 : memref<125x64xf32, #tpu.memory_space<vmem>>) dst(%dma_wait3A_408 : memref<10240x64xf32, #tpu.memory_space<vmem_shared>>)
      %dma_start3A_409 = arith.constant 0 : i32
      %dma_start3A_410 = tpu.memref_slice %arg7[%min3A_402, %dma_start3A_409] : memref<80x125xi32, #tpu.memory_space<vmem>> -> memref<1x125xi32, #tpu.memory_space<vmem>>
      %dma_start3A_411 = tpu.memref_squeeze %dma_start3A_410 : memref<1x125xi32, #tpu.memory_space<vmem>> -> memref<125xi32, #tpu.memory_space<vmem>>
      %dma_start3A_412 = arith.constant 0 : i32
      %dma_start3A_413 = arith.constant 0 : i32
      %dma_start3A_414 = tpu.memref_slice %arg2[%dma_start3A_412, %dma_start3A_413] : memref<10240x64xf32, #tpu.memory_space<hbm>> -> memref<10240x64xf32, #tpu.memory_space<hbm>>
      tpu.enqueue_indirect_dma source(%dma_start3A_414 : memref<10240x64xf32, #tpu.memory_space<hbm>>) target(%arg16 : memref<125x64xf32, #tpu.memory_space<vmem>>) offsets(%dma_start3A_411 : memref<125xi32, #tpu.memory_space<vmem>>) semaphore(%arg25 : memref<!tpu.dma_semaphore, #tpu.memory_space<semaphore_mem>>)
    }
    %scan3A_63 = arith.constant 10 : i32
    %dma_wait3A = arith.constant 0 : i32
    %dma_wait3A_64 = arith.constant 0 : i32
    %dma_wait3A_65 = tpu.memref_slice %arg7[%dma_wait3A, %dma_wait3A_64] : memref<80x125xi32, #tpu.memory_space<vmem>> -> memref<1x125xi32, #tpu.memory_space<vmem>>
    %dma_wait3A_66 = tpu.memref_squeeze %dma_wait3A_65 : memref<1x125xi32, #tpu.memory_space<vmem>> -> memref<125xi32, #tpu.memory_space<vmem>>
    %dma_wait3A_67 = arith.constant 0 : i32
    %dma_wait3A_68 = arith.constant 0 : i32
    %dma_wait3A_69 = tpu.memref_slice %arg2[%dma_wait3A_67, %dma_wait3A_68] : memref<10240x64xf32, #tpu.memory_space<hbm>> -> memref<10240x64xf32, #tpu.memory_space<hbm>>
    tpu.wait_indirect_dma semaphore(%arg18 : memref<!tpu.dma_semaphore, #tpu.memory_space<semaphore_mem>>) src(%dma_wait3A_69 : memref<10240x64xf32, #tpu.memory_space<hbm>>) dst(%arg9 : memref<125x64xf32, #tpu.memory_space<vmem>>)
    %dma_wait3A_70 = arith.constant 0 : i32
    %dma_wait3A_71 = arith.constant 0 : i32
    %dma_wait3A_72 = tpu.memref_slice %arg7[%dma_wait3A_70, %dma_wait3A_71] : memref<80x125xi32, #tpu.memory_space<vmem>> -> memref<1x125xi32, #tpu.memory_space<vmem>>
    %dma_wait3A_73 = tpu.memref_squeeze %dma_wait3A_72 : memref<1x125xi32, #tpu.memory_space<vmem>> -> memref<125xi32, #tpu.memory_space<vmem>>
    %dma_wait3A_74 = arith.constant 0 : i32
    %dma_wait3A_75 = arith.constant 0 : i32
    %dma_wait3A_76 = tpu.memref_slice %arg2[%dma_wait3A_74, %dma_wait3A_75] : memref<10240x64xf32, #tpu.memory_space<hbm>> -> memref<10240x64xf32, #tpu.memory_space<hbm>>
    tpu.wait_indirect_dma semaphore(%arg19 : memref<!tpu.dma_semaphore, #tpu.memory_space<semaphore_mem>>) src(%dma_wait3A_76 : memref<10240x64xf32, #tpu.memory_space<hbm>>) dst(%arg10 : memref<125x64xf32, #tpu.memory_space<vmem>>)
    %dma_wait3A_77 = arith.constant 0 : i32
    %dma_wait3A_78 = arith.constant 0 : i32
    %dma_wait3A_79 = tpu.memref_slice %arg7[%dma_wait3A_77, %dma_wait3A_78] : memref<80x125xi32, #tpu.memory_space<vmem>> -> memref<1x125xi32, #tpu.memory_space<vmem>>
    %dma_wait3A_80 = tpu.memref_squeeze %dma_wait3A_79 : memref<1x125xi32, #tpu.memory_space<vmem>> -> memref<125xi32, #tpu.memory_space<vmem>>
    %dma_wait3A_81 = arith.constant 0 : i32
    %dma_wait3A_82 = arith.constant 0 : i32
    %dma_wait3A_83 = tpu.memref_slice %arg2[%dma_wait3A_81, %dma_wait3A_82] : memref<10240x64xf32, #tpu.memory_space<hbm>> -> memref<10240x64xf32, #tpu.memory_space<hbm>>
    tpu.wait_indirect_dma semaphore(%arg20 : memref<!tpu.dma_semaphore, #tpu.memory_space<semaphore_mem>>) src(%dma_wait3A_83 : memref<10240x64xf32, #tpu.memory_space<hbm>>) dst(%arg11 : memref<125x64xf32, #tpu.memory_space<vmem>>)
    %dma_wait3A_84 = arith.constant 0 : i32
    %dma_wait3A_85 = arith.constant 0 : i32
    %dma_wait3A_86 = tpu.memref_slice %arg7[%dma_wait3A_84, %dma_wait3A_85] : memref<80x125xi32, #tpu.memory_space<vmem>> -> memref<1x125xi32, #tpu.memory_space<vmem>>
    %dma_wait3A_87 = tpu.memref_squeeze %dma_wait3A_86 : memref<1x125xi32, #tpu.memory_space<vmem>> -> memref<125xi32, #tpu.memory_space<vmem>>
    %dma_wait3A_88 = arith.constant 0 : i32
    %dma_wait3A_89 = arith.constant 0 : i32
    %dma_wait3A_90 = tpu.memref_slice %arg2[%dma_wait3A_88, %dma_wait3A_89] : memref<10240x64xf32, #tpu.memory_space<hbm>> -> memref<10240x64xf32, #tpu.memory_space<hbm>>
    tpu.wait_indirect_dma semaphore(%arg21 : memref<!tpu.dma_semaphore, #tpu.memory_space<semaphore_mem>>) src(%dma_wait3A_90 : memref<10240x64xf32, #tpu.memory_space<hbm>>) dst(%arg12 : memref<125x64xf32, #tpu.memory_space<vmem>>)
    %dma_wait3A_91 = arith.constant 0 : i32
    %dma_wait3A_92 = arith.constant 0 : i32
    %dma_wait3A_93 = tpu.memref_slice %arg7[%dma_wait3A_91, %dma_wait3A_92] : memref<80x125xi32, #tpu.memory_space<vmem>> -> memref<1x125xi32, #tpu.memory_space<vmem>>
    %dma_wait3A_94 = tpu.memref_squeeze %dma_wait3A_93 : memref<1x125xi32, #tpu.memory_space<vmem>> -> memref<125xi32, #tpu.memory_space<vmem>>
    %dma_wait3A_95 = arith.constant 0 : i32
    %dma_wait3A_96 = arith.constant 0 : i32
    %dma_wait3A_97 = tpu.memref_slice %arg2[%dma_wait3A_95, %dma_wait3A_96] : memref<10240x64xf32, #tpu.memory_space<hbm>> -> memref<10240x64xf32, #tpu.memory_space<hbm>>
    tpu.wait_indirect_dma semaphore(%arg22 : memref<!tpu.dma_semaphore, #tpu.memory_space<semaphore_mem>>) src(%dma_wait3A_97 : memref<10240x64xf32, #tpu.memory_space<hbm>>) dst(%arg13 : memref<125x64xf32, #tpu.memory_space<vmem>>)
    %dma_wait3A_98 = arith.constant 0 : i32
    %dma_wait3A_99 = arith.constant 0 : i32
    %dma_wait3A_100 = tpu.memref_slice %arg7[%dma_wait3A_98, %dma_wait3A_99] : memref<80x125xi32, #tpu.memory_space<vmem>> -> memref<1x125xi32, #tpu.memory_space<vmem>>
    %dma_wait3A_101 = tpu.memref_squeeze %dma_wait3A_100 : memref<1x125xi32, #tpu.memory_space<vmem>> -> memref<125xi32, #tpu.memory_space<vmem>>
    %dma_wait3A_102 = arith.constant 0 : i32
    %dma_wait3A_103 = arith.constant 0 : i32
    %dma_wait3A_104 = tpu.memref_slice %arg2[%dma_wait3A_102, %dma_wait3A_103] : memref<10240x64xf32, #tpu.memory_space<hbm>> -> memref<10240x64xf32, #tpu.memory_space<hbm>>
    tpu.wait_indirect_dma semaphore(%arg23 : memref<!tpu.dma_semaphore, #tpu.memory_space<semaphore_mem>>) src(%dma_wait3A_104 : memref<10240x64xf32, #tpu.memory_space<hbm>>) dst(%arg14 : memref<125x64xf32, #tpu.memory_space<vmem>>)
    %dma_wait3A_105 = arith.constant 0 : i32
    %dma_wait3A_106 = arith.constant 0 : i32
    %dma_wait3A_107 = tpu.memref_slice %arg7[%dma_wait3A_105, %dma_wait3A_106] : memref<80x125xi32, #tpu.memory_space<vmem>> -> memref<1x125xi32, #tpu.memory_space<vmem>>
    %dma_wait3A_108 = tpu.memref_squeeze %dma_wait3A_107 : memref<1x125xi32, #tpu.memory_space<vmem>> -> memref<125xi32, #tpu.memory_space<vmem>>
    %dma_wait3A_109 = arith.constant 0 : i32
    %dma_wait3A_110 = arith.constant 0 : i32
    %dma_wait3A_111 = tpu.memref_slice %arg2[%dma_wait3A_109, %dma_wait3A_110] : memref<10240x64xf32, #tpu.memory_space<hbm>> -> memref<10240x64xf32, #tpu.memory_space<hbm>>
    tpu.wait_indirect_dma semaphore(%arg24 : memref<!tpu.dma_semaphore, #tpu.memory_space<semaphore_mem>>) src(%dma_wait3A_111 : memref<10240x64xf32, #tpu.memory_space<hbm>>) dst(%arg15 : memref<125x64xf32, #tpu.memory_space<vmem>>)
    %dma_wait3A_112 = arith.constant 0 : i32
    %dma_wait3A_113 = arith.constant 0 : i32
    %dma_wait3A_114 = tpu.memref_slice %arg7[%dma_wait3A_112, %dma_wait3A_113] : memref<80x125xi32, #tpu.memory_space<vmem>> -> memref<1x125xi32, #tpu.memory_space<vmem>>
    %dma_wait3A_115 = tpu.memref_squeeze %dma_wait3A_114 : memref<1x125xi32, #tpu.memory_space<vmem>> -> memref<125xi32, #tpu.memory_space<vmem>>
    %dma_wait3A_116 = arith.constant 0 : i32
    %dma_wait3A_117 = arith.constant 0 : i32
    %dma_wait3A_118 = tpu.memref_slice %arg2[%dma_wait3A_116, %dma_wait3A_117] : memref<10240x64xf32, #tpu.memory_space<hbm>> -> memref<10240x64xf32, #tpu.memory_space<hbm>>
    tpu.wait_indirect_dma semaphore(%arg25 : memref<!tpu.dma_semaphore, #tpu.memory_space<semaphore_mem>>) src(%dma_wait3A_118 : memref<10240x64xf32, #tpu.memory_space<hbm>>) dst(%arg16 : memref<125x64xf32, #tpu.memory_space<vmem>>)
    %barrier3A_119 = arith.constant 0 : index
    tpu.barrier barrier_id(%barrier3A_119)
    %eq3A = arith.constant 0 : i32
    %eq3A_120 = arith.cmpi eq, %arg0, %eq3A : i32
    %convert_element_type3A = arith.extui %eq3A_120 : i1 to i32
    %cond3A = arith.constant 0 : i32
    %cond3A_121 = arith.cmpi ne, %convert_element_type3A, %cond3A : i32
    scf.if %cond3A_121 {
      %mul3A_127 = arith.constant 640 : i32
      %mul3A_128 = arith.muli %arg1, %mul3A_127 : i32
      %mul3A_129 = arith.constant 640 : i32
      %mul3A_130 = arith.muli %arg1, %mul3A_129 : i32
      "tpu.region"() ({
        %run_scoped3A_131 = tpu.sem_alloc : memref<!tpu.dma_semaphore, #tpu.memory_space<semaphore_mem>>
        %dma_start3A_132 = arith.constant 0 : i32
        %dma_start3A_133 = tpu.memref_slice %arg5[%mul3A_130, %dma_start3A_132] : memref<10240x64xf32, #tpu.memory_space<hbm>> -> memref<640x64xf32, #tpu.memory_space<hbm>>
        %dma_start3A_134 = arith.constant 0 : i32
        %dma_start3A_135 = tpu.memref_slice %arg17[%mul3A_128, %dma_start3A_134] : memref<10240x64xf32, #tpu.memory_space<vmem_shared>> -> memref<640x64xf32, #tpu.memory_space<vmem_shared>>
        tpu.enqueue_dma source(%dma_start3A_135 : memref<640x64xf32, #tpu.memory_space<vmem_shared>>) target(%dma_start3A_133 : memref<640x64xf32, #tpu.memory_space<hbm>>) target_semaphore(%run_scoped3A_131 : memref<!tpu.dma_semaphore, #tpu.memory_space<semaphore_mem>>)
        %dma_wait3A_136 = arith.constant 0 : i32
        %dma_wait3A_137 = tpu.memref_slice %arg5[%mul3A_130, %dma_wait3A_136] : memref<10240x64xf32, #tpu.memory_space<hbm>> -> memref<640x64xf32, #tpu.memory_space<hbm>>
        %dma_wait3A_138 = arith.constant 0 : i32
        %dma_wait3A_139 = tpu.memref_slice %arg17[%mul3A_128, %dma_wait3A_138] : memref<10240x64xf32, #tpu.memory_space<vmem_shared>> -> memref<640x64xf32, #tpu.memory_space<vmem_shared>>
        tpu.wait_dma2 semaphore(%run_scoped3A_131 : memref<!tpu.dma_semaphore, #tpu.memory_space<semaphore_mem>>) src(%dma_wait3A_139 : memref<640x64xf32, #tpu.memory_space<vmem_shared>>) dst(%dma_wait3A_137 : memref<640x64xf32, #tpu.memory_space<hbm>>)
        tpu.yield
      }) : () -> ()
    } else {
    }
    %eq3A_122 = arith.constant 1 : i32
    %eq3A_123 = arith.cmpi eq, %arg0, %eq3A_122 : i32
    %convert_element_type3A_124 = arith.extui %eq3A_123 : i1 to i32
    %cond3A_125 = arith.constant 0 : i32
    %cond3A_126 = arith.cmpi ne, %convert_element_type3A_124, %cond3A_125 : i32
    scf.if %cond3A_126 {
      %mul3A_127 = arith.constant 640 : i32
      %mul3A_128 = arith.muli %arg1, %mul3A_127 : i32
      %mul3A_129 = arith.constant 640 : i32
      %mul3A_130 = arith.muli %arg1, %mul3A_129 : i32
      "tpu.region"() ({
        %run_scoped3A_131 = tpu.sem_alloc : memref<!tpu.dma_semaphore, #tpu.memory_space<semaphore_mem>>
        %dma_start3A_132 = arith.constant 0 : i32
        %dma_start3A_133 = tpu.memref_slice %arg6[%mul3A_130, %dma_start3A_132] : memref<10240x64xf32, #tpu.memory_space<hbm>> -> memref<640x64xf32, #tpu.memory_space<hbm>>
        %dma_start3A_134 = arith.constant 0 : i32
        %dma_start3A_135 = tpu.memref_slice %arg17[%mul3A_128, %dma_start3A_134] : memref<10240x64xf32, #tpu.memory_space<vmem_shared>> -> memref<640x64xf32, #tpu.memory_space<vmem_shared>>
        tpu.enqueue_dma source(%dma_start3A_135 : memref<640x64xf32, #tpu.memory_space<vmem_shared>>) target(%dma_start3A_133 : memref<640x64xf32, #tpu.memory_space<hbm>>) target_semaphore(%run_scoped3A_131 : memref<!tpu.dma_semaphore, #tpu.memory_space<semaphore_mem>>)
        %dma_wait3A_136 = arith.constant 0 : i32
        %dma_wait3A_137 = tpu.memref_slice %arg6[%mul3A_130, %dma_wait3A_136] : memref<10240x64xf32, #tpu.memory_space<hbm>> -> memref<640x64xf32, #tpu.memory_space<hbm>>
        %dma_wait3A_138 = arith.constant 0 : i32
        %dma_wait3A_139 = tpu.memref_slice %arg17[%mul3A_128, %dma_wait3A_138] : memref<10240x64xf32, #tpu.memory_space<vmem_shared>> -> memref<640x64xf32, #tpu.memory_space<vmem_shared>>
        tpu.wait_dma2 semaphore(%run_scoped3A_131 : memref<!tpu.dma_semaphore, #tpu.memory_space<semaphore_mem>>) src(%dma_wait3A_139 : memref<640x64xf32, #tpu.memory_space<vmem_shared>>) dst(%dma_wait3A_137 : memref<640x64xf32, #tpu.memory_space<hbm>>)
        tpu.yield
      }) : () -> ()
    } else {
    }
    return
  }
}

#map = affine_map<(d0, d1) -> (0, 0, 0, 0)>
#map1 = affine_map<(d0, d1) -> (0)>
module attributes {stable_mosaic.version = 14 : i64} {
  func.func @_deg_call(%arg0: i32, %arg1: i32, %arg2: memref<2x32x80x125xi32, #tpu.memory_space<hbm>>, %arg3: memref<125xf32, #tpu.memory_space<hbm>>, %arg4: memref<10240xf32, #tpu.memory_space<hbm>>, %arg5: memref<10240xf32, #tpu.memory_space<hbm>>, %arg6: memref<10240xf32, #tpu.memory_space<hbm>>, %arg7: memref<80x125xi32, #tpu.memory_space<vmem>>, %arg8: memref<125xf32, #tpu.memory_space<vmem>>, %arg9: memref<10240xf32, #tpu.memory_space<vmem_shared>>, %arg10: memref<!tpu.dma_semaphore, #tpu.memory_space<semaphore_mem>>, %arg11: memref<!tpu.dma_semaphore, #tpu.memory_space<semaphore_mem>>, %arg12: memref<!tpu.dma_semaphore, #tpu.memory_space<semaphore_mem>>, %arg13: memref<!tpu.dma_semaphore, #tpu.memory_space<semaphore_mem>>, %arg14: memref<!tpu.dma_semaphore, #tpu.memory_space<semaphore_mem>>, %arg15: memref<!tpu.dma_semaphore, #tpu.memory_space<semaphore_mem>>, %arg16: memref<!tpu.dma_semaphore, #tpu.memory_space<semaphore_mem>>, %arg17: memref<!tpu.dma_semaphore, #tpu.memory_space<semaphore_mem>>) attributes {dimension_semantics = [#tpu.dimension_semantics<core_parallel>, #tpu.dimension_semantics<subcore_parallel>], iteration_bounds = array<i64: 2, 16>, scalar_prefetch = 0 : i64, scratch_operands = 11 : i64, tpu.core_type = #tpu.core_type<sc_vector_subcore>, window_params = [{transform_indices = #map}, {transform_indices = #map1}, {transform_indices = #map1}, {transform_indices = #map1}, {transform_indices = #map1}]} {
    %mul3A = arith.constant 16 : i32
    %mul3A_0 = arith.muli %arg0, %mul3A : i32
    %add3A = arith.addi %mul3A_0, %arg1 : i32
    %mul3A_1 = arith.constant 640 : i32
    %mul3A_2 = arith.muli %arg1, %mul3A_1 : i32
    %mul3A_3 = arith.constant 640 : i32
    %mul3A_4 = arith.muli %arg1, %mul3A_3 : i32
    "tpu.region"() ({
      %run_scoped3A_112 = tpu.sem_alloc : memref<!tpu.dma_semaphore, #tpu.memory_space<semaphore_mem>>
      %dma_start3A_113 = tpu.memref_slice %arg9[%mul3A_4] : memref<10240xf32, #tpu.memory_space<vmem_shared>> -> memref<640xf32, #tpu.memory_space<vmem_shared>>
      %dma_start3A_114 = tpu.memref_slice %arg4[%mul3A_2] : memref<10240xf32, #tpu.memory_space<hbm>> -> memref<640xf32, #tpu.memory_space<hbm>>
      tpu.enqueue_dma source(%dma_start3A_114 : memref<640xf32, #tpu.memory_space<hbm>>) target(%dma_start3A_113 : memref<640xf32, #tpu.memory_space<vmem_shared>>) target_semaphore(%run_scoped3A_112 : memref<!tpu.dma_semaphore, #tpu.memory_space<semaphore_mem>>)
      %dma_wait3A_115 = tpu.memref_slice %arg9[%mul3A_4] : memref<10240xf32, #tpu.memory_space<vmem_shared>> -> memref<640xf32, #tpu.memory_space<vmem_shared>>
      %dma_wait3A_116 = tpu.memref_slice %arg4[%mul3A_2] : memref<10240xf32, #tpu.memory_space<hbm>> -> memref<640xf32, #tpu.memory_space<hbm>>
      tpu.wait_dma2 semaphore(%run_scoped3A_112 : memref<!tpu.dma_semaphore, #tpu.memory_space<semaphore_mem>>) src(%dma_wait3A_116 : memref<640xf32, #tpu.memory_space<hbm>>) dst(%dma_wait3A_115 : memref<640xf32, #tpu.memory_space<vmem_shared>>)
      tpu.yield
    }) : () -> ()
    %run_scoped3A = arith.constant 1 : i32
    "tpu.region"() ({
      %run_scoped3A_112 = tpu.sem_alloc : memref<!tpu.dma_semaphore, #tpu.memory_space<semaphore_mem>>
      %dma_start3A_113 = arith.constant 0 : i32
      %dma_start3A_114 = arith.constant 0 : i32
      %dma_start3A_115 = tpu.memref_slice %arg2[%run_scoped3A, %add3A, %dma_start3A_113, %dma_start3A_114] : memref<2x32x80x125xi32, #tpu.memory_space<hbm>> -> memref<1x1x80x125xi32, #tpu.memory_space<hbm>>
      %dma_start3A_116 = tpu.memref_squeeze %dma_start3A_115 : memref<1x1x80x125xi32, #tpu.memory_space<hbm>> -> memref<80x125xi32, #tpu.memory_space<hbm>>
      %dma_start3A_117 = arith.constant 0 : i32
      %dma_start3A_118 = arith.constant 0 : i32
      %dma_start3A_119 = tpu.memref_slice %arg2[%run_scoped3A, %add3A, %dma_start3A_117, %dma_start3A_118] : memref<2x32x80x125xi32, #tpu.memory_space<hbm>> -> memref<1x1x80x125xi32, #tpu.memory_space<hbm>>
      %dma_start3A_120 = tpu.memref_squeeze %dma_start3A_119 : memref<1x1x80x125xi32, #tpu.memory_space<hbm>> -> memref<80x125xi32, #tpu.memory_space<hbm>>
      tpu.enqueue_dma source(%dma_start3A_120 : memref<80x125xi32, #tpu.memory_space<hbm>>) target(%arg7 : memref<80x125xi32, #tpu.memory_space<vmem>>) target_semaphore(%run_scoped3A_112 : memref<!tpu.dma_semaphore, #tpu.memory_space<semaphore_mem>>)
      %dma_wait3A_121 = arith.constant 0 : i32
      %dma_wait3A_122 = arith.constant 0 : i32
      %dma_wait3A_123 = tpu.memref_slice %arg2[%run_scoped3A, %add3A, %dma_wait3A_121, %dma_wait3A_122] : memref<2x32x80x125xi32, #tpu.memory_space<hbm>> -> memref<1x1x80x125xi32, #tpu.memory_space<hbm>>
      %dma_wait3A_124 = tpu.memref_squeeze %dma_wait3A_123 : memref<1x1x80x125xi32, #tpu.memory_space<hbm>> -> memref<80x125xi32, #tpu.memory_space<hbm>>
      %dma_wait3A_125 = arith.constant 0 : i32
      %dma_wait3A_126 = arith.constant 0 : i32
      %dma_wait3A_127 = tpu.memref_slice %arg2[%run_scoped3A, %add3A, %dma_wait3A_125, %dma_wait3A_126] : memref<2x32x80x125xi32, #tpu.memory_space<hbm>> -> memref<1x1x80x125xi32, #tpu.memory_space<hbm>>
      %dma_wait3A_128 = tpu.memref_squeeze %dma_wait3A_127 : memref<1x1x80x125xi32, #tpu.memory_space<hbm>> -> memref<80x125xi32, #tpu.memory_space<hbm>>
      tpu.wait_dma2 semaphore(%run_scoped3A_112 : memref<!tpu.dma_semaphore, #tpu.memory_space<semaphore_mem>>) src(%dma_wait3A_128 : memref<80x125xi32, #tpu.memory_space<hbm>>) dst(%arg7 : memref<80x125xi32, #tpu.memory_space<vmem>>)
      tpu.yield
    }) : () -> ()
    "tpu.region"() ({
      %run_scoped3A_112 = tpu.sem_alloc : memref<!tpu.dma_semaphore, #tpu.memory_space<semaphore_mem>>
      tpu.enqueue_dma source(%arg3 : memref<125xf32, #tpu.memory_space<hbm>>) target(%arg8 : memref<125xf32, #tpu.memory_space<vmem>>) target_semaphore(%run_scoped3A_112 : memref<!tpu.dma_semaphore, #tpu.memory_space<semaphore_mem>>)
      tpu.wait_dma2 semaphore(%run_scoped3A_112 : memref<!tpu.dma_semaphore, #tpu.memory_space<semaphore_mem>>) src(%arg3 : memref<125xf32, #tpu.memory_space<hbm>>) dst(%arg8 : memref<125xf32, #tpu.memory_space<vmem>>)
      tpu.yield
    }) : () -> ()
    %barrier3A = arith.constant 0 : index
    tpu.barrier barrier_id(%barrier3A)
    %dma_start3A = arith.constant 0 : i32
    %dma_start3A_5 = arith.constant 0 : i32
    %dma_start3A_6 = tpu.memref_slice %arg7[%dma_start3A, %dma_start3A_5] : memref<80x125xi32, #tpu.memory_space<vmem>> -> memref<1x125xi32, #tpu.memory_space<vmem>>
    %dma_start3A_7 = tpu.memref_squeeze %dma_start3A_6 : memref<1x125xi32, #tpu.memory_space<vmem>> -> memref<125xi32, #tpu.memory_space<vmem>>
    %dma_start3A_8 = arith.constant 0 : i32
    %dma_start3A_9 = tpu.memref_slice %arg9[%dma_start3A_8] : memref<10240xf32, #tpu.memory_space<vmem_shared>> -> memref<10240xf32, #tpu.memory_space<vmem_shared>>
    tpu.enqueue_indirect_dma source(%arg8 : memref<125xf32, #tpu.memory_space<vmem>>) target(%dma_start3A_9 : memref<10240xf32, #tpu.memory_space<vmem_shared>>) offsets(%dma_start3A_7 : memref<125xi32, #tpu.memory_space<vmem>>) semaphore(%arg10 : memref<!tpu.dma_semaphore, #tpu.memory_space<semaphore_mem>>) {add = true}
    %dma_start3A_10 = arith.constant 1 : i32
    %dma_start3A_11 = arith.constant 0 : i32
    %dma_start3A_12 = tpu.memref_slice %arg7[%dma_start3A_10, %dma_start3A_11] : memref<80x125xi32, #tpu.memory_space<vmem>> -> memref<1x125xi32, #tpu.memory_space<vmem>>
    %dma_start3A_13 = tpu.memref_squeeze %dma_start3A_12 : memref<1x125xi32, #tpu.memory_space<vmem>> -> memref<125xi32, #tpu.memory_space<vmem>>
    %dma_start3A_14 = arith.constant 0 : i32
    %dma_start3A_15 = tpu.memref_slice %arg9[%dma_start3A_14] : memref<10240xf32, #tpu.memory_space<vmem_shared>> -> memref<10240xf32, #tpu.memory_space<vmem_shared>>
    tpu.enqueue_indirect_dma source(%arg8 : memref<125xf32, #tpu.memory_space<vmem>>) target(%dma_start3A_15 : memref<10240xf32, #tpu.memory_space<vmem_shared>>) offsets(%dma_start3A_13 : memref<125xi32, #tpu.memory_space<vmem>>) semaphore(%arg11 : memref<!tpu.dma_semaphore, #tpu.memory_space<semaphore_mem>>) {add = true}
    %dma_start3A_16 = arith.constant 2 : i32
    %dma_start3A_17 = arith.constant 0 : i32
    %dma_start3A_18 = tpu.memref_slice %arg7[%dma_start3A_16, %dma_start3A_17] : memref<80x125xi32, #tpu.memory_space<vmem>> -> memref<1x125xi32, #tpu.memory_space<vmem>>
    %dma_start3A_19 = tpu.memref_squeeze %dma_start3A_18 : memref<1x125xi32, #tpu.memory_space<vmem>> -> memref<125xi32, #tpu.memory_space<vmem>>
    %dma_start3A_20 = arith.constant 0 : i32
    %dma_start3A_21 = tpu.memref_slice %arg9[%dma_start3A_20] : memref<10240xf32, #tpu.memory_space<vmem_shared>> -> memref<10240xf32, #tpu.memory_space<vmem_shared>>
    tpu.enqueue_indirect_dma source(%arg8 : memref<125xf32, #tpu.memory_space<vmem>>) target(%dma_start3A_21 : memref<10240xf32, #tpu.memory_space<vmem_shared>>) offsets(%dma_start3A_19 : memref<125xi32, #tpu.memory_space<vmem>>) semaphore(%arg12 : memref<!tpu.dma_semaphore, #tpu.memory_space<semaphore_mem>>) {add = true}
    %dma_start3A_22 = arith.constant 3 : i32
    %dma_start3A_23 = arith.constant 0 : i32
    %dma_start3A_24 = tpu.memref_slice %arg7[%dma_start3A_22, %dma_start3A_23] : memref<80x125xi32, #tpu.memory_space<vmem>> -> memref<1x125xi32, #tpu.memory_space<vmem>>
    %dma_start3A_25 = tpu.memref_squeeze %dma_start3A_24 : memref<1x125xi32, #tpu.memory_space<vmem>> -> memref<125xi32, #tpu.memory_space<vmem>>
    %dma_start3A_26 = arith.constant 0 : i32
    %dma_start3A_27 = tpu.memref_slice %arg9[%dma_start3A_26] : memref<10240xf32, #tpu.memory_space<vmem_shared>> -> memref<10240xf32, #tpu.memory_space<vmem_shared>>
    tpu.enqueue_indirect_dma source(%arg8 : memref<125xf32, #tpu.memory_space<vmem>>) target(%dma_start3A_27 : memref<10240xf32, #tpu.memory_space<vmem_shared>>) offsets(%dma_start3A_25 : memref<125xi32, #tpu.memory_space<vmem>>) semaphore(%arg13 : memref<!tpu.dma_semaphore, #tpu.memory_space<semaphore_mem>>) {add = true}
    %dma_start3A_28 = arith.constant 4 : i32
    %dma_start3A_29 = arith.constant 0 : i32
    %dma_start3A_30 = tpu.memref_slice %arg7[%dma_start3A_28, %dma_start3A_29] : memref<80x125xi32, #tpu.memory_space<vmem>> -> memref<1x125xi32, #tpu.memory_space<vmem>>
    %dma_start3A_31 = tpu.memref_squeeze %dma_start3A_30 : memref<1x125xi32, #tpu.memory_space<vmem>> -> memref<125xi32, #tpu.memory_space<vmem>>
    %dma_start3A_32 = arith.constant 0 : i32
    %dma_start3A_33 = tpu.memref_slice %arg9[%dma_start3A_32] : memref<10240xf32, #tpu.memory_space<vmem_shared>> -> memref<10240xf32, #tpu.memory_space<vmem_shared>>
    tpu.enqueue_indirect_dma source(%arg8 : memref<125xf32, #tpu.memory_space<vmem>>) target(%dma_start3A_33 : memref<10240xf32, #tpu.memory_space<vmem_shared>>) offsets(%dma_start3A_31 : memref<125xi32, #tpu.memory_space<vmem>>) semaphore(%arg14 : memref<!tpu.dma_semaphore, #tpu.memory_space<semaphore_mem>>) {add = true}
    %dma_start3A_34 = arith.constant 5 : i32
    %dma_start3A_35 = arith.constant 0 : i32
    %dma_start3A_36 = tpu.memref_slice %arg7[%dma_start3A_34, %dma_start3A_35] : memref<80x125xi32, #tpu.memory_space<vmem>> -> memref<1x125xi32, #tpu.memory_space<vmem>>
    %dma_start3A_37 = tpu.memref_squeeze %dma_start3A_36 : memref<1x125xi32, #tpu.memory_space<vmem>> -> memref<125xi32, #tpu.memory_space<vmem>>
    %dma_start3A_38 = arith.constant 0 : i32
    %dma_start3A_39 = tpu.memref_slice %arg9[%dma_start3A_38] : memref<10240xf32, #tpu.memory_space<vmem_shared>> -> memref<10240xf32, #tpu.memory_space<vmem_shared>>
    tpu.enqueue_indirect_dma source(%arg8 : memref<125xf32, #tpu.memory_space<vmem>>) target(%dma_start3A_39 : memref<10240xf32, #tpu.memory_space<vmem_shared>>) offsets(%dma_start3A_37 : memref<125xi32, #tpu.memory_space<vmem>>) semaphore(%arg15 : memref<!tpu.dma_semaphore, #tpu.memory_space<semaphore_mem>>) {add = true}
    %dma_start3A_40 = arith.constant 6 : i32
    %dma_start3A_41 = arith.constant 0 : i32
    %dma_start3A_42 = tpu.memref_slice %arg7[%dma_start3A_40, %dma_start3A_41] : memref<80x125xi32, #tpu.memory_space<vmem>> -> memref<1x125xi32, #tpu.memory_space<vmem>>
    %dma_start3A_43 = tpu.memref_squeeze %dma_start3A_42 : memref<1x125xi32, #tpu.memory_space<vmem>> -> memref<125xi32, #tpu.memory_space<vmem>>
    %dma_start3A_44 = arith.constant 0 : i32
    %dma_start3A_45 = tpu.memref_slice %arg9[%dma_start3A_44] : memref<10240xf32, #tpu.memory_space<vmem_shared>> -> memref<10240xf32, #tpu.memory_space<vmem_shared>>
    tpu.enqueue_indirect_dma source(%arg8 : memref<125xf32, #tpu.memory_space<vmem>>) target(%dma_start3A_45 : memref<10240xf32, #tpu.memory_space<vmem_shared>>) offsets(%dma_start3A_43 : memref<125xi32, #tpu.memory_space<vmem>>) semaphore(%arg16 : memref<!tpu.dma_semaphore, #tpu.memory_space<semaphore_mem>>) {add = true}
    %dma_start3A_46 = arith.constant 7 : i32
    %dma_start3A_47 = arith.constant 0 : i32
    %dma_start3A_48 = tpu.memref_slice %arg7[%dma_start3A_46, %dma_start3A_47] : memref<80x125xi32, #tpu.memory_space<vmem>> -> memref<1x125xi32, #tpu.memory_space<vmem>>
    %dma_start3A_49 = tpu.memref_squeeze %dma_start3A_48 : memref<1x125xi32, #tpu.memory_space<vmem>> -> memref<125xi32, #tpu.memory_space<vmem>>
    %dma_start3A_50 = arith.constant 0 : i32
    %dma_start3A_51 = tpu.memref_slice %arg9[%dma_start3A_50] : memref<10240xf32, #tpu.memory_space<vmem_shared>> -> memref<10240xf32, #tpu.memory_space<vmem_shared>>
    tpu.enqueue_indirect_dma source(%arg8 : memref<125xf32, #tpu.memory_space<vmem>>) target(%dma_start3A_51 : memref<10240xf32, #tpu.memory_space<vmem_shared>>) offsets(%dma_start3A_49 : memref<125xi32, #tpu.memory_space<vmem>>) semaphore(%arg17 : memref<!tpu.dma_semaphore, #tpu.memory_space<semaphore_mem>>) {add = true}
    %scan3A = arith.constant 0 : i32
    %scan3A_52 = arith.constant 0 : i32
    %scan3A_53 = arith.constant 9 : i32
    %scan3A_54 = arith.addi %scan3A_52, %scan3A_53 : i32
    %scan3A_55 = arith.constant 1 : i32
    scf.for %scan3A_112 = %scan3A_52 to %scan3A_54 step %scan3A_55  : i32 {
      %mul3A_113 = arith.constant 8 : i32
      %mul3A_114 = arith.muli %scan3A_112, %mul3A_113 : i32
      %add3A_115 = arith.constant 0 : i32
      %add3A_116 = arith.addi %mul3A_114, %add3A_115 : i32
      %dma_wait3A_117 = arith.constant 0 : i32
      %dma_wait3A_118 = tpu.memref_slice %arg7[%add3A_116, %dma_wait3A_117] : memref<80x125xi32, #tpu.memory_space<vmem>> -> memref<1x125xi32, #tpu.memory_space<vmem>>
      %dma_wait3A_119 = tpu.memref_squeeze %dma_wait3A_118 : memref<1x125xi32, #tpu.memory_space<vmem>> -> memref<125xi32, #tpu.memory_space<vmem>>
      %dma_wait3A_120 = arith.constant 0 : i32
      %dma_wait3A_121 = tpu.memref_slice %arg9[%dma_wait3A_120] : memref<10240xf32, #tpu.memory_space<vmem_shared>> -> memref<10240xf32, #tpu.memory_space<vmem_shared>>
      tpu.wait_indirect_dma semaphore(%arg10 : memref<!tpu.dma_semaphore, #tpu.memory_space<semaphore_mem>>) src(%arg8 : memref<125xf32, #tpu.memory_space<vmem>>) dst(%dma_wait3A_121 : memref<10240xf32, #tpu.memory_space<vmem_shared>>)
      %add3A_122 = arith.constant 8 : i32
      %add3A_123 = arith.addi %add3A_116, %add3A_122 : i32
      %dma_start3A_124 = arith.constant 0 : i32
      %dma_start3A_125 = tpu.memref_slice %arg7[%add3A_123, %dma_start3A_124] : memref<80x125xi32, #tpu.memory_space<vmem>> -> memref<1x125xi32, #tpu.memory_space<vmem>>
      %dma_start3A_126 = tpu.memref_squeeze %dma_start3A_125 : memref<1x125xi32, #tpu.memory_space<vmem>> -> memref<125xi32, #tpu.memory_space<vmem>>
      %dma_start3A_127 = arith.constant 0 : i32
      %dma_start3A_128 = tpu.memref_slice %arg9[%dma_start3A_127] : memref<10240xf32, #tpu.memory_space<vmem_shared>> -> memref<10240xf32, #tpu.memory_space<vmem_shared>>
      tpu.enqueue_indirect_dma source(%arg8 : memref<125xf32, #tpu.memory_space<vmem>>) target(%dma_start3A_128 : memref<10240xf32, #tpu.memory_space<vmem_shared>>) offsets(%dma_start3A_126 : memref<125xi32, #tpu.memory_space<vmem>>) semaphore(%arg10 : memref<!tpu.dma_semaphore, #tpu.memory_space<semaphore_mem>>) {add = true}
      %mul3A_129 = arith.constant 8 : i32
      %mul3A_130 = arith.muli %scan3A_112, %mul3A_129 : i32
      %add3A_131 = arith.constant 1 : i32
      %add3A_132 = arith.addi %mul3A_130, %add3A_131 : i32
      %dma_wait3A_133 = arith.constant 0 : i32
      %dma_wait3A_134 = tpu.memref_slice %arg7[%add3A_132, %dma_wait3A_133] : memref<80x125xi32, #tpu.memory_space<vmem>> -> memref<1x125xi32, #tpu.memory_space<vmem>>
      %dma_wait3A_135 = tpu.memref_squeeze %dma_wait3A_134 : memref<1x125xi32, #tpu.memory_space<vmem>> -> memref<125xi32, #tpu.memory_space<vmem>>
      %dma_wait3A_136 = arith.constant 0 : i32
      %dma_wait3A_137 = tpu.memref_slice %arg9[%dma_wait3A_136] : memref<10240xf32, #tpu.memory_space<vmem_shared>> -> memref<10240xf32, #tpu.memory_space<vmem_shared>>
      tpu.wait_indirect_dma semaphore(%arg11 : memref<!tpu.dma_semaphore, #tpu.memory_space<semaphore_mem>>) src(%arg8 : memref<125xf32, #tpu.memory_space<vmem>>) dst(%dma_wait3A_137 : memref<10240xf32, #tpu.memory_space<vmem_shared>>)
      %add3A_138 = arith.constant 8 : i32
      %add3A_139 = arith.addi %add3A_132, %add3A_138 : i32
      %dma_start3A_140 = arith.constant 0 : i32
      %dma_start3A_141 = tpu.memref_slice %arg7[%add3A_139, %dma_start3A_140] : memref<80x125xi32, #tpu.memory_space<vmem>> -> memref<1x125xi32, #tpu.memory_space<vmem>>
      %dma_start3A_142 = tpu.memref_squeeze %dma_start3A_141 : memref<1x125xi32, #tpu.memory_space<vmem>> -> memref<125xi32, #tpu.memory_space<vmem>>
      %dma_start3A_143 = arith.constant 0 : i32
      %dma_start3A_144 = tpu.memref_slice %arg9[%dma_start3A_143] : memref<10240xf32, #tpu.memory_space<vmem_shared>> -> memref<10240xf32, #tpu.memory_space<vmem_shared>>
      tpu.enqueue_indirect_dma source(%arg8 : memref<125xf32, #tpu.memory_space<vmem>>) target(%dma_start3A_144 : memref<10240xf32, #tpu.memory_space<vmem_shared>>) offsets(%dma_start3A_142 : memref<125xi32, #tpu.memory_space<vmem>>) semaphore(%arg11 : memref<!tpu.dma_semaphore, #tpu.memory_space<semaphore_mem>>) {add = true}
      %mul3A_145 = arith.constant 8 : i32
      %mul3A_146 = arith.muli %scan3A_112, %mul3A_145 : i32
      %add3A_147 = arith.constant 2 : i32
      %add3A_148 = arith.addi %mul3A_146, %add3A_147 : i32
      %dma_wait3A_149 = arith.constant 0 : i32
      %dma_wait3A_150 = tpu.memref_slice %arg7[%add3A_148, %dma_wait3A_149] : memref<80x125xi32, #tpu.memory_space<vmem>> -> memref<1x125xi32, #tpu.memory_space<vmem>>
      %dma_wait3A_151 = tpu.memref_squeeze %dma_wait3A_150 : memref<1x125xi32, #tpu.memory_space<vmem>> -> memref<125xi32, #tpu.memory_space<vmem>>
      %dma_wait3A_152 = arith.constant 0 : i32
      %dma_wait3A_153 = tpu.memref_slice %arg9[%dma_wait3A_152] : memref<10240xf32, #tpu.memory_space<vmem_shared>> -> memref<10240xf32, #tpu.memory_space<vmem_shared>>
      tpu.wait_indirect_dma semaphore(%arg12 : memref<!tpu.dma_semaphore, #tpu.memory_space<semaphore_mem>>) src(%arg8 : memref<125xf32, #tpu.memory_space<vmem>>) dst(%dma_wait3A_153 : memref<10240xf32, #tpu.memory_space<vmem_shared>>)
      %add3A_154 = arith.constant 8 : i32
      %add3A_155 = arith.addi %add3A_148, %add3A_154 : i32
      %dma_start3A_156 = arith.constant 0 : i32
      %dma_start3A_157 = tpu.memref_slice %arg7[%add3A_155, %dma_start3A_156] : memref<80x125xi32, #tpu.memory_space<vmem>> -> memref<1x125xi32, #tpu.memory_space<vmem>>
      %dma_start3A_158 = tpu.memref_squeeze %dma_start3A_157 : memref<1x125xi32, #tpu.memory_space<vmem>> -> memref<125xi32, #tpu.memory_space<vmem>>
      %dma_start3A_159 = arith.constant 0 : i32
      %dma_start3A_160 = tpu.memref_slice %arg9[%dma_start3A_159] : memref<10240xf32, #tpu.memory_space<vmem_shared>> -> memref<10240xf32, #tpu.memory_space<vmem_shared>>
      tpu.enqueue_indirect_dma source(%arg8 : memref<125xf32, #tpu.memory_space<vmem>>) target(%dma_start3A_160 : memref<10240xf32, #tpu.memory_space<vmem_shared>>) offsets(%dma_start3A_158 : memref<125xi32, #tpu.memory_space<vmem>>) semaphore(%arg12 : memref<!tpu.dma_semaphore, #tpu.memory_space<semaphore_mem>>) {add = true}
      %mul3A_161 = arith.constant 8 : i32
      %mul3A_162 = arith.muli %scan3A_112, %mul3A_161 : i32
      %add3A_163 = arith.constant 3 : i32
      %add3A_164 = arith.addi %mul3A_162, %add3A_163 : i32
      %dma_wait3A_165 = arith.constant 0 : i32
      %dma_wait3A_166 = tpu.memref_slice %arg7[%add3A_164, %dma_wait3A_165] : memref<80x125xi32, #tpu.memory_space<vmem>> -> memref<1x125xi32, #tpu.memory_space<vmem>>
      %dma_wait3A_167 = tpu.memref_squeeze %dma_wait3A_166 : memref<1x125xi32, #tpu.memory_space<vmem>> -> memref<125xi32, #tpu.memory_space<vmem>>
      %dma_wait3A_168 = arith.constant 0 : i32
      %dma_wait3A_169 = tpu.memref_slice %arg9[%dma_wait3A_168] : memref<10240xf32, #tpu.memory_space<vmem_shared>> -> memref<10240xf32, #tpu.memory_space<vmem_shared>>
      tpu.wait_indirect_dma semaphore(%arg13 : memref<!tpu.dma_semaphore, #tpu.memory_space<semaphore_mem>>) src(%arg8 : memref<125xf32, #tpu.memory_space<vmem>>) dst(%dma_wait3A_169 : memref<10240xf32, #tpu.memory_space<vmem_shared>>)
      %add3A_170 = arith.constant 8 : i32
      %add3A_171 = arith.addi %add3A_164, %add3A_170 : i32
      %dma_start3A_172 = arith.constant 0 : i32
      %dma_start3A_173 = tpu.memref_slice %arg7[%add3A_171, %dma_start3A_172] : memref<80x125xi32, #tpu.memory_space<vmem>> -> memref<1x125xi32, #tpu.memory_space<vmem>>
      %dma_start3A_174 = tpu.memref_squeeze %dma_start3A_173 : memref<1x125xi32, #tpu.memory_space<vmem>> -> memref<125xi32, #tpu.memory_space<vmem>>
      %dma_start3A_175 = arith.constant 0 : i32
      %dma_start3A_176 = tpu.memref_slice %arg9[%dma_start3A_175] : memref<10240xf32, #tpu.memory_space<vmem_shared>> -> memref<10240xf32, #tpu.memory_space<vmem_shared>>
      tpu.enqueue_indirect_dma source(%arg8 : memref<125xf32, #tpu.memory_space<vmem>>) target(%dma_start3A_176 : memref<10240xf32, #tpu.memory_space<vmem_shared>>) offsets(%dma_start3A_174 : memref<125xi32, #tpu.memory_space<vmem>>) semaphore(%arg13 : memref<!tpu.dma_semaphore, #tpu.memory_space<semaphore_mem>>) {add = true}
      %mul3A_177 = arith.constant 8 : i32
      %mul3A_178 = arith.muli %scan3A_112, %mul3A_177 : i32
      %add3A_179 = arith.constant 4 : i32
      %add3A_180 = arith.addi %mul3A_178, %add3A_179 : i32
      %dma_wait3A_181 = arith.constant 0 : i32
      %dma_wait3A_182 = tpu.memref_slice %arg7[%add3A_180, %dma_wait3A_181] : memref<80x125xi32, #tpu.memory_space<vmem>> -> memref<1x125xi32, #tpu.memory_space<vmem>>
      %dma_wait3A_183 = tpu.memref_squeeze %dma_wait3A_182 : memref<1x125xi32, #tpu.memory_space<vmem>> -> memref<125xi32, #tpu.memory_space<vmem>>
      %dma_wait3A_184 = arith.constant 0 : i32
      %dma_wait3A_185 = tpu.memref_slice %arg9[%dma_wait3A_184] : memref<10240xf32, #tpu.memory_space<vmem_shared>> -> memref<10240xf32, #tpu.memory_space<vmem_shared>>
      tpu.wait_indirect_dma semaphore(%arg14 : memref<!tpu.dma_semaphore, #tpu.memory_space<semaphore_mem>>) src(%arg8 : memref<125xf32, #tpu.memory_space<vmem>>) dst(%dma_wait3A_185 : memref<10240xf32, #tpu.memory_space<vmem_shared>>)
      %add3A_186 = arith.constant 8 : i32
      %add3A_187 = arith.addi %add3A_180, %add3A_186 : i32
      %dma_start3A_188 = arith.constant 0 : i32
      %dma_start3A_189 = tpu.memref_slice %arg7[%add3A_187, %dma_start3A_188] : memref<80x125xi32, #tpu.memory_space<vmem>> -> memref<1x125xi32, #tpu.memory_space<vmem>>
      %dma_start3A_190 = tpu.memref_squeeze %dma_start3A_189 : memref<1x125xi32, #tpu.memory_space<vmem>> -> memref<125xi32, #tpu.memory_space<vmem>>
      %dma_start3A_191 = arith.constant 0 : i32
      %dma_start3A_192 = tpu.memref_slice %arg9[%dma_start3A_191] : memref<10240xf32, #tpu.memory_space<vmem_shared>> -> memref<10240xf32, #tpu.memory_space<vmem_shared>>
      tpu.enqueue_indirect_dma source(%arg8 : memref<125xf32, #tpu.memory_space<vmem>>) target(%dma_start3A_192 : memref<10240xf32, #tpu.memory_space<vmem_shared>>) offsets(%dma_start3A_190 : memref<125xi32, #tpu.memory_space<vmem>>) semaphore(%arg14 : memref<!tpu.dma_semaphore, #tpu.memory_space<semaphore_mem>>) {add = true}
      %mul3A_193 = arith.constant 8 : i32
      %mul3A_194 = arith.muli %scan3A_112, %mul3A_193 : i32
      %add3A_195 = arith.constant 5 : i32
      %add3A_196 = arith.addi %mul3A_194, %add3A_195 : i32
      %dma_wait3A_197 = arith.constant 0 : i32
      %dma_wait3A_198 = tpu.memref_slice %arg7[%add3A_196, %dma_wait3A_197] : memref<80x125xi32, #tpu.memory_space<vmem>> -> memref<1x125xi32, #tpu.memory_space<vmem>>
      %dma_wait3A_199 = tpu.memref_squeeze %dma_wait3A_198 : memref<1x125xi32, #tpu.memory_space<vmem>> -> memref<125xi32, #tpu.memory_space<vmem>>
      %dma_wait3A_200 = arith.constant 0 : i32
      %dma_wait3A_201 = tpu.memref_slice %arg9[%dma_wait3A_200] : memref<10240xf32, #tpu.memory_space<vmem_shared>> -> memref<10240xf32, #tpu.memory_space<vmem_shared>>
      tpu.wait_indirect_dma semaphore(%arg15 : memref<!tpu.dma_semaphore, #tpu.memory_space<semaphore_mem>>) src(%arg8 : memref<125xf32, #tpu.memory_space<vmem>>) dst(%dma_wait3A_201 : memref<10240xf32, #tpu.memory_space<vmem_shared>>)
      %add3A_202 = arith.constant 8 : i32
      %add3A_203 = arith.addi %add3A_196, %add3A_202 : i32
      %dma_start3A_204 = arith.constant 0 : i32
      %dma_start3A_205 = tpu.memref_slice %arg7[%add3A_203, %dma_start3A_204] : memref<80x125xi32, #tpu.memory_space<vmem>> -> memref<1x125xi32, #tpu.memory_space<vmem>>
      %dma_start3A_206 = tpu.memref_squeeze %dma_start3A_205 : memref<1x125xi32, #tpu.memory_space<vmem>> -> memref<125xi32, #tpu.memory_space<vmem>>
      %dma_start3A_207 = arith.constant 0 : i32
      %dma_start3A_208 = tpu.memref_slice %arg9[%dma_start3A_207] : memref<10240xf32, #tpu.memory_space<vmem_shared>> -> memref<10240xf32, #tpu.memory_space<vmem_shared>>
      tpu.enqueue_indirect_dma source(%arg8 : memref<125xf32, #tpu.memory_space<vmem>>) target(%dma_start3A_208 : memref<10240xf32, #tpu.memory_space<vmem_shared>>) offsets(%dma_start3A_206 : memref<125xi32, #tpu.memory_space<vmem>>) semaphore(%arg15 : memref<!tpu.dma_semaphore, #tpu.memory_space<semaphore_mem>>) {add = true}
      %mul3A_209 = arith.constant 8 : i32
      %mul3A_210 = arith.muli %scan3A_112, %mul3A_209 : i32
      %add3A_211 = arith.constant 6 : i32
      %add3A_212 = arith.addi %mul3A_210, %add3A_211 : i32
      %dma_wait3A_213 = arith.constant 0 : i32
      %dma_wait3A_214 = tpu.memref_slice %arg7[%add3A_212, %dma_wait3A_213] : memref<80x125xi32, #tpu.memory_space<vmem>> -> memref<1x125xi32, #tpu.memory_space<vmem>>
      %dma_wait3A_215 = tpu.memref_squeeze %dma_wait3A_214 : memref<1x125xi32, #tpu.memory_space<vmem>> -> memref<125xi32, #tpu.memory_space<vmem>>
      %dma_wait3A_216 = arith.constant 0 : i32
      %dma_wait3A_217 = tpu.memref_slice %arg9[%dma_wait3A_216] : memref<10240xf32, #tpu.memory_space<vmem_shared>> -> memref<10240xf32, #tpu.memory_space<vmem_shared>>
      tpu.wait_indirect_dma semaphore(%arg16 : memref<!tpu.dma_semaphore, #tpu.memory_space<semaphore_mem>>) src(%arg8 : memref<125xf32, #tpu.memory_space<vmem>>) dst(%dma_wait3A_217 : memref<10240xf32, #tpu.memory_space<vmem_shared>>)
      %add3A_218 = arith.constant 8 : i32
      %add3A_219 = arith.addi %add3A_212, %add3A_218 : i32
      %dma_start3A_220 = arith.constant 0 : i32
      %dma_start3A_221 = tpu.memref_slice %arg7[%add3A_219, %dma_start3A_220] : memref<80x125xi32, #tpu.memory_space<vmem>> -> memref<1x125xi32, #tpu.memory_space<vmem>>
      %dma_start3A_222 = tpu.memref_squeeze %dma_start3A_221 : memref<1x125xi32, #tpu.memory_space<vmem>> -> memref<125xi32, #tpu.memory_space<vmem>>
      %dma_start3A_223 = arith.constant 0 : i32
      %dma_start3A_224 = tpu.memref_slice %arg9[%dma_start3A_223] : memref<10240xf32, #tpu.memory_space<vmem_shared>> -> memref<10240xf32, #tpu.memory_space<vmem_shared>>
      tpu.enqueue_indirect_dma source(%arg8 : memref<125xf32, #tpu.memory_space<vmem>>) target(%dma_start3A_224 : memref<10240xf32, #tpu.memory_space<vmem_shared>>) offsets(%dma_start3A_222 : memref<125xi32, #tpu.memory_space<vmem>>) semaphore(%arg16 : memref<!tpu.dma_semaphore, #tpu.memory_space<semaphore_mem>>) {add = true}
      %mul3A_225 = arith.constant 8 : i32
      %mul3A_226 = arith.muli %scan3A_112, %mul3A_225 : i32
      %add3A_227 = arith.constant 7 : i32
      %add3A_228 = arith.addi %mul3A_226, %add3A_227 : i32
      %dma_wait3A_229 = arith.constant 0 : i32
      %dma_wait3A_230 = tpu.memref_slice %arg7[%add3A_228, %dma_wait3A_229] : memref<80x125xi32, #tpu.memory_space<vmem>> -> memref<1x125xi32, #tpu.memory_space<vmem>>
      %dma_wait3A_231 = tpu.memref_squeeze %dma_wait3A_230 : memref<1x125xi32, #tpu.memory_space<vmem>> -> memref<125xi32, #tpu.memory_space<vmem>>
      %dma_wait3A_232 = arith.constant 0 : i32
      %dma_wait3A_233 = tpu.memref_slice %arg9[%dma_wait3A_232] : memref<10240xf32, #tpu.memory_space<vmem_shared>> -> memref<10240xf32, #tpu.memory_space<vmem_shared>>
      tpu.wait_indirect_dma semaphore(%arg17 : memref<!tpu.dma_semaphore, #tpu.memory_space<semaphore_mem>>) src(%arg8 : memref<125xf32, #tpu.memory_space<vmem>>) dst(%dma_wait3A_233 : memref<10240xf32, #tpu.memory_space<vmem_shared>>)
      %add3A_234 = arith.constant 8 : i32
      %add3A_235 = arith.addi %add3A_228, %add3A_234 : i32
      %dma_start3A_236 = arith.constant 0 : i32
      %dma_start3A_237 = tpu.memref_slice %arg7[%add3A_235, %dma_start3A_236] : memref<80x125xi32, #tpu.memory_space<vmem>> -> memref<1x125xi32, #tpu.memory_space<vmem>>
      %dma_start3A_238 = tpu.memref_squeeze %dma_start3A_237 : memref<1x125xi32, #tpu.memory_space<vmem>> -> memref<125xi32, #tpu.memory_space<vmem>>
      %dma_start3A_239 = arith.constant 0 : i32
      %dma_start3A_240 = tpu.memref_slice %arg9[%dma_start3A_239] : memref<10240xf32, #tpu.memory_space<vmem_shared>> -> memref<10240xf32, #tpu.memory_space<vmem_shared>>
      tpu.enqueue_indirect_dma source(%arg8 : memref<125xf32, #tpu.memory_space<vmem>>) target(%dma_start3A_240 : memref<10240xf32, #tpu.memory_space<vmem_shared>>) offsets(%dma_start3A_238 : memref<125xi32, #tpu.memory_space<vmem>>) semaphore(%arg17 : memref<!tpu.dma_semaphore, #tpu.memory_space<semaphore_mem>>) {add = true}
    }
    %scan3A_56 = arith.constant 9 : i32
    %dma_wait3A = arith.constant 0 : i32
    %dma_wait3A_57 = arith.constant 0 : i32
    %dma_wait3A_58 = tpu.memref_slice %arg7[%dma_wait3A, %dma_wait3A_57] : memref<80x125xi32, #tpu.memory_space<vmem>> -> memref<1x125xi32, #tpu.memory_space<vmem>>
    %dma_wait3A_59 = tpu.memref_squeeze %dma_wait3A_58 : memref<1x125xi32, #tpu.memory_space<vmem>> -> memref<125xi32, #tpu.memory_space<vmem>>
    %dma_wait3A_60 = arith.constant 0 : i32
    %dma_wait3A_61 = tpu.memref_slice %arg9[%dma_wait3A_60] : memref<10240xf32, #tpu.memory_space<vmem_shared>> -> memref<10240xf32, #tpu.memory_space<vmem_shared>>
    tpu.wait_indirect_dma semaphore(%arg10 : memref<!tpu.dma_semaphore, #tpu.memory_space<semaphore_mem>>) src(%arg8 : memref<125xf32, #tpu.memory_space<vmem>>) dst(%dma_wait3A_61 : memref<10240xf32, #tpu.memory_space<vmem_shared>>)
    %dma_wait3A_62 = arith.constant 1 : i32
    %dma_wait3A_63 = arith.constant 0 : i32
    %dma_wait3A_64 = tpu.memref_slice %arg7[%dma_wait3A_62, %dma_wait3A_63] : memref<80x125xi32, #tpu.memory_space<vmem>> -> memref<1x125xi32, #tpu.memory_space<vmem>>
    %dma_wait3A_65 = tpu.memref_squeeze %dma_wait3A_64 : memref<1x125xi32, #tpu.memory_space<vmem>> -> memref<125xi32, #tpu.memory_space<vmem>>
    %dma_wait3A_66 = arith.constant 0 : i32
    %dma_wait3A_67 = tpu.memref_slice %arg9[%dma_wait3A_66] : memref<10240xf32, #tpu.memory_space<vmem_shared>> -> memref<10240xf32, #tpu.memory_space<vmem_shared>>
    tpu.wait_indirect_dma semaphore(%arg11 : memref<!tpu.dma_semaphore, #tpu.memory_space<semaphore_mem>>) src(%arg8 : memref<125xf32, #tpu.memory_space<vmem>>) dst(%dma_wait3A_67 : memref<10240xf32, #tpu.memory_space<vmem_shared>>)
    %dma_wait3A_68 = arith.constant 2 : i32
    %dma_wait3A_69 = arith.constant 0 : i32
    %dma_wait3A_70 = tpu.memref_slice %arg7[%dma_wait3A_68, %dma_wait3A_69] : memref<80x125xi32, #tpu.memory_space<vmem>> -> memref<1x125xi32, #tpu.memory_space<vmem>>
    %dma_wait3A_71 = tpu.memref_squeeze %dma_wait3A_70 : memref<1x125xi32, #tpu.memory_space<vmem>> -> memref<125xi32, #tpu.memory_space<vmem>>
    %dma_wait3A_72 = arith.constant 0 : i32
    %dma_wait3A_73 = tpu.memref_slice %arg9[%dma_wait3A_72] : memref<10240xf32, #tpu.memory_space<vmem_shared>> -> memref<10240xf32, #tpu.memory_space<vmem_shared>>
    tpu.wait_indirect_dma semaphore(%arg12 : memref<!tpu.dma_semaphore, #tpu.memory_space<semaphore_mem>>) src(%arg8 : memref<125xf32, #tpu.memory_space<vmem>>) dst(%dma_wait3A_73 : memref<10240xf32, #tpu.memory_space<vmem_shared>>)
    %dma_wait3A_74 = arith.constant 3 : i32
    %dma_wait3A_75 = arith.constant 0 : i32
    %dma_wait3A_76 = tpu.memref_slice %arg7[%dma_wait3A_74, %dma_wait3A_75] : memref<80x125xi32, #tpu.memory_space<vmem>> -> memref<1x125xi32, #tpu.memory_space<vmem>>
    %dma_wait3A_77 = tpu.memref_squeeze %dma_wait3A_76 : memref<1x125xi32, #tpu.memory_space<vmem>> -> memref<125xi32, #tpu.memory_space<vmem>>
    %dma_wait3A_78 = arith.constant 0 : i32
    %dma_wait3A_79 = tpu.memref_slice %arg9[%dma_wait3A_78] : memref<10240xf32, #tpu.memory_space<vmem_shared>> -> memref<10240xf32, #tpu.memory_space<vmem_shared>>
    tpu.wait_indirect_dma semaphore(%arg13 : memref<!tpu.dma_semaphore, #tpu.memory_space<semaphore_mem>>) src(%arg8 : memref<125xf32, #tpu.memory_space<vmem>>) dst(%dma_wait3A_79 : memref<10240xf32, #tpu.memory_space<vmem_shared>>)
    %dma_wait3A_80 = arith.constant 4 : i32
    %dma_wait3A_81 = arith.constant 0 : i32
    %dma_wait3A_82 = tpu.memref_slice %arg7[%dma_wait3A_80, %dma_wait3A_81] : memref<80x125xi32, #tpu.memory_space<vmem>> -> memref<1x125xi32, #tpu.memory_space<vmem>>
    %dma_wait3A_83 = tpu.memref_squeeze %dma_wait3A_82 : memref<1x125xi32, #tpu.memory_space<vmem>> -> memref<125xi32, #tpu.memory_space<vmem>>
    %dma_wait3A_84 = arith.constant 0 : i32
    %dma_wait3A_85 = tpu.memref_slice %arg9[%dma_wait3A_84] : memref<10240xf32, #tpu.memory_space<vmem_shared>> -> memref<10240xf32, #tpu.memory_space<vmem_shared>>
    tpu.wait_indirect_dma semaphore(%arg14 : memref<!tpu.dma_semaphore, #tpu.memory_space<semaphore_mem>>) src(%arg8 : memref<125xf32, #tpu.memory_space<vmem>>) dst(%dma_wait3A_85 : memref<10240xf32, #tpu.memory_space<vmem_shared>>)
    %dma_wait3A_86 = arith.constant 5 : i32
    %dma_wait3A_87 = arith.constant 0 : i32
    %dma_wait3A_88 = tpu.memref_slice %arg7[%dma_wait3A_86, %dma_wait3A_87] : memref<80x125xi32, #tpu.memory_space<vmem>> -> memref<1x125xi32, #tpu.memory_space<vmem>>
    %dma_wait3A_89 = tpu.memref_squeeze %dma_wait3A_88 : memref<1x125xi32, #tpu.memory_space<vmem>> -> memref<125xi32, #tpu.memory_space<vmem>>
    %dma_wait3A_90 = arith.constant 0 : i32
    %dma_wait3A_91 = tpu.memref_slice %arg9[%dma_wait3A_90] : memref<10240xf32, #tpu.memory_space<vmem_shared>> -> memref<10240xf32, #tpu.memory_space<vmem_shared>>
    tpu.wait_indirect_dma semaphore(%arg15 : memref<!tpu.dma_semaphore, #tpu.memory_space<semaphore_mem>>) src(%arg8 : memref<125xf32, #tpu.memory_space<vmem>>) dst(%dma_wait3A_91 : memref<10240xf32, #tpu.memory_space<vmem_shared>>)
    %dma_wait3A_92 = arith.constant 6 : i32
    %dma_wait3A_93 = arith.constant 0 : i32
    %dma_wait3A_94 = tpu.memref_slice %arg7[%dma_wait3A_92, %dma_wait3A_93] : memref<80x125xi32, #tpu.memory_space<vmem>> -> memref<1x125xi32, #tpu.memory_space<vmem>>
    %dma_wait3A_95 = tpu.memref_squeeze %dma_wait3A_94 : memref<1x125xi32, #tpu.memory_space<vmem>> -> memref<125xi32, #tpu.memory_space<vmem>>
    %dma_wait3A_96 = arith.constant 0 : i32
    %dma_wait3A_97 = tpu.memref_slice %arg9[%dma_wait3A_96] : memref<10240xf32, #tpu.memory_space<vmem_shared>> -> memref<10240xf32, #tpu.memory_space<vmem_shared>>
    tpu.wait_indirect_dma semaphore(%arg16 : memref<!tpu.dma_semaphore, #tpu.memory_space<semaphore_mem>>) src(%arg8 : memref<125xf32, #tpu.memory_space<vmem>>) dst(%dma_wait3A_97 : memref<10240xf32, #tpu.memory_space<vmem_shared>>)
    %dma_wait3A_98 = arith.constant 7 : i32
    %dma_wait3A_99 = arith.constant 0 : i32
    %dma_wait3A_100 = tpu.memref_slice %arg7[%dma_wait3A_98, %dma_wait3A_99] : memref<80x125xi32, #tpu.memory_space<vmem>> -> memref<1x125xi32, #tpu.memory_space<vmem>>
    %dma_wait3A_101 = tpu.memref_squeeze %dma_wait3A_100 : memref<1x125xi32, #tpu.memory_space<vmem>> -> memref<125xi32, #tpu.memory_space<vmem>>
    %dma_wait3A_102 = arith.constant 0 : i32
    %dma_wait3A_103 = tpu.memref_slice %arg9[%dma_wait3A_102] : memref<10240xf32, #tpu.memory_space<vmem_shared>> -> memref<10240xf32, #tpu.memory_space<vmem_shared>>
    tpu.wait_indirect_dma semaphore(%arg17 : memref<!tpu.dma_semaphore, #tpu.memory_space<semaphore_mem>>) src(%arg8 : memref<125xf32, #tpu.memory_space<vmem>>) dst(%dma_wait3A_103 : memref<10240xf32, #tpu.memory_space<vmem_shared>>)
    %barrier3A_104 = arith.constant 0 : index
    tpu.barrier barrier_id(%barrier3A_104)
    %eq3A = arith.constant 0 : i32
    %eq3A_105 = arith.cmpi eq, %arg0, %eq3A : i32
    %convert_element_type3A = arith.extui %eq3A_105 : i1 to i32
    %cond3A = arith.constant 0 : i32
    %cond3A_106 = arith.cmpi ne, %convert_element_type3A, %cond3A : i32
    scf.if %cond3A_106 {
      %mul3A_112 = arith.constant 640 : i32
      %mul3A_113 = arith.muli %arg1, %mul3A_112 : i32
      %mul3A_114 = arith.constant 640 : i32
      %mul3A_115 = arith.muli %arg1, %mul3A_114 : i32
      "tpu.region"() ({
        %run_scoped3A_116 = tpu.sem_alloc : memref<!tpu.dma_semaphore, #tpu.memory_space<semaphore_mem>>
        %dma_start3A_117 = tpu.memref_slice %arg5[%mul3A_115] : memref<10240xf32, #tpu.memory_space<hbm>> -> memref<640xf32, #tpu.memory_space<hbm>>
        %dma_start3A_118 = tpu.memref_slice %arg9[%mul3A_113] : memref<10240xf32, #tpu.memory_space<vmem_shared>> -> memref<640xf32, #tpu.memory_space<vmem_shared>>
        tpu.enqueue_dma source(%dma_start3A_118 : memref<640xf32, #tpu.memory_space<vmem_shared>>) target(%dma_start3A_117 : memref<640xf32, #tpu.memory_space<hbm>>) target_semaphore(%run_scoped3A_116 : memref<!tpu.dma_semaphore, #tpu.memory_space<semaphore_mem>>)
        %dma_wait3A_119 = tpu.memref_slice %arg5[%mul3A_115] : memref<10240xf32, #tpu.memory_space<hbm>> -> memref<640xf32, #tpu.memory_space<hbm>>
        %dma_wait3A_120 = tpu.memref_slice %arg9[%mul3A_113] : memref<10240xf32, #tpu.memory_space<vmem_shared>> -> memref<640xf32, #tpu.memory_space<vmem_shared>>
        tpu.wait_dma2 semaphore(%run_scoped3A_116 : memref<!tpu.dma_semaphore, #tpu.memory_space<semaphore_mem>>) src(%dma_wait3A_120 : memref<640xf32, #tpu.memory_space<vmem_shared>>) dst(%dma_wait3A_119 : memref<640xf32, #tpu.memory_space<hbm>>)
        tpu.yield
      }) : () -> ()
    } else {
    }
    %eq3A_107 = arith.constant 1 : i32
    %eq3A_108 = arith.cmpi eq, %arg0, %eq3A_107 : i32
    %convert_element_type3A_109 = arith.extui %eq3A_108 : i1 to i32
    %cond3A_110 = arith.constant 0 : i32
    %cond3A_111 = arith.cmpi ne, %convert_element_type3A_109, %cond3A_110 : i32
    scf.if %cond3A_111 {
      %mul3A_112 = arith.constant 640 : i32
      %mul3A_113 = arith.muli %arg1, %mul3A_112 : i32
      %mul3A_114 = arith.constant 640 : i32
      %mul3A_115 = arith.muli %arg1, %mul3A_114 : i32
      "tpu.region"() ({
        %run_scoped3A_116 = tpu.sem_alloc : memref<!tpu.dma_semaphore, #tpu.memory_space<semaphore_mem>>
        %dma_start3A_117 = tpu.memref_slice %arg6[%mul3A_115] : memref<10240xf32, #tpu.memory_space<hbm>> -> memref<640xf32, #tpu.memory_space<hbm>>
        %dma_start3A_118 = tpu.memref_slice %arg9[%mul3A_113] : memref<10240xf32, #tpu.memory_space<vmem_shared>> -> memref<640xf32, #tpu.memory_space<vmem_shared>>
        tpu.enqueue_dma source(%dma_start3A_118 : memref<640xf32, #tpu.memory_space<vmem_shared>>) target(%dma_start3A_117 : memref<640xf32, #tpu.memory_space<hbm>>) target_semaphore(%run_scoped3A_116 : memref<!tpu.dma_semaphore, #tpu.memory_space<semaphore_mem>>)
        %dma_wait3A_119 = tpu.memref_slice %arg6[%mul3A_115] : memref<10240xf32, #tpu.memory_space<hbm>> -> memref<640xf32, #tpu.memory_space<hbm>>
        %dma_wait3A_120 = tpu.memref_slice %arg9[%mul3A_113] : memref<10240xf32, #tpu.memory_space<vmem_shared>> -> memref<640xf32, #tpu.memory_space<vmem_shared>>
        tpu.wait_dma2 semaphore(%run_scoped3A_116 : memref<!tpu.dma_semaphore, #tpu.memory_space<semaphore_mem>>) src(%dma_wait3A_120 : memref<640xf32, #tpu.memory_space<vmem_shared>>) dst(%dma_wait3A_119 : memref<640xf32, #tpu.memory_space<hbm>>)
        tpu.yield
      }) : () -> ()
    } else {
    }
    return
  }
}

#map = affine_map<(d0, d1) -> (0, 0)>
#map1 = affine_map<(d0, d1) -> (0, 0, 0, 0)>
module attributes {stable_mosaic.version = 14 : i64} {
  func.func @_hop_call(%arg0: i32, %arg1: i32, %arg2: memref<10240x64xf32, #tpu.memory_space<hbm>>, %arg3: memref<2x32x80x125xi32, #tpu.memory_space<hbm>>, %arg4: memref<640x64xf32, #tpu.memory_space<hbm>>, %arg5: memref<10240x64xf32, #tpu.memory_space<hbm>>, %arg6: memref<10240x64xf32, #tpu.memory_space<hbm>>, %arg7: memref<80x125xi32, #tpu.memory_space<vmem>>, %arg8: memref<80x125xi32, #tpu.memory_space<vmem>>, %arg9: memref<125x64xf32, #tpu.memory_space<vmem>>, %arg10: memref<125x64xf32, #tpu.memory_space<vmem>>, %arg11: memref<125x64xf32, #tpu.memory_space<vmem>>, %arg12: memref<125x64xf32, #tpu.memory_space<vmem>>, %arg13: memref<125x64xf32, #tpu.memory_space<vmem>>, %arg14: memref<125x64xf32, #tpu.memory_space<vmem>>, %arg15: memref<125x64xf32, #tpu.memory_space<vmem>>, %arg16: memref<125x64xf32, #tpu.memory_space<vmem>>, %arg17: memref<10240x64xf32, #tpu.memory_space<vmem_shared>>, %arg18: memref<!tpu.dma_semaphore, #tpu.memory_space<semaphore_mem>>, %arg19: memref<!tpu.dma_semaphore, #tpu.memory_space<semaphore_mem>>, %arg20: memref<!tpu.dma_semaphore, #tpu.memory_space<semaphore_mem>>, %arg21: memref<!tpu.dma_semaphore, #tpu.memory_space<semaphore_mem>>, %arg22: memref<!tpu.dma_semaphore, #tpu.memory_space<semaphore_mem>>, %arg23: memref<!tpu.dma_semaphore, #tpu.memory_space<semaphore_mem>>, %arg24: memref<!tpu.dma_semaphore, #tpu.memory_space<semaphore_mem>>, %arg25: memref<!tpu.dma_semaphore, #tpu.memory_space<semaphore_mem>>, %arg26: memref<!tpu.dma_semaphore, #tpu.memory_space<semaphore_mem>>, %arg27: memref<!tpu.dma_semaphore, #tpu.memory_space<semaphore_mem>>, %arg28: memref<!tpu.dma_semaphore, #tpu.memory_space<semaphore_mem>>, %arg29: memref<!tpu.dma_semaphore, #tpu.memory_space<semaphore_mem>>, %arg30: memref<!tpu.dma_semaphore, #tpu.memory_space<semaphore_mem>>, %arg31: memref<!tpu.dma_semaphore, #tpu.memory_space<semaphore_mem>>, %arg32: memref<!tpu.dma_semaphore, #tpu.memory_space<semaphore_mem>>, %arg33: memref<!tpu.dma_semaphore, #tpu.memory_space<semaphore_mem>>) attributes {dimension_semantics = [#tpu.dimension_semantics<core_parallel>, #tpu.dimension_semantics<subcore_parallel>], iteration_bounds = array<i64: 2, 16>, scalar_prefetch = 0 : i64, scratch_operands = 27 : i64, tpu.core_type = #tpu.core_type<sc_vector_subcore>, window_params = [{transform_indices = #map}, {transform_indices = #map1}, {transform_indices = #map}, {transform_indices = #map}, {transform_indices = #map}]} {
    %mul3A = arith.constant 16 : i32
    %mul3A_0 = arith.muli %arg0, %mul3A : i32
    %add3A = arith.addi %mul3A_0, %arg1 : i32
    %mul3A_1 = arith.constant 640 : i32
    %mul3A_2 = arith.muli %arg1, %mul3A_1 : i32
    "tpu.region"() ({
      %run_scoped3A_127 = tpu.sem_alloc : memref<!tpu.dma_semaphore, #tpu.memory_space<semaphore_mem>>
      %dma_start3A_128 = arith.constant 0 : i32
      %dma_start3A_129 = tpu.memref_slice %arg17[%mul3A_2, %dma_start3A_128] : memref<10240x64xf32, #tpu.memory_space<vmem_shared>> -> memref<640x64xf32, #tpu.memory_space<vmem_shared>>
      tpu.enqueue_dma source(%arg4 : memref<640x64xf32, #tpu.memory_space<hbm>>) target(%dma_start3A_129 : memref<640x64xf32, #tpu.memory_space<vmem_shared>>) target_semaphore(%run_scoped3A_127 : memref<!tpu.dma_semaphore, #tpu.memory_space<semaphore_mem>>)
      %dma_wait3A_130 = arith.constant 0 : i32
      %dma_wait3A_131 = tpu.memref_slice %arg17[%mul3A_2, %dma_wait3A_130] : memref<10240x64xf32, #tpu.memory_space<vmem_shared>> -> memref<640x64xf32, #tpu.memory_space<vmem_shared>>
      tpu.wait_dma2 semaphore(%run_scoped3A_127 : memref<!tpu.dma_semaphore, #tpu.memory_space<semaphore_mem>>) src(%arg4 : memref<640x64xf32, #tpu.memory_space<hbm>>) dst(%dma_wait3A_131 : memref<640x64xf32, #tpu.memory_space<vmem_shared>>)
      tpu.yield
    }) : () -> ()
    %run_scoped3A = arith.constant 0 : i32
    "tpu.region"() ({
      %run_scoped3A_127 = tpu.sem_alloc : memref<!tpu.dma_semaphore, #tpu.memory_space<semaphore_mem>>
      %dma_start3A_128 = arith.constant 0 : i32
      %dma_start3A_129 = arith.constant 0 : i32
      %dma_start3A_130 = tpu.memref_slice %arg3[%run_scoped3A, %add3A, %dma_start3A_128, %dma_start3A_129] : memref<2x32x80x125xi32, #tpu.memory_space<hbm>> -> memref<1x1x80x125xi32, #tpu.memory_space<hbm>>
      %dma_start3A_131 = tpu.memref_squeeze %dma_start3A_130 : memref<1x1x80x125xi32, #tpu.memory_space<hbm>> -> memref<80x125xi32, #tpu.memory_space<hbm>>
      %dma_start3A_132 = arith.constant 0 : i32
      %dma_start3A_133 = arith.constant 0 : i32
      %dma_start3A_134 = tpu.memref_slice %arg3[%run_scoped3A, %add3A, %dma_start3A_132, %dma_start3A_133] : memref<2x32x80x125xi32, #tpu.memory_space<hbm>> -> memref<1x1x80x125xi32, #tpu.memory_space<hbm>>
      %dma_start3A_135 = tpu.memref_squeeze %dma_start3A_134 : memref<1x1x80x125xi32, #tpu.memory_space<hbm>> -> memref<80x125xi32, #tpu.memory_space<hbm>>
      tpu.enqueue_dma source(%dma_start3A_135 : memref<80x125xi32, #tpu.memory_space<hbm>>) target(%arg7 : memref<80x125xi32, #tpu.memory_space<vmem>>) target_semaphore(%run_scoped3A_127 : memref<!tpu.dma_semaphore, #tpu.memory_space<semaphore_mem>>)
      %dma_wait3A_136 = arith.constant 0 : i32
      %dma_wait3A_137 = arith.constant 0 : i32
      %dma_wait3A_138 = tpu.memref_slice %arg3[%run_scoped3A, %add3A, %dma_wait3A_136, %dma_wait3A_137] : memref<2x32x80x125xi32, #tpu.memory_space<hbm>> -> memref<1x1x80x125xi32, #tpu.memory_space<hbm>>
      %dma_wait3A_139 = tpu.memref_squeeze %dma_wait3A_138 : memref<1x1x80x125xi32, #tpu.memory_space<hbm>> -> memref<80x125xi32, #tpu.memory_space<hbm>>
      %dma_wait3A_140 = arith.constant 0 : i32
      %dma_wait3A_141 = arith.constant 0 : i32
      %dma_wait3A_142 = tpu.memref_slice %arg3[%run_scoped3A, %add3A, %dma_wait3A_140, %dma_wait3A_141] : memref<2x32x80x125xi32, #tpu.memory_space<hbm>> -> memref<1x1x80x125xi32, #tpu.memory_space<hbm>>
      %dma_wait3A_143 = tpu.memref_squeeze %dma_wait3A_142 : memref<1x1x80x125xi32, #tpu.memory_space<hbm>> -> memref<80x125xi32, #tpu.memory_space<hbm>>
      tpu.wait_dma2 semaphore(%run_scoped3A_127 : memref<!tpu.dma_semaphore, #tpu.memory_space<semaphore_mem>>) src(%dma_wait3A_143 : memref<80x125xi32, #tpu.memory_space<hbm>>) dst(%arg7 : memref<80x125xi32, #tpu.memory_space<vmem>>)
      tpu.yield
    }) : () -> ()
    %run_scoped3A_3 = arith.constant 1 : i32
    "tpu.region"() ({
      %run_scoped3A_127 = tpu.sem_alloc : memref<!tpu.dma_semaphore, #tpu.memory_space<semaphore_mem>>
      %dma_start3A_128 = arith.constant 0 : i32
      %dma_start3A_129 = arith.constant 0 : i32
      %dma_start3A_130 = tpu.memref_slice %arg3[%run_scoped3A_3, %add3A, %dma_start3A_128, %dma_start3A_129] : memref<2x32x80x125xi32, #tpu.memory_space<hbm>> -> memref<1x1x80x125xi32, #tpu.memory_space<hbm>>
      %dma_start3A_131 = tpu.memref_squeeze %dma_start3A_130 : memref<1x1x80x125xi32, #tpu.memory_space<hbm>> -> memref<80x125xi32, #tpu.memory_space<hbm>>
      %dma_start3A_132 = arith.constant 0 : i32
      %dma_start3A_133 = arith.constant 0 : i32
      %dma_start3A_134 = tpu.memref_slice %arg3[%run_scoped3A_3, %add3A, %dma_start3A_132, %dma_start3A_133] : memref<2x32x80x125xi32, #tpu.memory_space<hbm>> -> memref<1x1x80x125xi32, #tpu.memory_space<hbm>>
      %dma_start3A_135 = tpu.memref_squeeze %dma_start3A_134 : memref<1x1x80x125xi32, #tpu.memory_space<hbm>> -> memref<80x125xi32, #tpu.memory_space<hbm>>
      tpu.enqueue_dma source(%dma_start3A_135 : memref<80x125xi32, #tpu.memory_space<hbm>>) target(%arg8 : memref<80x125xi32, #tpu.memory_space<vmem>>) target_semaphore(%run_scoped3A_127 : memref<!tpu.dma_semaphore, #tpu.memory_space<semaphore_mem>>)
      %dma_wait3A_136 = arith.constant 0 : i32
      %dma_wait3A_137 = arith.constant 0 : i32
      %dma_wait3A_138 = tpu.memref_slice %arg3[%run_scoped3A_3, %add3A, %dma_wait3A_136, %dma_wait3A_137] : memref<2x32x80x125xi32, #tpu.memory_space<hbm>> -> memref<1x1x80x125xi32, #tpu.memory_space<hbm>>
      %dma_wait3A_139 = tpu.memref_squeeze %dma_wait3A_138 : memref<1x1x80x125xi32, #tpu.memory_space<hbm>> -> memref<80x125xi32, #tpu.memory_space<hbm>>
      %dma_wait3A_140 = arith.constant 0 : i32
      %dma_wait3A_141 = arith.constant 0 : i32
      %dma_wait3A_142 = tpu.memref_slice %arg3[%run_scoped3A_3, %add3A, %dma_wait3A_140, %dma_wait3A_141] : memref<2x32x80x125xi32, #tpu.memory_space<hbm>> -> memref<1x1x80x125xi32, #tpu.memory_space<hbm>>
      %dma_wait3A_143 = tpu.memref_squeeze %dma_wait3A_142 : memref<1x1x80x125xi32, #tpu.memory_space<hbm>> -> memref<80x125xi32, #tpu.memory_space<hbm>>
      tpu.wait_dma2 semaphore(%run_scoped3A_127 : memref<!tpu.dma_semaphore, #tpu.memory_space<semaphore_mem>>) src(%dma_wait3A_143 : memref<80x125xi32, #tpu.memory_space<hbm>>) dst(%arg8 : memref<80x125xi32, #tpu.memory_space<vmem>>)
      tpu.yield
    }) : () -> ()
    %barrier3A = arith.constant 0 : index
    tpu.barrier barrier_id(%barrier3A)
    %dma_start3A = arith.constant 0 : i32
    %dma_start3A_4 = arith.constant 0 : i32
    %dma_start3A_5 = tpu.memref_slice %arg7[%dma_start3A, %dma_start3A_4] : memref<80x125xi32, #tpu.memory_space<vmem>> -> memref<1x125xi32, #tpu.memory_space<vmem>>
    %dma_start3A_6 = tpu.memref_squeeze %dma_start3A_5 : memref<1x125xi32, #tpu.memory_space<vmem>> -> memref<125xi32, #tpu.memory_space<vmem>>
    %dma_start3A_7 = arith.constant 0 : i32
    %dma_start3A_8 = arith.constant 0 : i32
    %dma_start3A_9 = tpu.memref_slice %arg2[%dma_start3A_7, %dma_start3A_8] : memref<10240x64xf32, #tpu.memory_space<hbm>> -> memref<10240x64xf32, #tpu.memory_space<hbm>>
    tpu.enqueue_indirect_dma source(%dma_start3A_9 : memref<10240x64xf32, #tpu.memory_space<hbm>>) target(%arg9 : memref<125x64xf32, #tpu.memory_space<vmem>>) offsets(%dma_start3A_6 : memref<125xi32, #tpu.memory_space<vmem>>) semaphore(%arg18 : memref<!tpu.dma_semaphore, #tpu.memory_space<semaphore_mem>>)
    %dma_start3A_10 = arith.constant 1 : i32
    %dma_start3A_11 = arith.constant 0 : i32
    %dma_start3A_12 = tpu.memref_slice %arg7[%dma_start3A_10, %dma_start3A_11] : memref<80x125xi32, #tpu.memory_space<vmem>> -> memref<1x125xi32, #tpu.memory_space<vmem>>
    %dma_start3A_13 = tpu.memref_squeeze %dma_start3A_12 : memref<1x125xi32, #tpu.memory_space<vmem>> -> memref<125xi32, #tpu.memory_space<vmem>>
    %dma_start3A_14 = arith.constant 0 : i32
    %dma_start3A_15 = arith.constant 0 : i32
    %dma_start3A_16 = tpu.memref_slice %arg2[%dma_start3A_14, %dma_start3A_15] : memref<10240x64xf32, #tpu.memory_space<hbm>> -> memref<10240x64xf32, #tpu.memory_space<hbm>>
    tpu.enqueue_indirect_dma source(%dma_start3A_16 : memref<10240x64xf32, #tpu.memory_space<hbm>>) target(%arg10 : memref<125x64xf32, #tpu.memory_space<vmem>>) offsets(%dma_start3A_13 : memref<125xi32, #tpu.memory_space<vmem>>) semaphore(%arg19 : memref<!tpu.dma_semaphore, #tpu.memory_space<semaphore_mem>>)
    %dma_start3A_17 = arith.constant 2 : i32
    %dma_start3A_18 = arith.constant 0 : i32
    %dma_start3A_19 = tpu.memref_slice %arg7[%dma_start3A_17, %dma_start3A_18] : memref<80x125xi32, #tpu.memory_space<vmem>> -> memref<1x125xi32, #tpu.memory_space<vmem>>
    %dma_start3A_20 = tpu.memref_squeeze %dma_start3A_19 : memref<1x125xi32, #tpu.memory_space<vmem>> -> memref<125xi32, #tpu.memory_space<vmem>>
    %dma_start3A_21 = arith.constant 0 : i32
    %dma_start3A_22 = arith.constant 0 : i32
    %dma_start3A_23 = tpu.memref_slice %arg2[%dma_start3A_21, %dma_start3A_22] : memref<10240x64xf32, #tpu.memory_space<hbm>> -> memref<10240x64xf32, #tpu.memory_space<hbm>>
    tpu.enqueue_indirect_dma source(%dma_start3A_23 : memref<10240x64xf32, #tpu.memory_space<hbm>>) target(%arg11 : memref<125x64xf32, #tpu.memory_space<vmem>>) offsets(%dma_start3A_20 : memref<125xi32, #tpu.memory_space<vmem>>) semaphore(%arg20 : memref<!tpu.dma_semaphore, #tpu.memory_space<semaphore_mem>>)
    %dma_start3A_24 = arith.constant 3 : i32
    %dma_start3A_25 = arith.constant 0 : i32
    %dma_start3A_26 = tpu.memref_slice %arg7[%dma_start3A_24, %dma_start3A_25] : memref<80x125xi32, #tpu.memory_space<vmem>> -> memref<1x125xi32, #tpu.memory_space<vmem>>
    %dma_start3A_27 = tpu.memref_squeeze %dma_start3A_26 : memref<1x125xi32, #tpu.memory_space<vmem>> -> memref<125xi32, #tpu.memory_space<vmem>>
    %dma_start3A_28 = arith.constant 0 : i32
    %dma_start3A_29 = arith.constant 0 : i32
    %dma_start3A_30 = tpu.memref_slice %arg2[%dma_start3A_28, %dma_start3A_29] : memref<10240x64xf32, #tpu.memory_space<hbm>> -> memref<10240x64xf32, #tpu.memory_space<hbm>>
    tpu.enqueue_indirect_dma source(%dma_start3A_30 : memref<10240x64xf32, #tpu.memory_space<hbm>>) target(%arg12 : memref<125x64xf32, #tpu.memory_space<vmem>>) offsets(%dma_start3A_27 : memref<125xi32, #tpu.memory_space<vmem>>) semaphore(%arg21 : memref<!tpu.dma_semaphore, #tpu.memory_space<semaphore_mem>>)
    %dma_start3A_31 = arith.constant 4 : i32
    %dma_start3A_32 = arith.constant 0 : i32
    %dma_start3A_33 = tpu.memref_slice %arg7[%dma_start3A_31, %dma_start3A_32] : memref<80x125xi32, #tpu.memory_space<vmem>> -> memref<1x125xi32, #tpu.memory_space<vmem>>
    %dma_start3A_34 = tpu.memref_squeeze %dma_start3A_33 : memref<1x125xi32, #tpu.memory_space<vmem>> -> memref<125xi32, #tpu.memory_space<vmem>>
    %dma_start3A_35 = arith.constant 0 : i32
    %dma_start3A_36 = arith.constant 0 : i32
    %dma_start3A_37 = tpu.memref_slice %arg2[%dma_start3A_35, %dma_start3A_36] : memref<10240x64xf32, #tpu.memory_space<hbm>> -> memref<10240x64xf32, #tpu.memory_space<hbm>>
    tpu.enqueue_indirect_dma source(%dma_start3A_37 : memref<10240x64xf32, #tpu.memory_space<hbm>>) target(%arg13 : memref<125x64xf32, #tpu.memory_space<vmem>>) offsets(%dma_start3A_34 : memref<125xi32, #tpu.memory_space<vmem>>) semaphore(%arg22 : memref<!tpu.dma_semaphore, #tpu.memory_space<semaphore_mem>>)
    %dma_start3A_38 = arith.constant 5 : i32
    %dma_start3A_39 = arith.constant 0 : i32
    %dma_start3A_40 = tpu.memref_slice %arg7[%dma_start3A_38, %dma_start3A_39] : memref<80x125xi32, #tpu.memory_space<vmem>> -> memref<1x125xi32, #tpu.memory_space<vmem>>
    %dma_start3A_41 = tpu.memref_squeeze %dma_start3A_40 : memref<1x125xi32, #tpu.memory_space<vmem>> -> memref<125xi32, #tpu.memory_space<vmem>>
    %dma_start3A_42 = arith.constant 0 : i32
    %dma_start3A_43 = arith.constant 0 : i32
    %dma_start3A_44 = tpu.memref_slice %arg2[%dma_start3A_42, %dma_start3A_43] : memref<10240x64xf32, #tpu.memory_space<hbm>> -> memref<10240x64xf32, #tpu.memory_space<hbm>>
    tpu.enqueue_indirect_dma source(%dma_start3A_44 : memref<10240x64xf32, #tpu.memory_space<hbm>>) target(%arg14 : memref<125x64xf32, #tpu.memory_space<vmem>>) offsets(%dma_start3A_41 : memref<125xi32, #tpu.memory_space<vmem>>) semaphore(%arg23 : memref<!tpu.dma_semaphore, #tpu.memory_space<semaphore_mem>>)
    %dma_start3A_45 = arith.constant 6 : i32
    %dma_start3A_46 = arith.constant 0 : i32
    %dma_start3A_47 = tpu.memref_slice %arg7[%dma_start3A_45, %dma_start3A_46] : memref<80x125xi32, #tpu.memory_space<vmem>> -> memref<1x125xi32, #tpu.memory_space<vmem>>
    %dma_start3A_48 = tpu.memref_squeeze %dma_start3A_47 : memref<1x125xi32, #tpu.memory_space<vmem>> -> memref<125xi32, #tpu.memory_space<vmem>>
    %dma_start3A_49 = arith.constant 0 : i32
    %dma_start3A_50 = arith.constant 0 : i32
    %dma_start3A_51 = tpu.memref_slice %arg2[%dma_start3A_49, %dma_start3A_50] : memref<10240x64xf32, #tpu.memory_space<hbm>> -> memref<10240x64xf32, #tpu.memory_space<hbm>>
    tpu.enqueue_indirect_dma source(%dma_start3A_51 : memref<10240x64xf32, #tpu.memory_space<hbm>>) target(%arg15 : memref<125x64xf32, #tpu.memory_space<vmem>>) offsets(%dma_start3A_48 : memref<125xi32, #tpu.memory_space<vmem>>) semaphore(%arg24 : memref<!tpu.dma_semaphore, #tpu.memory_space<semaphore_mem>>)
    %dma_start3A_52 = arith.constant 7 : i32
    %dma_start3A_53 = arith.constant 0 : i32
    %dma_start3A_54 = tpu.memref_slice %arg7[%dma_start3A_52, %dma_start3A_53] : memref<80x125xi32, #tpu.memory_space<vmem>> -> memref<1x125xi32, #tpu.memory_space<vmem>>
    %dma_start3A_55 = tpu.memref_squeeze %dma_start3A_54 : memref<1x125xi32, #tpu.memory_space<vmem>> -> memref<125xi32, #tpu.memory_space<vmem>>
    %dma_start3A_56 = arith.constant 0 : i32
    %dma_start3A_57 = arith.constant 0 : i32
    %dma_start3A_58 = tpu.memref_slice %arg2[%dma_start3A_56, %dma_start3A_57] : memref<10240x64xf32, #tpu.memory_space<hbm>> -> memref<10240x64xf32, #tpu.memory_space<hbm>>
    tpu.enqueue_indirect_dma source(%dma_start3A_58 : memref<10240x64xf32, #tpu.memory_space<hbm>>) target(%arg16 : memref<125x64xf32, #tpu.memory_space<vmem>>) offsets(%dma_start3A_55 : memref<125xi32, #tpu.memory_space<vmem>>) semaphore(%arg25 : memref<!tpu.dma_semaphore, #tpu.memory_space<semaphore_mem>>)
    %scan3A = arith.constant 0 : i32
    %scan3A_59 = arith.constant 0 : i32
    %scan3A_60 = arith.constant 10 : i32
    %scan3A_61 = arith.addi %scan3A_59, %scan3A_60 : i32
    %scan3A_62 = arith.constant 1 : i32
    scf.for %scan3A_127 = %scan3A_59 to %scan3A_61 step %scan3A_62  : i32 {
      %mul3A_128 = arith.constant 8 : i32
      %mul3A_129 = arith.muli %scan3A_127, %mul3A_128 : i32
      %add3A_130 = arith.constant 0 : i32
      %add3A_131 = arith.addi %mul3A_129, %add3A_130 : i32
      %dma_wait3A_132 = arith.constant 0 : i32
      %dma_wait3A_133 = tpu.memref_slice %arg7[%add3A_131, %dma_wait3A_132] : memref<80x125xi32, #tpu.memory_space<vmem>> -> memref<1x125xi32, #tpu.memory_space<vmem>>
      %dma_wait3A_134 = tpu.memref_squeeze %dma_wait3A_133 : memref<1x125xi32, #tpu.memory_space<vmem>> -> memref<125xi32, #tpu.memory_space<vmem>>
      %dma_wait3A_135 = arith.constant 0 : i32
      %dma_wait3A_136 = arith.constant 0 : i32
      %dma_wait3A_137 = tpu.memref_slice %arg2[%dma_wait3A_135, %dma_wait3A_136] : memref<10240x64xf32, #tpu.memory_space<hbm>> -> memref<10240x64xf32, #tpu.memory_space<hbm>>
      tpu.wait_indirect_dma semaphore(%arg18 : memref<!tpu.dma_semaphore, #tpu.memory_space<semaphore_mem>>) src(%dma_wait3A_137 : memref<10240x64xf32, #tpu.memory_space<hbm>>) dst(%arg9 : memref<125x64xf32, #tpu.memory_space<vmem>>)
      %dma_start3A_138 = arith.constant 0 : i32
      %dma_start3A_139 = tpu.memref_slice %arg8[%add3A_131, %dma_start3A_138] : memref<80x125xi32, #tpu.memory_space<vmem>> -> memref<1x125xi32, #tpu.memory_space<vmem>>
      %dma_start3A_140 = tpu.memref_squeeze %dma_start3A_139 : memref<1x125xi32, #tpu.memory_space<vmem>> -> memref<125xi32, #tpu.memory_space<vmem>>
      %dma_start3A_141 = arith.constant 0 : i32
      %dma_start3A_142 = arith.constant 0 : i32
      %dma_start3A_143 = tpu.memref_slice %arg17[%dma_start3A_141, %dma_start3A_142] : memref<10240x64xf32, #tpu.memory_space<vmem_shared>> -> memref<10240x64xf32, #tpu.memory_space<vmem_shared>>
      tpu.enqueue_indirect_dma source(%arg9 : memref<125x64xf32, #tpu.memory_space<vmem>>) target(%dma_start3A_143 : memref<10240x64xf32, #tpu.memory_space<vmem_shared>>) offsets(%dma_start3A_140 : memref<125xi32, #tpu.memory_space<vmem>>) semaphore(%arg26 : memref<!tpu.dma_semaphore, #tpu.memory_space<semaphore_mem>>) {add = true}
      %mul3A_144 = arith.constant 8 : i32
      %mul3A_145 = arith.muli %scan3A_127, %mul3A_144 : i32
      %add3A_146 = arith.constant 1 : i32
      %add3A_147 = arith.addi %mul3A_145, %add3A_146 : i32
      %dma_wait3A_148 = arith.constant 0 : i32
      %dma_wait3A_149 = tpu.memref_slice %arg7[%add3A_147, %dma_wait3A_148] : memref<80x125xi32, #tpu.memory_space<vmem>> -> memref<1x125xi32, #tpu.memory_space<vmem>>
      %dma_wait3A_150 = tpu.memref_squeeze %dma_wait3A_149 : memref<1x125xi32, #tpu.memory_space<vmem>> -> memref<125xi32, #tpu.memory_space<vmem>>
      %dma_wait3A_151 = arith.constant 0 : i32
      %dma_wait3A_152 = arith.constant 0 : i32
      %dma_wait3A_153 = tpu.memref_slice %arg2[%dma_wait3A_151, %dma_wait3A_152] : memref<10240x64xf32, #tpu.memory_space<hbm>> -> memref<10240x64xf32, #tpu.memory_space<hbm>>
      tpu.wait_indirect_dma semaphore(%arg19 : memref<!tpu.dma_semaphore, #tpu.memory_space<semaphore_mem>>) src(%dma_wait3A_153 : memref<10240x64xf32, #tpu.memory_space<hbm>>) dst(%arg10 : memref<125x64xf32, #tpu.memory_space<vmem>>)
      %dma_start3A_154 = arith.constant 0 : i32
      %dma_start3A_155 = tpu.memref_slice %arg8[%add3A_147, %dma_start3A_154] : memref<80x125xi32, #tpu.memory_space<vmem>> -> memref<1x125xi32, #tpu.memory_space<vmem>>
      %dma_start3A_156 = tpu.memref_squeeze %dma_start3A_155 : memref<1x125xi32, #tpu.memory_space<vmem>> -> memref<125xi32, #tpu.memory_space<vmem>>
      %dma_start3A_157 = arith.constant 0 : i32
      %dma_start3A_158 = arith.constant 0 : i32
      %dma_start3A_159 = tpu.memref_slice %arg17[%dma_start3A_157, %dma_start3A_158] : memref<10240x64xf32, #tpu.memory_space<vmem_shared>> -> memref<10240x64xf32, #tpu.memory_space<vmem_shared>>
      tpu.enqueue_indirect_dma source(%arg10 : memref<125x64xf32, #tpu.memory_space<vmem>>) target(%dma_start3A_159 : memref<10240x64xf32, #tpu.memory_space<vmem_shared>>) offsets(%dma_start3A_156 : memref<125xi32, #tpu.memory_space<vmem>>) semaphore(%arg27 : memref<!tpu.dma_semaphore, #tpu.memory_space<semaphore_mem>>) {add = true}
      %mul3A_160 = arith.constant 8 : i32
      %mul3A_161 = arith.muli %scan3A_127, %mul3A_160 : i32
      %add3A_162 = arith.constant 2 : i32
      %add3A_163 = arith.addi %mul3A_161, %add3A_162 : i32
      %dma_wait3A_164 = arith.constant 0 : i32
      %dma_wait3A_165 = tpu.memref_slice %arg7[%add3A_163, %dma_wait3A_164] : memref<80x125xi32, #tpu.memory_space<vmem>> -> memref<1x125xi32, #tpu.memory_space<vmem>>
      %dma_wait3A_166 = tpu.memref_squeeze %dma_wait3A_165 : memref<1x125xi32, #tpu.memory_space<vmem>> -> memref<125xi32, #tpu.memory_space<vmem>>
      %dma_wait3A_167 = arith.constant 0 : i32
      %dma_wait3A_168 = arith.constant 0 : i32
      %dma_wait3A_169 = tpu.memref_slice %arg2[%dma_wait3A_167, %dma_wait3A_168] : memref<10240x64xf32, #tpu.memory_space<hbm>> -> memref<10240x64xf32, #tpu.memory_space<hbm>>
      tpu.wait_indirect_dma semaphore(%arg20 : memref<!tpu.dma_semaphore, #tpu.memory_space<semaphore_mem>>) src(%dma_wait3A_169 : memref<10240x64xf32, #tpu.memory_space<hbm>>) dst(%arg11 : memref<125x64xf32, #tpu.memory_space<vmem>>)
      %dma_start3A_170 = arith.constant 0 : i32
      %dma_start3A_171 = tpu.memref_slice %arg8[%add3A_163, %dma_start3A_170] : memref<80x125xi32, #tpu.memory_space<vmem>> -> memref<1x125xi32, #tpu.memory_space<vmem>>
      %dma_start3A_172 = tpu.memref_squeeze %dma_start3A_171 : memref<1x125xi32, #tpu.memory_space<vmem>> -> memref<125xi32, #tpu.memory_space<vmem>>
      %dma_start3A_173 = arith.constant 0 : i32
      %dma_start3A_174 = arith.constant 0 : i32
      %dma_start3A_175 = tpu.memref_slice %arg17[%dma_start3A_173, %dma_start3A_174] : memref<10240x64xf32, #tpu.memory_space<vmem_shared>> -> memref<10240x64xf32, #tpu.memory_space<vmem_shared>>
      tpu.enqueue_indirect_dma source(%arg11 : memref<125x64xf32, #tpu.memory_space<vmem>>) target(%dma_start3A_175 : memref<10240x64xf32, #tpu.memory_space<vmem_shared>>) offsets(%dma_start3A_172 : memref<125xi32, #tpu.memory_space<vmem>>) semaphore(%arg28 : memref<!tpu.dma_semaphore, #tpu.memory_space<semaphore_mem>>) {add = true}
      %mul3A_176 = arith.constant 8 : i32
      %mul3A_177 = arith.muli %scan3A_127, %mul3A_176 : i32
      %add3A_178 = arith.constant 3 : i32
      %add3A_179 = arith.addi %mul3A_177, %add3A_178 : i32
      %dma_wait3A_180 = arith.constant 0 : i32
      %dma_wait3A_181 = tpu.memref_slice %arg7[%add3A_179, %dma_wait3A_180] : memref<80x125xi32, #tpu.memory_space<vmem>> -> memref<1x125xi32, #tpu.memory_space<vmem>>
      %dma_wait3A_182 = tpu.memref_squeeze %dma_wait3A_181 : memref<1x125xi32, #tpu.memory_space<vmem>> -> memref<125xi32, #tpu.memory_space<vmem>>
      %dma_wait3A_183 = arith.constant 0 : i32
      %dma_wait3A_184 = arith.constant 0 : i32
      %dma_wait3A_185 = tpu.memref_slice %arg2[%dma_wait3A_183, %dma_wait3A_184] : memref<10240x64xf32, #tpu.memory_space<hbm>> -> memref<10240x64xf32, #tpu.memory_space<hbm>>
      tpu.wait_indirect_dma semaphore(%arg21 : memref<!tpu.dma_semaphore, #tpu.memory_space<semaphore_mem>>) src(%dma_wait3A_185 : memref<10240x64xf32, #tpu.memory_space<hbm>>) dst(%arg12 : memref<125x64xf32, #tpu.memory_space<vmem>>)
      %dma_start3A_186 = arith.constant 0 : i32
      %dma_start3A_187 = tpu.memref_slice %arg8[%add3A_179, %dma_start3A_186] : memref<80x125xi32, #tpu.memory_space<vmem>> -> memref<1x125xi32, #tpu.memory_space<vmem>>
      %dma_start3A_188 = tpu.memref_squeeze %dma_start3A_187 : memref<1x125xi32, #tpu.memory_space<vmem>> -> memref<125xi32, #tpu.memory_space<vmem>>
      %dma_start3A_189 = arith.constant 0 : i32
      %dma_start3A_190 = arith.constant 0 : i32
      %dma_start3A_191 = tpu.memref_slice %arg17[%dma_start3A_189, %dma_start3A_190] : memref<10240x64xf32, #tpu.memory_space<vmem_shared>> -> memref<10240x64xf32, #tpu.memory_space<vmem_shared>>
      tpu.enqueue_indirect_dma source(%arg12 : memref<125x64xf32, #tpu.memory_space<vmem>>) target(%dma_start3A_191 : memref<10240x64xf32, #tpu.memory_space<vmem_shared>>) offsets(%dma_start3A_188 : memref<125xi32, #tpu.memory_space<vmem>>) semaphore(%arg29 : memref<!tpu.dma_semaphore, #tpu.memory_space<semaphore_mem>>) {add = true}
      %mul3A_192 = arith.constant 8 : i32
      %mul3A_193 = arith.muli %scan3A_127, %mul3A_192 : i32
      %add3A_194 = arith.constant 4 : i32
      %add3A_195 = arith.addi %mul3A_193, %add3A_194 : i32
      %dma_wait3A_196 = arith.constant 0 : i32
      %dma_wait3A_197 = tpu.memref_slice %arg7[%add3A_195, %dma_wait3A_196] : memref<80x125xi32, #tpu.memory_space<vmem>> -> memref<1x125xi32, #tpu.memory_space<vmem>>
      %dma_wait3A_198 = tpu.memref_squeeze %dma_wait3A_197 : memref<1x125xi32, #tpu.memory_space<vmem>> -> memref<125xi32, #tpu.memory_space<vmem>>
      %dma_wait3A_199 = arith.constant 0 : i32
      %dma_wait3A_200 = arith.constant 0 : i32
      %dma_wait3A_201 = tpu.memref_slice %arg2[%dma_wait3A_199, %dma_wait3A_200] : memref<10240x64xf32, #tpu.memory_space<hbm>> -> memref<10240x64xf32, #tpu.memory_space<hbm>>
      tpu.wait_indirect_dma semaphore(%arg22 : memref<!tpu.dma_semaphore, #tpu.memory_space<semaphore_mem>>) src(%dma_wait3A_201 : memref<10240x64xf32, #tpu.memory_space<hbm>>) dst(%arg13 : memref<125x64xf32, #tpu.memory_space<vmem>>)
      %dma_start3A_202 = arith.constant 0 : i32
      %dma_start3A_203 = tpu.memref_slice %arg8[%add3A_195, %dma_start3A_202] : memref<80x125xi32, #tpu.memory_space<vmem>> -> memref<1x125xi32, #tpu.memory_space<vmem>>
      %dma_start3A_204 = tpu.memref_squeeze %dma_start3A_203 : memref<1x125xi32, #tpu.memory_space<vmem>> -> memref<125xi32, #tpu.memory_space<vmem>>
      %dma_start3A_205 = arith.constant 0 : i32
      %dma_start3A_206 = arith.constant 0 : i32
      %dma_start3A_207 = tpu.memref_slice %arg17[%dma_start3A_205, %dma_start3A_206] : memref<10240x64xf32, #tpu.memory_space<vmem_shared>> -> memref<10240x64xf32, #tpu.memory_space<vmem_shared>>
      tpu.enqueue_indirect_dma source(%arg13 : memref<125x64xf32, #tpu.memory_space<vmem>>) target(%dma_start3A_207 : memref<10240x64xf32, #tpu.memory_space<vmem_shared>>) offsets(%dma_start3A_204 : memref<125xi32, #tpu.memory_space<vmem>>) semaphore(%arg30 : memref<!tpu.dma_semaphore, #tpu.memory_space<semaphore_mem>>) {add = true}
      %mul3A_208 = arith.constant 8 : i32
      %mul3A_209 = arith.muli %scan3A_127, %mul3A_208 : i32
      %add3A_210 = arith.constant 5 : i32
      %add3A_211 = arith.addi %mul3A_209, %add3A_210 : i32
      %dma_wait3A_212 = arith.constant 0 : i32
      %dma_wait3A_213 = tpu.memref_slice %arg7[%add3A_211, %dma_wait3A_212] : memref<80x125xi32, #tpu.memory_space<vmem>> -> memref<1x125xi32, #tpu.memory_space<vmem>>
      %dma_wait3A_214 = tpu.memref_squeeze %dma_wait3A_213 : memref<1x125xi32, #tpu.memory_space<vmem>> -> memref<125xi32, #tpu.memory_space<vmem>>
      %dma_wait3A_215 = arith.constant 0 : i32
      %dma_wait3A_216 = arith.constant 0 : i32
      %dma_wait3A_217 = tpu.memref_slice %arg2[%dma_wait3A_215, %dma_wait3A_216] : memref<10240x64xf32, #tpu.memory_space<hbm>> -> memref<10240x64xf32, #tpu.memory_space<hbm>>
      tpu.wait_indirect_dma semaphore(%arg23 : memref<!tpu.dma_semaphore, #tpu.memory_space<semaphore_mem>>) src(%dma_wait3A_217 : memref<10240x64xf32, #tpu.memory_space<hbm>>) dst(%arg14 : memref<125x64xf32, #tpu.memory_space<vmem>>)
      %dma_start3A_218 = arith.constant 0 : i32
      %dma_start3A_219 = tpu.memref_slice %arg8[%add3A_211, %dma_start3A_218] : memref<80x125xi32, #tpu.memory_space<vmem>> -> memref<1x125xi32, #tpu.memory_space<vmem>>
      %dma_start3A_220 = tpu.memref_squeeze %dma_start3A_219 : memref<1x125xi32, #tpu.memory_space<vmem>> -> memref<125xi32, #tpu.memory_space<vmem>>
      %dma_start3A_221 = arith.constant 0 : i32
      %dma_start3A_222 = arith.constant 0 : i32
      %dma_start3A_223 = tpu.memref_slice %arg17[%dma_start3A_221, %dma_start3A_222] : memref<10240x64xf32, #tpu.memory_space<vmem_shared>> -> memref<10240x64xf32, #tpu.memory_space<vmem_shared>>
      tpu.enqueue_indirect_dma source(%arg14 : memref<125x64xf32, #tpu.memory_space<vmem>>) target(%dma_start3A_223 : memref<10240x64xf32, #tpu.memory_space<vmem_shared>>) offsets(%dma_start3A_220 : memref<125xi32, #tpu.memory_space<vmem>>) semaphore(%arg31 : memref<!tpu.dma_semaphore, #tpu.memory_space<semaphore_mem>>) {add = true}
      %mul3A_224 = arith.constant 8 : i32
      %mul3A_225 = arith.muli %scan3A_127, %mul3A_224 : i32
      %add3A_226 = arith.constant 6 : i32
      %add3A_227 = arith.addi %mul3A_225, %add3A_226 : i32
      %dma_wait3A_228 = arith.constant 0 : i32
      %dma_wait3A_229 = tpu.memref_slice %arg7[%add3A_227, %dma_wait3A_228] : memref<80x125xi32, #tpu.memory_space<vmem>> -> memref<1x125xi32, #tpu.memory_space<vmem>>
      %dma_wait3A_230 = tpu.memref_squeeze %dma_wait3A_229 : memref<1x125xi32, #tpu.memory_space<vmem>> -> memref<125xi32, #tpu.memory_space<vmem>>
      %dma_wait3A_231 = arith.constant 0 : i32
      %dma_wait3A_232 = arith.constant 0 : i32
      %dma_wait3A_233 = tpu.memref_slice %arg2[%dma_wait3A_231, %dma_wait3A_232] : memref<10240x64xf32, #tpu.memory_space<hbm>> -> memref<10240x64xf32, #tpu.memory_space<hbm>>
      tpu.wait_indirect_dma semaphore(%arg24 : memref<!tpu.dma_semaphore, #tpu.memory_space<semaphore_mem>>) src(%dma_wait3A_233 : memref<10240x64xf32, #tpu.memory_space<hbm>>) dst(%arg15 : memref<125x64xf32, #tpu.memory_space<vmem>>)
      %dma_start3A_234 = arith.constant 0 : i32
      %dma_start3A_235 = tpu.memref_slice %arg8[%add3A_227, %dma_start3A_234] : memref<80x125xi32, #tpu.memory_space<vmem>> -> memref<1x125xi32, #tpu.memory_space<vmem>>
      %dma_start3A_236 = tpu.memref_squeeze %dma_start3A_235 : memref<1x125xi32, #tpu.memory_space<vmem>> -> memref<125xi32, #tpu.memory_space<vmem>>
      %dma_start3A_237 = arith.constant 0 : i32
      %dma_start3A_238 = arith.constant 0 : i32
      %dma_start3A_239 = tpu.memref_slice %arg17[%dma_start3A_237, %dma_start3A_238] : memref<10240x64xf32, #tpu.memory_space<vmem_shared>> -> memref<10240x64xf32, #tpu.memory_space<vmem_shared>>
      tpu.enqueue_indirect_dma source(%arg15 : memref<125x64xf32, #tpu.memory_space<vmem>>) target(%dma_start3A_239 : memref<10240x64xf32, #tpu.memory_space<vmem_shared>>) offsets(%dma_start3A_236 : memref<125xi32, #tpu.memory_space<vmem>>) semaphore(%arg32 : memref<!tpu.dma_semaphore, #tpu.memory_space<semaphore_mem>>) {add = true}
      %mul3A_240 = arith.constant 8 : i32
      %mul3A_241 = arith.muli %scan3A_127, %mul3A_240 : i32
      %add3A_242 = arith.constant 7 : i32
      %add3A_243 = arith.addi %mul3A_241, %add3A_242 : i32
      %dma_wait3A_244 = arith.constant 0 : i32
      %dma_wait3A_245 = tpu.memref_slice %arg7[%add3A_243, %dma_wait3A_244] : memref<80x125xi32, #tpu.memory_space<vmem>> -> memref<1x125xi32, #tpu.memory_space<vmem>>
      %dma_wait3A_246 = tpu.memref_squeeze %dma_wait3A_245 : memref<1x125xi32, #tpu.memory_space<vmem>> -> memref<125xi32, #tpu.memory_space<vmem>>
      %dma_wait3A_247 = arith.constant 0 : i32
      %dma_wait3A_248 = arith.constant 0 : i32
      %dma_wait3A_249 = tpu.memref_slice %arg2[%dma_wait3A_247, %dma_wait3A_248] : memref<10240x64xf32, #tpu.memory_space<hbm>> -> memref<10240x64xf32, #tpu.memory_space<hbm>>
      tpu.wait_indirect_dma semaphore(%arg25 : memref<!tpu.dma_semaphore, #tpu.memory_space<semaphore_mem>>) src(%dma_wait3A_249 : memref<10240x64xf32, #tpu.memory_space<hbm>>) dst(%arg16 : memref<125x64xf32, #tpu.memory_space<vmem>>)
      %dma_start3A_250 = arith.constant 0 : i32
      %dma_start3A_251 = tpu.memref_slice %arg8[%add3A_243, %dma_start3A_250] : memref<80x125xi32, #tpu.memory_space<vmem>> -> memref<1x125xi32, #tpu.memory_space<vmem>>
      %dma_start3A_252 = tpu.memref_squeeze %dma_start3A_251 : memref<1x125xi32, #tpu.memory_space<vmem>> -> memref<125xi32, #tpu.memory_space<vmem>>
      %dma_start3A_253 = arith.constant 0 : i32
      %dma_start3A_254 = arith.constant 0 : i32
      %dma_start3A_255 = tpu.memref_slice %arg17[%dma_start3A_253, %dma_start3A_254] : memref<10240x64xf32, #tpu.memory_space<vmem_shared>> -> memref<10240x64xf32, #tpu.memory_space<vmem_shared>>
      tpu.enqueue_indirect_dma source(%arg16 : memref<125x64xf32, #tpu.memory_space<vmem>>) target(%dma_start3A_255 : memref<10240x64xf32, #tpu.memory_space<vmem_shared>>) offsets(%dma_start3A_252 : memref<125xi32, #tpu.memory_space<vmem>>) semaphore(%arg33 : memref<!tpu.dma_semaphore, #tpu.memory_space<semaphore_mem>>) {add = true}
      %mul3A_256 = arith.constant 8 : i32
      %mul3A_257 = arith.muli %scan3A_127, %mul3A_256 : i32
      %add3A_258 = arith.constant 0 : i32
      %add3A_259 = arith.addi %mul3A_257, %add3A_258 : i32
      %add3A_260 = arith.constant 8 : i32
      %add3A_261 = arith.addi %add3A_259, %add3A_260 : i32
      %min3A = arith.constant 79 : i32
      %min3A_262 = arith.minsi %add3A_261, %min3A : i32
      %dma_wait3A_263 = arith.constant 0 : i32
      %dma_wait3A_264 = tpu.memref_slice %arg8[%add3A_259, %dma_wait3A_263] : memref<80x125xi32, #tpu.memory_space<vmem>> -> memref<1x125xi32, #tpu.memory_space<vmem>>
      %dma_wait3A_265 = tpu.memref_squeeze %dma_wait3A_264 : memref<1x125xi32, #tpu.memory_space<vmem>> -> memref<125xi32, #tpu.memory_space<vmem>>
      %dma_wait3A_266 = arith.constant 0 : i32
      %dma_wait3A_267 = arith.constant 0 : i32
      %dma_wait3A_268 = tpu.memref_slice %arg17[%dma_wait3A_266, %dma_wait3A_267] : memref<10240x64xf32, #tpu.memory_space<vmem_shared>> -> memref<10240x64xf32, #tpu.memory_space<vmem_shared>>
      tpu.wait_indirect_dma semaphore(%arg26 : memref<!tpu.dma_semaphore, #tpu.memory_space<semaphore_mem>>) src(%arg9 : memref<125x64xf32, #tpu.memory_space<vmem>>) dst(%dma_wait3A_268 : memref<10240x64xf32, #tpu.memory_space<vmem_shared>>)
      %dma_start3A_269 = arith.constant 0 : i32
      %dma_start3A_270 = tpu.memref_slice %arg7[%min3A_262, %dma_start3A_269] : memref<80x125xi32, #tpu.memory_space<vmem>> -> memref<1x125xi32, #tpu.memory_space<vmem>>
      %dma_start3A_271 = tpu.memref_squeeze %dma_start3A_270 : memref<1x125xi32, #tpu.memory_space<vmem>> -> memref<125xi32, #tpu.memory_space<vmem>>
      %dma_start3A_272 = arith.constant 0 : i32
      %dma_start3A_273 = arith.constant 0 : i32
      %dma_start3A_274 = tpu.memref_slice %arg2[%dma_start3A_272, %dma_start3A_273] : memref<10240x64xf32, #tpu.memory_space<hbm>> -> memref<10240x64xf32, #tpu.memory_space<hbm>>
      tpu.enqueue_indirect_dma source(%dma_start3A_274 : memref<10240x64xf32, #tpu.memory_space<hbm>>) target(%arg9 : memref<125x64xf32, #tpu.memory_space<vmem>>) offsets(%dma_start3A_271 : memref<125xi32, #tpu.memory_space<vmem>>) semaphore(%arg18 : memref<!tpu.dma_semaphore, #tpu.memory_space<semaphore_mem>>)
      %mul3A_275 = arith.constant 8 : i32
      %mul3A_276 = arith.muli %scan3A_127, %mul3A_275 : i32
      %add3A_277 = arith.constant 1 : i32
      %add3A_278 = arith.addi %mul3A_276, %add3A_277 : i32
      %add3A_279 = arith.constant 8 : i32
      %add3A_280 = arith.addi %add3A_278, %add3A_279 : i32
      %min3A_281 = arith.constant 79 : i32
      %min3A_282 = arith.minsi %add3A_280, %min3A_281 : i32
      %dma_wait3A_283 = arith.constant 0 : i32
      %dma_wait3A_284 = tpu.memref_slice %arg8[%add3A_278, %dma_wait3A_283] : memref<80x125xi32, #tpu.memory_space<vmem>> -> memref<1x125xi32, #tpu.memory_space<vmem>>
      %dma_wait3A_285 = tpu.memref_squeeze %dma_wait3A_284 : memref<1x125xi32, #tpu.memory_space<vmem>> -> memref<125xi32, #tpu.memory_space<vmem>>
      %dma_wait3A_286 = arith.constant 0 : i32
      %dma_wait3A_287 = arith.constant 0 : i32
      %dma_wait3A_288 = tpu.memref_slice %arg17[%dma_wait3A_286, %dma_wait3A_287] : memref<10240x64xf32, #tpu.memory_space<vmem_shared>> -> memref<10240x64xf32, #tpu.memory_space<vmem_shared>>
      tpu.wait_indirect_dma semaphore(%arg27 : memref<!tpu.dma_semaphore, #tpu.memory_space<semaphore_mem>>) src(%arg10 : memref<125x64xf32, #tpu.memory_space<vmem>>) dst(%dma_wait3A_288 : memref<10240x64xf32, #tpu.memory_space<vmem_shared>>)
      %dma_start3A_289 = arith.constant 0 : i32
      %dma_start3A_290 = tpu.memref_slice %arg7[%min3A_282, %dma_start3A_289] : memref<80x125xi32, #tpu.memory_space<vmem>> -> memref<1x125xi32, #tpu.memory_space<vmem>>
      %dma_start3A_291 = tpu.memref_squeeze %dma_start3A_290 : memref<1x125xi32, #tpu.memory_space<vmem>> -> memref<125xi32, #tpu.memory_space<vmem>>
      %dma_start3A_292 = arith.constant 0 : i32
      %dma_start3A_293 = arith.constant 0 : i32
      %dma_start3A_294 = tpu.memref_slice %arg2[%dma_start3A_292, %dma_start3A_293] : memref<10240x64xf32, #tpu.memory_space<hbm>> -> memref<10240x64xf32, #tpu.memory_space<hbm>>
      tpu.enqueue_indirect_dma source(%dma_start3A_294 : memref<10240x64xf32, #tpu.memory_space<hbm>>) target(%arg10 : memref<125x64xf32, #tpu.memory_space<vmem>>) offsets(%dma_start3A_291 : memref<125xi32, #tpu.memory_space<vmem>>) semaphore(%arg19 : memref<!tpu.dma_semaphore, #tpu.memory_space<semaphore_mem>>)
      %mul3A_295 = arith.constant 8 : i32
      %mul3A_296 = arith.muli %scan3A_127, %mul3A_295 : i32
      %add3A_297 = arith.constant 2 : i32
      %add3A_298 = arith.addi %mul3A_296, %add3A_297 : i32
      %add3A_299 = arith.constant 8 : i32
      %add3A_300 = arith.addi %add3A_298, %add3A_299 : i32
      %min3A_301 = arith.constant 79 : i32
      %min3A_302 = arith.minsi %add3A_300, %min3A_301 : i32
      %dma_wait3A_303 = arith.constant 0 : i32
      %dma_wait3A_304 = tpu.memref_slice %arg8[%add3A_298, %dma_wait3A_303] : memref<80x125xi32, #tpu.memory_space<vmem>> -> memref<1x125xi32, #tpu.memory_space<vmem>>
      %dma_wait3A_305 = tpu.memref_squeeze %dma_wait3A_304 : memref<1x125xi32, #tpu.memory_space<vmem>> -> memref<125xi32, #tpu.memory_space<vmem>>
      %dma_wait3A_306 = arith.constant 0 : i32
      %dma_wait3A_307 = arith.constant 0 : i32
      %dma_wait3A_308 = tpu.memref_slice %arg17[%dma_wait3A_306, %dma_wait3A_307] : memref<10240x64xf32, #tpu.memory_space<vmem_shared>> -> memref<10240x64xf32, #tpu.memory_space<vmem_shared>>
      tpu.wait_indirect_dma semaphore(%arg28 : memref<!tpu.dma_semaphore, #tpu.memory_space<semaphore_mem>>) src(%arg11 : memref<125x64xf32, #tpu.memory_space<vmem>>) dst(%dma_wait3A_308 : memref<10240x64xf32, #tpu.memory_space<vmem_shared>>)
      %dma_start3A_309 = arith.constant 0 : i32
      %dma_start3A_310 = tpu.memref_slice %arg7[%min3A_302, %dma_start3A_309] : memref<80x125xi32, #tpu.memory_space<vmem>> -> memref<1x125xi32, #tpu.memory_space<vmem>>
      %dma_start3A_311 = tpu.memref_squeeze %dma_start3A_310 : memref<1x125xi32, #tpu.memory_space<vmem>> -> memref<125xi32, #tpu.memory_space<vmem>>
      %dma_start3A_312 = arith.constant 0 : i32
      %dma_start3A_313 = arith.constant 0 : i32
      %dma_start3A_314 = tpu.memref_slice %arg2[%dma_start3A_312, %dma_start3A_313] : memref<10240x64xf32, #tpu.memory_space<hbm>> -> memref<10240x64xf32, #tpu.memory_space<hbm>>
      tpu.enqueue_indirect_dma source(%dma_start3A_314 : memref<10240x64xf32, #tpu.memory_space<hbm>>) target(%arg11 : memref<125x64xf32, #tpu.memory_space<vmem>>) offsets(%dma_start3A_311 : memref<125xi32, #tpu.memory_space<vmem>>) semaphore(%arg20 : memref<!tpu.dma_semaphore, #tpu.memory_space<semaphore_mem>>)
      %mul3A_315 = arith.constant 8 : i32
      %mul3A_316 = arith.muli %scan3A_127, %mul3A_315 : i32
      %add3A_317 = arith.constant 3 : i32
      %add3A_318 = arith.addi %mul3A_316, %add3A_317 : i32
      %add3A_319 = arith.constant 8 : i32
      %add3A_320 = arith.addi %add3A_318, %add3A_319 : i32
      %min3A_321 = arith.constant 79 : i32
      %min3A_322 = arith.minsi %add3A_320, %min3A_321 : i32
      %dma_wait3A_323 = arith.constant 0 : i32
      %dma_wait3A_324 = tpu.memref_slice %arg8[%add3A_318, %dma_wait3A_323] : memref<80x125xi32, #tpu.memory_space<vmem>> -> memref<1x125xi32, #tpu.memory_space<vmem>>
      %dma_wait3A_325 = tpu.memref_squeeze %dma_wait3A_324 : memref<1x125xi32, #tpu.memory_space<vmem>> -> memref<125xi32, #tpu.memory_space<vmem>>
      %dma_wait3A_326 = arith.constant 0 : i32
      %dma_wait3A_327 = arith.constant 0 : i32
      %dma_wait3A_328 = tpu.memref_slice %arg17[%dma_wait3A_326, %dma_wait3A_327] : memref<10240x64xf32, #tpu.memory_space<vmem_shared>> -> memref<10240x64xf32, #tpu.memory_space<vmem_shared>>
      tpu.wait_indirect_dma semaphore(%arg29 : memref<!tpu.dma_semaphore, #tpu.memory_space<semaphore_mem>>) src(%arg12 : memref<125x64xf32, #tpu.memory_space<vmem>>) dst(%dma_wait3A_328 : memref<10240x64xf32, #tpu.memory_space<vmem_shared>>)
      %dma_start3A_329 = arith.constant 0 : i32
      %dma_start3A_330 = tpu.memref_slice %arg7[%min3A_322, %dma_start3A_329] : memref<80x125xi32, #tpu.memory_space<vmem>> -> memref<1x125xi32, #tpu.memory_space<vmem>>
      %dma_start3A_331 = tpu.memref_squeeze %dma_start3A_330 : memref<1x125xi32, #tpu.memory_space<vmem>> -> memref<125xi32, #tpu.memory_space<vmem>>
      %dma_start3A_332 = arith.constant 0 : i32
      %dma_start3A_333 = arith.constant 0 : i32
      %dma_start3A_334 = tpu.memref_slice %arg2[%dma_start3A_332, %dma_start3A_333] : memref<10240x64xf32, #tpu.memory_space<hbm>> -> memref<10240x64xf32, #tpu.memory_space<hbm>>
      tpu.enqueue_indirect_dma source(%dma_start3A_334 : memref<10240x64xf32, #tpu.memory_space<hbm>>) target(%arg12 : memref<125x64xf32, #tpu.memory_space<vmem>>) offsets(%dma_start3A_331 : memref<125xi32, #tpu.memory_space<vmem>>) semaphore(%arg21 : memref<!tpu.dma_semaphore, #tpu.memory_space<semaphore_mem>>)
      %mul3A_335 = arith.constant 8 : i32
      %mul3A_336 = arith.muli %scan3A_127, %mul3A_335 : i32
      %add3A_337 = arith.constant 4 : i32
      %add3A_338 = arith.addi %mul3A_336, %add3A_337 : i32
      %add3A_339 = arith.constant 8 : i32
      %add3A_340 = arith.addi %add3A_338, %add3A_339 : i32
      %min3A_341 = arith.constant 79 : i32
      %min3A_342 = arith.minsi %add3A_340, %min3A_341 : i32
      %dma_wait3A_343 = arith.constant 0 : i32
      %dma_wait3A_344 = tpu.memref_slice %arg8[%add3A_338, %dma_wait3A_343] : memref<80x125xi32, #tpu.memory_space<vmem>> -> memref<1x125xi32, #tpu.memory_space<vmem>>
      %dma_wait3A_345 = tpu.memref_squeeze %dma_wait3A_344 : memref<1x125xi32, #tpu.memory_space<vmem>> -> memref<125xi32, #tpu.memory_space<vmem>>
      %dma_wait3A_346 = arith.constant 0 : i32
      %dma_wait3A_347 = arith.constant 0 : i32
      %dma_wait3A_348 = tpu.memref_slice %arg17[%dma_wait3A_346, %dma_wait3A_347] : memref<10240x64xf32, #tpu.memory_space<vmem_shared>> -> memref<10240x64xf32, #tpu.memory_space<vmem_shared>>
      tpu.wait_indirect_dma semaphore(%arg30 : memref<!tpu.dma_semaphore, #tpu.memory_space<semaphore_mem>>) src(%arg13 : memref<125x64xf32, #tpu.memory_space<vmem>>) dst(%dma_wait3A_348 : memref<10240x64xf32, #tpu.memory_space<vmem_shared>>)
      %dma_start3A_349 = arith.constant 0 : i32
      %dma_start3A_350 = tpu.memref_slice %arg7[%min3A_342, %dma_start3A_349] : memref<80x125xi32, #tpu.memory_space<vmem>> -> memref<1x125xi32, #tpu.memory_space<vmem>>
      %dma_start3A_351 = tpu.memref_squeeze %dma_start3A_350 : memref<1x125xi32, #tpu.memory_space<vmem>> -> memref<125xi32, #tpu.memory_space<vmem>>
      %dma_start3A_352 = arith.constant 0 : i32
      %dma_start3A_353 = arith.constant 0 : i32
      %dma_start3A_354 = tpu.memref_slice %arg2[%dma_start3A_352, %dma_start3A_353] : memref<10240x64xf32, #tpu.memory_space<hbm>> -> memref<10240x64xf32, #tpu.memory_space<hbm>>
      tpu.enqueue_indirect_dma source(%dma_start3A_354 : memref<10240x64xf32, #tpu.memory_space<hbm>>) target(%arg13 : memref<125x64xf32, #tpu.memory_space<vmem>>) offsets(%dma_start3A_351 : memref<125xi32, #tpu.memory_space<vmem>>) semaphore(%arg22 : memref<!tpu.dma_semaphore, #tpu.memory_space<semaphore_mem>>)
      %mul3A_355 = arith.constant 8 : i32
      %mul3A_356 = arith.muli %scan3A_127, %mul3A_355 : i32
      %add3A_357 = arith.constant 5 : i32
      %add3A_358 = arith.addi %mul3A_356, %add3A_357 : i32
      %add3A_359 = arith.constant 8 : i32
      %add3A_360 = arith.addi %add3A_358, %add3A_359 : i32
      %min3A_361 = arith.constant 79 : i32
      %min3A_362 = arith.minsi %add3A_360, %min3A_361 : i32
      %dma_wait3A_363 = arith.constant 0 : i32
      %dma_wait3A_364 = tpu.memref_slice %arg8[%add3A_358, %dma_wait3A_363] : memref<80x125xi32, #tpu.memory_space<vmem>> -> memref<1x125xi32, #tpu.memory_space<vmem>>
      %dma_wait3A_365 = tpu.memref_squeeze %dma_wait3A_364 : memref<1x125xi32, #tpu.memory_space<vmem>> -> memref<125xi32, #tpu.memory_space<vmem>>
      %dma_wait3A_366 = arith.constant 0 : i32
      %dma_wait3A_367 = arith.constant 0 : i32
      %dma_wait3A_368 = tpu.memref_slice %arg17[%dma_wait3A_366, %dma_wait3A_367] : memref<10240x64xf32, #tpu.memory_space<vmem_shared>> -> memref<10240x64xf32, #tpu.memory_space<vmem_shared>>
      tpu.wait_indirect_dma semaphore(%arg31 : memref<!tpu.dma_semaphore, #tpu.memory_space<semaphore_mem>>) src(%arg14 : memref<125x64xf32, #tpu.memory_space<vmem>>) dst(%dma_wait3A_368 : memref<10240x64xf32, #tpu.memory_space<vmem_shared>>)
      %dma_start3A_369 = arith.constant 0 : i32
      %dma_start3A_370 = tpu.memref_slice %arg7[%min3A_362, %dma_start3A_369] : memref<80x125xi32, #tpu.memory_space<vmem>> -> memref<1x125xi32, #tpu.memory_space<vmem>>
      %dma_start3A_371 = tpu.memref_squeeze %dma_start3A_370 : memref<1x125xi32, #tpu.memory_space<vmem>> -> memref<125xi32, #tpu.memory_space<vmem>>
      %dma_start3A_372 = arith.constant 0 : i32
      %dma_start3A_373 = arith.constant 0 : i32
      %dma_start3A_374 = tpu.memref_slice %arg2[%dma_start3A_372, %dma_start3A_373] : memref<10240x64xf32, #tpu.memory_space<hbm>> -> memref<10240x64xf32, #tpu.memory_space<hbm>>
      tpu.enqueue_indirect_dma source(%dma_start3A_374 : memref<10240x64xf32, #tpu.memory_space<hbm>>) target(%arg14 : memref<125x64xf32, #tpu.memory_space<vmem>>) offsets(%dma_start3A_371 : memref<125xi32, #tpu.memory_space<vmem>>) semaphore(%arg23 : memref<!tpu.dma_semaphore, #tpu.memory_space<semaphore_mem>>)
      %mul3A_375 = arith.constant 8 : i32
      %mul3A_376 = arith.muli %scan3A_127, %mul3A_375 : i32
      %add3A_377 = arith.constant 6 : i32
      %add3A_378 = arith.addi %mul3A_376, %add3A_377 : i32
      %add3A_379 = arith.constant 8 : i32
      %add3A_380 = arith.addi %add3A_378, %add3A_379 : i32
      %min3A_381 = arith.constant 79 : i32
      %min3A_382 = arith.minsi %add3A_380, %min3A_381 : i32
      %dma_wait3A_383 = arith.constant 0 : i32
      %dma_wait3A_384 = tpu.memref_slice %arg8[%add3A_378, %dma_wait3A_383] : memref<80x125xi32, #tpu.memory_space<vmem>> -> memref<1x125xi32, #tpu.memory_space<vmem>>
      %dma_wait3A_385 = tpu.memref_squeeze %dma_wait3A_384 : memref<1x125xi32, #tpu.memory_space<vmem>> -> memref<125xi32, #tpu.memory_space<vmem>>
      %dma_wait3A_386 = arith.constant 0 : i32
      %dma_wait3A_387 = arith.constant 0 : i32
      %dma_wait3A_388 = tpu.memref_slice %arg17[%dma_wait3A_386, %dma_wait3A_387] : memref<10240x64xf32, #tpu.memory_space<vmem_shared>> -> memref<10240x64xf32, #tpu.memory_space<vmem_shared>>
      tpu.wait_indirect_dma semaphore(%arg32 : memref<!tpu.dma_semaphore, #tpu.memory_space<semaphore_mem>>) src(%arg15 : memref<125x64xf32, #tpu.memory_space<vmem>>) dst(%dma_wait3A_388 : memref<10240x64xf32, #tpu.memory_space<vmem_shared>>)
      %dma_start3A_389 = arith.constant 0 : i32
      %dma_start3A_390 = tpu.memref_slice %arg7[%min3A_382, %dma_start3A_389] : memref<80x125xi32, #tpu.memory_space<vmem>> -> memref<1x125xi32, #tpu.memory_space<vmem>>
      %dma_start3A_391 = tpu.memref_squeeze %dma_start3A_390 : memref<1x125xi32, #tpu.memory_space<vmem>> -> memref<125xi32, #tpu.memory_space<vmem>>
      %dma_start3A_392 = arith.constant 0 : i32
      %dma_start3A_393 = arith.constant 0 : i32
      %dma_start3A_394 = tpu.memref_slice %arg2[%dma_start3A_392, %dma_start3A_393] : memref<10240x64xf32, #tpu.memory_space<hbm>> -> memref<10240x64xf32, #tpu.memory_space<hbm>>
      tpu.enqueue_indirect_dma source(%dma_start3A_394 : memref<10240x64xf32, #tpu.memory_space<hbm>>) target(%arg15 : memref<125x64xf32, #tpu.memory_space<vmem>>) offsets(%dma_start3A_391 : memref<125xi32, #tpu.memory_space<vmem>>) semaphore(%arg24 : memref<!tpu.dma_semaphore, #tpu.memory_space<semaphore_mem>>)
      %mul3A_395 = arith.constant 8 : i32
      %mul3A_396 = arith.muli %scan3A_127, %mul3A_395 : i32
      %add3A_397 = arith.constant 7 : i32
      %add3A_398 = arith.addi %mul3A_396, %add3A_397 : i32
      %add3A_399 = arith.constant 8 : i32
      %add3A_400 = arith.addi %add3A_398, %add3A_399 : i32
      %min3A_401 = arith.constant 79 : i32
      %min3A_402 = arith.minsi %add3A_400, %min3A_401 : i32
      %dma_wait3A_403 = arith.constant 0 : i32
      %dma_wait3A_404 = tpu.memref_slice %arg8[%add3A_398, %dma_wait3A_403] : memref<80x125xi32, #tpu.memory_space<vmem>> -> memref<1x125xi32, #tpu.memory_space<vmem>>
      %dma_wait3A_405 = tpu.memref_squeeze %dma_wait3A_404 : memref<1x125xi32, #tpu.memory_space<vmem>> -> memref<125xi32, #tpu.memory_space<vmem>>
      %dma_wait3A_406 = arith.constant 0 : i32
      %dma_wait3A_407 = arith.constant 0 : i32
      %dma_wait3A_408 = tpu.memref_slice %arg17[%dma_wait3A_406, %dma_wait3A_407] : memref<10240x64xf32, #tpu.memory_space<vmem_shared>> -> memref<10240x64xf32, #tpu.memory_space<vmem_shared>>
      tpu.wait_indirect_dma semaphore(%arg33 : memref<!tpu.dma_semaphore, #tpu.memory_space<semaphore_mem>>) src(%arg16 : memref<125x64xf32, #tpu.memory_space<vmem>>) dst(%dma_wait3A_408 : memref<10240x64xf32, #tpu.memory_space<vmem_shared>>)
      %dma_start3A_409 = arith.constant 0 : i32
      %dma_start3A_410 = tpu.memref_slice %arg7[%min3A_402, %dma_start3A_409] : memref<80x125xi32, #tpu.memory_space<vmem>> -> memref<1x125xi32, #tpu.memory_space<vmem>>
      %dma_start3A_411 = tpu.memref_squeeze %dma_start3A_410 : memref<1x125xi32, #tpu.memory_space<vmem>> -> memref<125xi32, #tpu.memory_space<vmem>>
      %dma_start3A_412 = arith.constant 0 : i32
      %dma_start3A_413 = arith.constant 0 : i32
      %dma_start3A_414 = tpu.memref_slice %arg2[%dma_start3A_412, %dma_start3A_413] : memref<10240x64xf32, #tpu.memory_space<hbm>> -> memref<10240x64xf32, #tpu.memory_space<hbm>>
      tpu.enqueue_indirect_dma source(%dma_start3A_414 : memref<10240x64xf32, #tpu.memory_space<hbm>>) target(%arg16 : memref<125x64xf32, #tpu.memory_space<vmem>>) offsets(%dma_start3A_411 : memref<125xi32, #tpu.memory_space<vmem>>) semaphore(%arg25 : memref<!tpu.dma_semaphore, #tpu.memory_space<semaphore_mem>>)
    }
    %scan3A_63 = arith.constant 10 : i32
    %dma_wait3A = arith.constant 0 : i32
    %dma_wait3A_64 = arith.constant 0 : i32
    %dma_wait3A_65 = tpu.memref_slice %arg7[%dma_wait3A, %dma_wait3A_64] : memref<80x125xi32, #tpu.memory_space<vmem>> -> memref<1x125xi32, #tpu.memory_space<vmem>>
    %dma_wait3A_66 = tpu.memref_squeeze %dma_wait3A_65 : memref<1x125xi32, #tpu.memory_space<vmem>> -> memref<125xi32, #tpu.memory_space<vmem>>
    %dma_wait3A_67 = arith.constant 0 : i32
    %dma_wait3A_68 = arith.constant 0 : i32
    %dma_wait3A_69 = tpu.memref_slice %arg2[%dma_wait3A_67, %dma_wait3A_68] : memref<10240x64xf32, #tpu.memory_space<hbm>> -> memref<10240x64xf32, #tpu.memory_space<hbm>>
    tpu.wait_indirect_dma semaphore(%arg18 : memref<!tpu.dma_semaphore, #tpu.memory_space<semaphore_mem>>) src(%dma_wait3A_69 : memref<10240x64xf32, #tpu.memory_space<hbm>>) dst(%arg9 : memref<125x64xf32, #tpu.memory_space<vmem>>)
    %dma_wait3A_70 = arith.constant 0 : i32
    %dma_wait3A_71 = arith.constant 0 : i32
    %dma_wait3A_72 = tpu.memref_slice %arg7[%dma_wait3A_70, %dma_wait3A_71] : memref<80x125xi32, #tpu.memory_space<vmem>> -> memref<1x125xi32, #tpu.memory_space<vmem>>
    %dma_wait3A_73 = tpu.memref_squeeze %dma_wait3A_72 : memref<1x125xi32, #tpu.memory_space<vmem>> -> memref<125xi32, #tpu.memory_space<vmem>>
    %dma_wait3A_74 = arith.constant 0 : i32
    %dma_wait3A_75 = arith.constant 0 : i32
    %dma_wait3A_76 = tpu.memref_slice %arg2[%dma_wait3A_74, %dma_wait3A_75] : memref<10240x64xf32, #tpu.memory_space<hbm>> -> memref<10240x64xf32, #tpu.memory_space<hbm>>
    tpu.wait_indirect_dma semaphore(%arg19 : memref<!tpu.dma_semaphore, #tpu.memory_space<semaphore_mem>>) src(%dma_wait3A_76 : memref<10240x64xf32, #tpu.memory_space<hbm>>) dst(%arg10 : memref<125x64xf32, #tpu.memory_space<vmem>>)
    %dma_wait3A_77 = arith.constant 0 : i32
    %dma_wait3A_78 = arith.constant 0 : i32
    %dma_wait3A_79 = tpu.memref_slice %arg7[%dma_wait3A_77, %dma_wait3A_78] : memref<80x125xi32, #tpu.memory_space<vmem>> -> memref<1x125xi32, #tpu.memory_space<vmem>>
    %dma_wait3A_80 = tpu.memref_squeeze %dma_wait3A_79 : memref<1x125xi32, #tpu.memory_space<vmem>> -> memref<125xi32, #tpu.memory_space<vmem>>
    %dma_wait3A_81 = arith.constant 0 : i32
    %dma_wait3A_82 = arith.constant 0 : i32
    %dma_wait3A_83 = tpu.memref_slice %arg2[%dma_wait3A_81, %dma_wait3A_82] : memref<10240x64xf32, #tpu.memory_space<hbm>> -> memref<10240x64xf32, #tpu.memory_space<hbm>>
    tpu.wait_indirect_dma semaphore(%arg20 : memref<!tpu.dma_semaphore, #tpu.memory_space<semaphore_mem>>) src(%dma_wait3A_83 : memref<10240x64xf32, #tpu.memory_space<hbm>>) dst(%arg11 : memref<125x64xf32, #tpu.memory_space<vmem>>)
    %dma_wait3A_84 = arith.constant 0 : i32
    %dma_wait3A_85 = arith.constant 0 : i32
    %dma_wait3A_86 = tpu.memref_slice %arg7[%dma_wait3A_84, %dma_wait3A_85] : memref<80x125xi32, #tpu.memory_space<vmem>> -> memref<1x125xi32, #tpu.memory_space<vmem>>
    %dma_wait3A_87 = tpu.memref_squeeze %dma_wait3A_86 : memref<1x125xi32, #tpu.memory_space<vmem>> -> memref<125xi32, #tpu.memory_space<vmem>>
    %dma_wait3A_88 = arith.constant 0 : i32
    %dma_wait3A_89 = arith.constant 0 : i32
    %dma_wait3A_90 = tpu.memref_slice %arg2[%dma_wait3A_88, %dma_wait3A_89] : memref<10240x64xf32, #tpu.memory_space<hbm>> -> memref<10240x64xf32, #tpu.memory_space<hbm>>
    tpu.wait_indirect_dma semaphore(%arg21 : memref<!tpu.dma_semaphore, #tpu.memory_space<semaphore_mem>>) src(%dma_wait3A_90 : memref<10240x64xf32, #tpu.memory_space<hbm>>) dst(%arg12 : memref<125x64xf32, #tpu.memory_space<vmem>>)
    %dma_wait3A_91 = arith.constant 0 : i32
    %dma_wait3A_92 = arith.constant 0 : i32
    %dma_wait3A_93 = tpu.memref_slice %arg7[%dma_wait3A_91, %dma_wait3A_92] : memref<80x125xi32, #tpu.memory_space<vmem>> -> memref<1x125xi32, #tpu.memory_space<vmem>>
    %dma_wait3A_94 = tpu.memref_squeeze %dma_wait3A_93 : memref<1x125xi32, #tpu.memory_space<vmem>> -> memref<125xi32, #tpu.memory_space<vmem>>
    %dma_wait3A_95 = arith.constant 0 : i32
    %dma_wait3A_96 = arith.constant 0 : i32
    %dma_wait3A_97 = tpu.memref_slice %arg2[%dma_wait3A_95, %dma_wait3A_96] : memref<10240x64xf32, #tpu.memory_space<hbm>> -> memref<10240x64xf32, #tpu.memory_space<hbm>>
    tpu.wait_indirect_dma semaphore(%arg22 : memref<!tpu.dma_semaphore, #tpu.memory_space<semaphore_mem>>) src(%dma_wait3A_97 : memref<10240x64xf32, #tpu.memory_space<hbm>>) dst(%arg13 : memref<125x64xf32, #tpu.memory_space<vmem>>)
    %dma_wait3A_98 = arith.constant 0 : i32
    %dma_wait3A_99 = arith.constant 0 : i32
    %dma_wait3A_100 = tpu.memref_slice %arg7[%dma_wait3A_98, %dma_wait3A_99] : memref<80x125xi32, #tpu.memory_space<vmem>> -> memref<1x125xi32, #tpu.memory_space<vmem>>
    %dma_wait3A_101 = tpu.memref_squeeze %dma_wait3A_100 : memref<1x125xi32, #tpu.memory_space<vmem>> -> memref<125xi32, #tpu.memory_space<vmem>>
    %dma_wait3A_102 = arith.constant 0 : i32
    %dma_wait3A_103 = arith.constant 0 : i32
    %dma_wait3A_104 = tpu.memref_slice %arg2[%dma_wait3A_102, %dma_wait3A_103] : memref<10240x64xf32, #tpu.memory_space<hbm>> -> memref<10240x64xf32, #tpu.memory_space<hbm>>
    tpu.wait_indirect_dma semaphore(%arg23 : memref<!tpu.dma_semaphore, #tpu.memory_space<semaphore_mem>>) src(%dma_wait3A_104 : memref<10240x64xf32, #tpu.memory_space<hbm>>) dst(%arg14 : memref<125x64xf32, #tpu.memory_space<vmem>>)
    %dma_wait3A_105 = arith.constant 0 : i32
    %dma_wait3A_106 = arith.constant 0 : i32
    %dma_wait3A_107 = tpu.memref_slice %arg7[%dma_wait3A_105, %dma_wait3A_106] : memref<80x125xi32, #tpu.memory_space<vmem>> -> memref<1x125xi32, #tpu.memory_space<vmem>>
    %dma_wait3A_108 = tpu.memref_squeeze %dma_wait3A_107 : memref<1x125xi32, #tpu.memory_space<vmem>> -> memref<125xi32, #tpu.memory_space<vmem>>
    %dma_wait3A_109 = arith.constant 0 : i32
    %dma_wait3A_110 = arith.constant 0 : i32
    %dma_wait3A_111 = tpu.memref_slice %arg2[%dma_wait3A_109, %dma_wait3A_110] : memref<10240x64xf32, #tpu.memory_space<hbm>> -> memref<10240x64xf32, #tpu.memory_space<hbm>>
    tpu.wait_indirect_dma semaphore(%arg24 : memref<!tpu.dma_semaphore, #tpu.memory_space<semaphore_mem>>) src(%dma_wait3A_111 : memref<10240x64xf32, #tpu.memory_space<hbm>>) dst(%arg15 : memref<125x64xf32, #tpu.memory_space<vmem>>)
    %dma_wait3A_112 = arith.constant 0 : i32
    %dma_wait3A_113 = arith.constant 0 : i32
    %dma_wait3A_114 = tpu.memref_slice %arg7[%dma_wait3A_112, %dma_wait3A_113] : memref<80x125xi32, #tpu.memory_space<vmem>> -> memref<1x125xi32, #tpu.memory_space<vmem>>
    %dma_wait3A_115 = tpu.memref_squeeze %dma_wait3A_114 : memref<1x125xi32, #tpu.memory_space<vmem>> -> memref<125xi32, #tpu.memory_space<vmem>>
    %dma_wait3A_116 = arith.constant 0 : i32
    %dma_wait3A_117 = arith.constant 0 : i32
    %dma_wait3A_118 = tpu.memref_slice %arg2[%dma_wait3A_116, %dma_wait3A_117] : memref<10240x64xf32, #tpu.memory_space<hbm>> -> memref<10240x64xf32, #tpu.memory_space<hbm>>
    tpu.wait_indirect_dma semaphore(%arg25 : memref<!tpu.dma_semaphore, #tpu.memory_space<semaphore_mem>>) src(%dma_wait3A_118 : memref<10240x64xf32, #tpu.memory_space<hbm>>) dst(%arg16 : memref<125x64xf32, #tpu.memory_space<vmem>>)
    %barrier3A_119 = arith.constant 0 : index
    tpu.barrier barrier_id(%barrier3A_119)
    %eq3A = arith.constant 0 : i32
    %eq3A_120 = arith.cmpi eq, %arg0, %eq3A : i32
    %convert_element_type3A = arith.extui %eq3A_120 : i1 to i32
    %cond3A = arith.constant 0 : i32
    %cond3A_121 = arith.cmpi ne, %convert_element_type3A, %cond3A : i32
    scf.if %cond3A_121 {
      %mul3A_127 = arith.constant 640 : i32
      %mul3A_128 = arith.muli %arg1, %mul3A_127 : i32
      %mul3A_129 = arith.constant 640 : i32
      %mul3A_130 = arith.muli %arg1, %mul3A_129 : i32
      "tpu.region"() ({
        %run_scoped3A_131 = tpu.sem_alloc : memref<!tpu.dma_semaphore, #tpu.memory_space<semaphore_mem>>
        %dma_start3A_132 = arith.constant 0 : i32
        %dma_start3A_133 = tpu.memref_slice %arg5[%mul3A_130, %dma_start3A_132] : memref<10240x64xf32, #tpu.memory_space<hbm>> -> memref<640x64xf32, #tpu.memory_space<hbm>>
        %dma_start3A_134 = arith.constant 0 : i32
        %dma_start3A_135 = tpu.memref_slice %arg17[%mul3A_128, %dma_start3A_134] : memref<10240x64xf32, #tpu.memory_space<vmem_shared>> -> memref<640x64xf32, #tpu.memory_space<vmem_shared>>
        tpu.enqueue_dma source(%dma_start3A_135 : memref<640x64xf32, #tpu.memory_space<vmem_shared>>) target(%dma_start3A_133 : memref<640x64xf32, #tpu.memory_space<hbm>>) target_semaphore(%run_scoped3A_131 : memref<!tpu.dma_semaphore, #tpu.memory_space<semaphore_mem>>)
        %dma_wait3A_136 = arith.constant 0 : i32
        %dma_wait3A_137 = tpu.memref_slice %arg5[%mul3A_130, %dma_wait3A_136] : memref<10240x64xf32, #tpu.memory_space<hbm>> -> memref<640x64xf32, #tpu.memory_space<hbm>>
        %dma_wait3A_138 = arith.constant 0 : i32
        %dma_wait3A_139 = tpu.memref_slice %arg17[%mul3A_128, %dma_wait3A_138] : memref<10240x64xf32, #tpu.memory_space<vmem_shared>> -> memref<640x64xf32, #tpu.memory_space<vmem_shared>>
        tpu.wait_dma2 semaphore(%run_scoped3A_131 : memref<!tpu.dma_semaphore, #tpu.memory_space<semaphore_mem>>) src(%dma_wait3A_139 : memref<640x64xf32, #tpu.memory_space<vmem_shared>>) dst(%dma_wait3A_137 : memref<640x64xf32, #tpu.memory_space<hbm>>)
        tpu.yield
      }) : () -> ()
    } else {
    }
    %eq3A_122 = arith.constant 1 : i32
    %eq3A_123 = arith.cmpi eq, %arg0, %eq3A_122 : i32
    %convert_element_type3A_124 = arith.extui %eq3A_123 : i1 to i32
    %cond3A_125 = arith.constant 0 : i32
    %cond3A_126 = arith.cmpi ne, %convert_element_type3A_124, %cond3A_125 : i32
    scf.if %cond3A_126 {
      %mul3A_127 = arith.constant 640 : i32
      %mul3A_128 = arith.muli %arg1, %mul3A_127 : i32
      %mul3A_129 = arith.constant 640 : i32
      %mul3A_130 = arith.muli %arg1, %mul3A_129 : i32
      "tpu.region"() ({
        %run_scoped3A_131 = tpu.sem_alloc : memref<!tpu.dma_semaphore, #tpu.memory_space<semaphore_mem>>
        %dma_start3A_132 = arith.constant 0 : i32
        %dma_start3A_133 = tpu.memref_slice %arg6[%mul3A_130, %dma_start3A_132] : memref<10240x64xf32, #tpu.memory_space<hbm>> -> memref<640x64xf32, #tpu.memory_space<hbm>>
        %dma_start3A_134 = arith.constant 0 : i32
        %dma_start3A_135 = tpu.memref_slice %arg17[%mul3A_128, %dma_start3A_134] : memref<10240x64xf32, #tpu.memory_space<vmem_shared>> -> memref<640x64xf32, #tpu.memory_space<vmem_shared>>
        tpu.enqueue_dma source(%dma_start3A_135 : memref<640x64xf32, #tpu.memory_space<vmem_shared>>) target(%dma_start3A_133 : memref<640x64xf32, #tpu.memory_space<hbm>>) target_semaphore(%run_scoped3A_131 : memref<!tpu.dma_semaphore, #tpu.memory_space<semaphore_mem>>)
        %dma_wait3A_136 = arith.constant 0 : i32
        %dma_wait3A_137 = tpu.memref_slice %arg6[%mul3A_130, %dma_wait3A_136] : memref<10240x64xf32, #tpu.memory_space<hbm>> -> memref<640x64xf32, #tpu.memory_space<hbm>>
        %dma_wait3A_138 = arith.constant 0 : i32
        %dma_wait3A_139 = tpu.memref_slice %arg17[%mul3A_128, %dma_wait3A_138] : memref<10240x64xf32, #tpu.memory_space<vmem_shared>> -> memref<640x64xf32, #tpu.memory_space<vmem_shared>>
        tpu.wait_dma2 semaphore(%run_scoped3A_131 : memref<!tpu.dma_semaphore, #tpu.memory_space<semaphore_mem>>) src(%dma_wait3A_139 : memref<640x64xf32, #tpu.memory_space<vmem_shared>>) dst(%dma_wait3A_137 : memref<640x64xf32, #tpu.memory_space<hbm>>)
        tpu.yield
      }) : () -> ()
    } else {
    }
    return
  }
}

module attributes {stable_mosaic.version = 14 : i64} {
  func.func @_lin_body(%arg0: i32, %arg1: memref<1024x256xf32, #tpu.memory_space<vmem>>, %arg2: memref<256x128xf32, #tpu.memory_space<vmem>>, %arg3: memref<1024x2xf32, #tpu.memory_space<vmem>>, %arg4: memref<1024x2xf32, #tpu.memory_space<vmem>>, %arg5: memref<1024x128xf32, #tpu.memory_space<vmem>>, %arg6: memref<1024x2xf32, #tpu.memory_space<vmem>>) attributes {dimension_semantics = [#tpu.dimension_semantics<arbitrary>], iteration_bounds = array<i64: 5>, scalar_prefetch = 0 : i64, scratch_operands = 0 : i64, tpu.core_type = #tpu.core_type<tc>, window_params = [{transform_indices = @transform_0, window_bounds = array<i64: 1024, 256>}, {pipeline_mode = #tpu.pipeline_mode<synchronous>, transform_indices = @transform_1, window_bounds = array<i64: 256, 128>}, {transform_indices = @transform_2, window_bounds = array<i64: 1024, 2>}, {transform_indices = @transform_3, window_bounds = array<i64: 1024, 2>}, {transform_indices = @transform_4, window_bounds = array<i64: 1024, 128>}, {transform_indices = @transform_5, window_bounds = array<i64: 1024, 2>}]} {
    %get3A = arith.constant 0 : index
    %get3A_0 = arith.constant 0 : index
    %get3A_1 = vector.load %arg3[%get3A, %get3A_0] : memref<1024x2xf32, #tpu.memory_space<vmem>>, vector<1024x2xf32>
    %get3A_2 = arith.constant 0 : index
    %get3A_3 = arith.constant 0 : index
    %get3A_4 = vector.load %arg4[%get3A_2, %get3A_3] : memref<1024x2xf32, #tpu.memory_space<vmem>>, vector<1024x2xf32>
    %add3A = arith.addf %get3A_1, %get3A_4 : vector<1024x2xf32>
    %add3A_5 = arith.constant 1.000000e+00 : f32
    %add3A_6 = vector.broadcast %add3A_5 : f32 to vector<1024x2xf32>
    %add3A_7 = arith.addf %add3A, %add3A_6 : vector<1024x2xf32>
    %rsqrt3A = math.rsqrt %add3A_7 : vector<1024x2xf32>
    %get3A_8 = arith.constant 0 : index
    %get3A_9 = arith.constant 0 : index
    %get3A_10 = vector.load %arg1[%get3A_8, %get3A_9] : memref<1024x256xf32, #tpu.memory_space<vmem>>, vector<1024x256xf32>
    %get3A_11 = arith.constant 0 : index
    %get3A_12 = arith.constant 0 : index
    %get3A_13 = vector.load %arg2[%get3A_11, %get3A_12] : memref<256x128xf32, #tpu.memory_space<vmem>>, vector<256x128xf32>
    %dot_general3A = arith.constant dense<0.000000e+00> : vector<1024x128xf32>
    %dot_general3A_14 = tpu.matmul %get3A_10, %get3A_13, %dot_general3A {dimension_numbers = #tpu.dot_dimension_numbers<[1], [0], [0], [1], [0, 0, 1, 1], [], []>, transpose_lhs_hint = false} : vector<1024x256xf32>, vector<256x128xf32>, vector<1024x128xf32> -> vector<1024x128xf32>
    %slice3A = vector.extract_strided_slice %rsqrt3A {offsets = [0, 0], sizes = [1024, 1], strides = [1, 1]} : vector<1024x2xf32> to vector<1024x1xf32>
    %broadcast_in_dim3A = vector.shape_cast %slice3A : vector<1024x1xf32> to vector<1024x1xf32>
    %broadcast_in_dim3A_15 = vector.broadcast %broadcast_in_dim3A : vector<1024x1xf32> to vector<1024x64xf32>
    %slice3A_16 = vector.extract_strided_slice %rsqrt3A {offsets = [0, 1], sizes = [1024, 1], strides = [1, 1]} : vector<1024x2xf32> to vector<1024x1xf32>
    %broadcast_in_dim3A_17 = vector.shape_cast %slice3A_16 : vector<1024x1xf32> to vector<1024x1xf32>
    %broadcast_in_dim3A_18 = vector.broadcast %broadcast_in_dim3A_17 : vector<1024x1xf32> to vector<1024x64xf32>
    %concatenate3A = tpu.concatenate %broadcast_in_dim3A_15, %broadcast_in_dim3A_18 in 1 : vector<1024x64xf32>, vector<1024x64xf32> -> vector<1024x128xf32>
    %mul3A = arith.mulf %dot_general3A_14, %concatenate3A : vector<1024x128xf32>
    %swap3A = arith.constant 0 : index
    %swap3A_19 = arith.constant 0 : index
    %swap3A_20 = vector.load %arg5[%swap3A, %swap3A_19] : memref<1024x128xf32, #tpu.memory_space<vmem>>, vector<1024x128xf32>
    tpu.vector_store %arg5[%swap3A, %swap3A_19], %mul3A {strides = array<i32>} : memref<1024x128xf32, #tpu.memory_space<vmem>>, vector<1024x128xf32>,
    %swap3A_21 = arith.constant 0 : index
    %swap3A_22 = arith.constant 0 : index
    %swap3A_23 = vector.load %arg6[%swap3A_21, %swap3A_22] : memref<1024x2xf32, #tpu.memory_space<vmem>>, vector<1024x2xf32>
    tpu.vector_store %arg6[%swap3A_21, %swap3A_22], %rsqrt3A {strides = array<i32>} : memref<1024x2xf32, #tpu.memory_space<vmem>>, vector<1024x2xf32>,
    return
  }
  func.func @transform_0(%arg0: i32) -> (i32, i32) {
    %c0_i32 = arith.constant 0 : i32
    %c0_i32_0 = arith.constant 0 : i32
    return %arg0, %c0_i32 : i32, i32
  }
  func.func @transform_1(%arg0: i32) -> (i32, i32) {
    %c0_i32 = arith.constant 0 : i32
    %c0_i32_0 = arith.constant 0 : i32
    %c0_i32_1 = arith.constant 0 : i32
    return %c0_i32, %c0_i32_0 : i32, i32
  }
  func.func @transform_2(%arg0: i32) -> (i32, i32) {
    %c0_i32 = arith.constant 0 : i32
    %c0_i32_0 = arith.constant 0 : i32
    return %arg0, %c0_i32 : i32, i32
  }
  func.func @transform_3(%arg0: i32) -> (i32, i32) {
    %c0_i32 = arith.constant 0 : i32
    %c0_i32_0 = arith.constant 0 : i32
    return %arg0, %c0_i32 : i32, i32
  }
  func.func @transform_4(%arg0: i32) -> (i32, i32) {
    %c0_i32 = arith.constant 0 : i32
    %c0_i32_0 = arith.constant 0 : i32
    return %arg0, %c0_i32 : i32, i32
  }
  func.func @transform_5(%arg0: i32) -> (i32, i32) {
    %c0_i32 = arith.constant 0 : i32
    %c0_i32_0 = arith.constant 0 : i32
    return %arg0, %c0_i32 : i32, i32
  }
}

module attributes {stable_mosaic.version = 14 : i64} {
  func.func @_comb_body(%arg0: i32, %arg1: memref<1024x128xf32, #tpu.memory_space<vmem>>, %arg2: memref<1024x128xf32, #tpu.memory_space<vmem>>, %arg3: memref<1024x128xf32, #tpu.memory_space<vmem>>, %arg4: memref<1024x2xf32, #tpu.memory_space<vmem>>, %arg5: memref<1024x128xf32, #tpu.memory_space<vmem>>) attributes {dimension_semantics = [#tpu.dimension_semantics<arbitrary>], iteration_bounds = array<i64: 5>, scalar_prefetch = 0 : i64, scratch_operands = 0 : i64, tpu.core_type = #tpu.core_type<tc>, window_params = [{transform_indices = @transform_0, window_bounds = array<i64: 1024, 128>}, {transform_indices = @transform_1, window_bounds = array<i64: 1024, 128>}, {transform_indices = @transform_2, window_bounds = array<i64: 1024, 128>}, {transform_indices = @transform_3, window_bounds = array<i64: 1024, 2>}, {transform_indices = @transform_4, window_bounds = array<i64: 1024, 128>}]} {
    %get3A = arith.constant 0 : index
    %get3A_0 = arith.constant 0 : index
    %get3A_1 = vector.load %arg4[%get3A, %get3A_0] : memref<1024x2xf32, #tpu.memory_space<vmem>>, vector<1024x2xf32>
    %slice3A = vector.extract_strided_slice %get3A_1 {offsets = [0, 0], sizes = [1024, 1], strides = [1, 1]} : vector<1024x2xf32> to vector<1024x1xf32>
    %broadcast_in_dim3A = vector.shape_cast %slice3A : vector<1024x1xf32> to vector<1024x1xf32>
    %broadcast_in_dim3A_2 = vector.broadcast %broadcast_in_dim3A : vector<1024x1xf32> to vector<1024x64xf32>
    %slice3A_3 = vector.extract_strided_slice %get3A_1 {offsets = [0, 1], sizes = [1024, 1], strides = [1, 1]} : vector<1024x2xf32> to vector<1024x1xf32>
    %broadcast_in_dim3A_4 = vector.shape_cast %slice3A_3 : vector<1024x1xf32> to vector<1024x1xf32>
    %broadcast_in_dim3A_5 = vector.broadcast %broadcast_in_dim3A_4 : vector<1024x1xf32> to vector<1024x64xf32>
    %concatenate3A = tpu.concatenate %broadcast_in_dim3A_2, %broadcast_in_dim3A_5 in 1 : vector<1024x64xf32>, vector<1024x64xf32> -> vector<1024x128xf32>
    %mul3A = arith.mulf %concatenate3A, %concatenate3A : vector<1024x128xf32>
    %get3A_6 = arith.constant 0 : index
    %get3A_7 = arith.constant 0 : index
    %get3A_8 = vector.load %arg1[%get3A_6, %get3A_7] : memref<1024x128xf32, #tpu.memory_space<vmem>>, vector<1024x128xf32>
    %get3A_9 = arith.constant 0 : index
    %get3A_10 = arith.constant 0 : index
    %get3A_11 = vector.load %arg2[%get3A_9, %get3A_10] : memref<1024x128xf32, #tpu.memory_space<vmem>>, vector<1024x128xf32>
    %add3A = arith.addf %get3A_8, %get3A_11 : vector<1024x128xf32>
    %get3A_12 = arith.constant 0 : index
    %get3A_13 = arith.constant 0 : index
    %get3A_14 = vector.load %arg3[%get3A_12, %get3A_13] : memref<1024x128xf32, #tpu.memory_space<vmem>>, vector<1024x128xf32>
    %add3A_15 = arith.addf %add3A, %get3A_14 : vector<1024x128xf32>
    %mul3A_16 = arith.mulf %mul3A, %add3A_15 : vector<1024x128xf32>
    %swap3A = arith.constant 0 : index
    %swap3A_17 = arith.constant 0 : index
    %swap3A_18 = vector.load %arg5[%swap3A, %swap3A_17] : memref<1024x128xf32, #tpu.memory_space<vmem>>, vector<1024x128xf32>
    tpu.vector_store %arg5[%swap3A, %swap3A_17], %mul3A_16 {strides = array<i32>} : memref<1024x128xf32, #tpu.memory_space<vmem>>, vector<1024x128xf32>,
    return
  }
  func.func @transform_0(%arg0: i32) -> (i32, i32) {
    %c0_i32 = arith.constant 0 : i32
    %c0_i32_0 = arith.constant 0 : i32
    return %arg0, %c0_i32 : i32, i32
  }
  func.func @transform_1(%arg0: i32) -> (i32, i32) {
    %c0_i32 = arith.constant 0 : i32
    %c0_i32_0 = arith.constant 0 : i32
    return %arg0, %c0_i32 : i32, i32
  }
  func.func @transform_2(%arg0: i32) -> (i32, i32) {
    %c0_i32 = arith.constant 0 : i32
    %c0_i32_0 = arith.constant 0 : i32
    return %arg0, %c0_i32 : i32, i32
  }
  func.func @transform_3(%arg0: i32) -> (i32, i32) {
    %c0_i32 = arith.constant 0 : i32
    %c0_i32_0 = arith.constant 0 : i32
    return %arg0, %c0_i32 : i32, i32
  }
  func.func @transform_4(%arg0: i32) -> (i32, i32) {
    %c0_i32 = arith.constant 0 : i32
    %c0_i32_0 = arith.constant 0 : i32
    return %arg0, %c0_i32 : i32, i32
  }
}

module attributes {stable_mosaic.version = 14 : i64} {
  func.func @_final_body(%arg0: i32, %arg1: memref<1000x128xf32, #tpu.memory_space<vmem>>, %arg2: memref<1000x128xf32, #tpu.memory_space<vmem>>, %arg3: memref<1000x128xf32, #tpu.memory_space<vmem>>, %arg4: memref<1000x2xf32, #tpu.memory_space<vmem>>, %arg5: memref<1x128xf32, #tpu.memory_space<vmem>>, %arg6: memref<1000x128xf32, #tpu.memory_space<vmem>>) attributes {dimension_semantics = [#tpu.dimension_semantics<arbitrary>], iteration_bounds = array<i64: 5>, scalar_prefetch = 0 : i64, scratch_operands = 0 : i64, tpu.core_type = #tpu.core_type<tc>, window_params = [{transform_indices = @transform_0, window_bounds = array<i64: 1000, 128>}, {transform_indices = @transform_1, window_bounds = array<i64: 1000, 128>}, {transform_indices = @transform_2, window_bounds = array<i64: 1000, 128>}, {transform_indices = @transform_3, window_bounds = array<i64: 1000, 2>}, {pipeline_mode = #tpu.pipeline_mode<synchronous>, transform_indices = @transform_4, window_bounds = array<i64: 1, 128>}, {transform_indices = @transform_5, window_bounds = array<i64: 1000, 128>}]} {
    %get3A = arith.constant 0 : index
    %get3A_0 = arith.constant 0 : index
    %get3A_1 = vector.load %arg4[%get3A, %get3A_0] : memref<1000x2xf32, #tpu.memory_space<vmem>>, vector<1000x2xf32>
    %slice3A = vector.extract_strided_slice %get3A_1 {offsets = [0, 0], sizes = [1000, 1], strides = [1, 1]} : vector<1000x2xf32> to vector<1000x1xf32>
    %broadcast_in_dim3A = vector.shape_cast %slice3A : vector<1000x1xf32> to vector<1000x1xf32>
    %broadcast_in_dim3A_2 = vector.broadcast %broadcast_in_dim3A : vector<1000x1xf32> to vector<1000x64xf32>
    %slice3A_3 = vector.extract_strided_slice %get3A_1 {offsets = [0, 1], sizes = [1000, 1], strides = [1, 1]} : vector<1000x2xf32> to vector<1000x1xf32>
    %broadcast_in_dim3A_4 = vector.shape_cast %slice3A_3 : vector<1000x1xf32> to vector<1000x1xf32>
    %broadcast_in_dim3A_5 = vector.broadcast %broadcast_in_dim3A_4 : vector<1000x1xf32> to vector<1000x64xf32>
    %concatenate3A = tpu.concatenate %broadcast_in_dim3A_2, %broadcast_in_dim3A_5 in 1 : vector<1000x64xf32>, vector<1000x64xf32> -> vector<1000x128xf32>
    %get3A_6 = arith.constant 0 : index
    %get3A_7 = arith.constant 0 : index
    %get3A_8 = vector.load %arg1[%get3A_6, %get3A_7] : memref<1000x128xf32, #tpu.memory_space<vmem>>, vector<1000x128xf32>
    %get3A_9 = arith.constant 0 : index
    %get3A_10 = arith.constant 0 : index
    %get3A_11 = vector.load %arg2[%get3A_9, %get3A_10] : memref<1000x128xf32, #tpu.memory_space<vmem>>, vector<1000x128xf32>
    %add3A = arith.addf %get3A_8, %get3A_11 : vector<1000x128xf32>
    %get3A_12 = arith.constant 0 : index
    %get3A_13 = arith.constant 0 : index
    %get3A_14 = vector.load %arg3[%get3A_12, %get3A_13] : memref<1000x128xf32, #tpu.memory_space<vmem>>, vector<1000x128xf32>
    %add3A_15 = arith.addf %add3A, %get3A_14 : vector<1000x128xf32>
    %mul3A = arith.mulf %concatenate3A, %add3A_15 : vector<1000x128xf32>
    %get3A_16 = arith.constant 0 : index
    %get3A_17 = arith.constant 0 : index
    %get3A_18 = vector.load %arg5[%get3A_16, %get3A_17] : memref<1x128xf32, #tpu.memory_space<vmem>>, vector<1x128xf32>
    %add3A_19 = vector.broadcast %get3A_18 : vector<1x128xf32> to vector<1000x128xf32>
    %add3A_20 = arith.addf %mul3A, %add3A_19 : vector<1000x128xf32>
    %slice3A_21 = vector.extract_strided_slice %add3A_20 {offsets = [0, 0], sizes = [1000, 64], strides = [1, 1]} : vector<1000x128xf32> to vector<1000x64xf32>
    %slice3A_22 = vector.extract_strided_slice %add3A_20 {offsets = [0, 64], sizes = [1000, 64], strides = [1, 1]} : vector<1000x128xf32> to vector<1000x64xf32>
    %reduce_max3A = arith.constant dense<0xFF800000> : vector<1000xf32>
    %reduce_max3A_23 = vector.multi_reduction <maximumf>, %slice3A_21, %reduce_max3A [1] : vector<1000x64xf32> to vector<1000xf32>
    %broadcast_in_dim3A_24 = vector.shape_cast %reduce_max3A_23 : vector<1000xf32> to vector<1000x1xf32>
    %sub3A = vector.broadcast %broadcast_in_dim3A_24 : vector<1000x1xf32> to vector<1000x64xf32>
    %sub3A_25 = arith.subf %slice3A_21, %sub3A : vector<1000x64xf32>
    %exp3A = math.exp %sub3A_25 : vector<1000x64xf32>
    %sub3A_26 = vector.broadcast %broadcast_in_dim3A_24 : vector<1000x1xf32> to vector<1000x64xf32>
    %sub3A_27 = arith.subf %slice3A_21, %sub3A_26 : vector<1000x64xf32>
    %reduce_sum3A = arith.constant dense<0.000000e+00> : vector<1000xf32>
    %reduce_sum3A_28 = vector.multi_reduction <add>, %exp3A, %reduce_sum3A [1] : vector<1000x64xf32> to vector<1000xf32>
    %broadcast_in_dim3A_29 = vector.shape_cast %reduce_sum3A_28 : vector<1000xf32> to vector<1000x1xf32>
    %log3A = math.log %broadcast_in_dim3A_29 : vector<1000x1xf32>
    %sub3A_30 = vector.broadcast %log3A : vector<1000x1xf32> to vector<1000x64xf32>
    %sub3A_31 = arith.subf %sub3A_27, %sub3A_30 : vector<1000x64xf32>
    %reduce_max3A_32 = arith.constant dense<0xFF800000> : vector<1000xf32>
    %reduce_max3A_33 = vector.multi_reduction <maximumf>, %slice3A_22, %reduce_max3A_32 [1] : vector<1000x64xf32> to vector<1000xf32>
    %broadcast_in_dim3A_34 = vector.shape_cast %reduce_max3A_33 : vector<1000xf32> to vector<1000x1xf32>
    %sub3A_35 = vector.broadcast %broadcast_in_dim3A_34 : vector<1000x1xf32> to vector<1000x64xf32>
    %sub3A_36 = arith.subf %slice3A_22, %sub3A_35 : vector<1000x64xf32>
    %exp3A_37 = math.exp %sub3A_36 : vector<1000x64xf32>
    %sub3A_38 = vector.broadcast %broadcast_in_dim3A_34 : vector<1000x1xf32> to vector<1000x64xf32>
    %sub3A_39 = arith.subf %slice3A_22, %sub3A_38 : vector<1000x64xf32>
    %reduce_sum3A_40 = arith.constant dense<0.000000e+00> : vector<1000xf32>
    %reduce_sum3A_41 = vector.multi_reduction <add>, %exp3A_37, %reduce_sum3A_40 [1] : vector<1000x64xf32> to vector<1000xf32>
    %broadcast_in_dim3A_42 = vector.shape_cast %reduce_sum3A_41 : vector<1000xf32> to vector<1000x1xf32>
    %log3A_43 = math.log %broadcast_in_dim3A_42 : vector<1000x1xf32>
    %sub3A_44 = vector.broadcast %log3A_43 : vector<1000x1xf32> to vector<1000x64xf32>
    %sub3A_45 = arith.subf %sub3A_39, %sub3A_44 : vector<1000x64xf32>
    %concatenate3A_46 = tpu.concatenate %sub3A_31, %sub3A_45 in 1 : vector<1000x64xf32>, vector<1000x64xf32> -> vector<1000x128xf32>
    %swap3A = arith.constant 0 : index
    %swap3A_47 = arith.constant 0 : index
    %swap3A_48 = vector.load %arg6[%swap3A, %swap3A_47] : memref<1000x128xf32, #tpu.memory_space<vmem>>, vector<1000x128xf32>
    tpu.vector_store %arg6[%swap3A, %swap3A_47], %concatenate3A_46 {strides = array<i32>} : memref<1000x128xf32, #tpu.memory_space<vmem>>, vector<1000x128xf32>,
    return
  }
  func.func @transform_0(%arg0: i32) -> (i32, i32) {
    %c0_i32 = arith.constant 0 : i32
    %c0_i32_0 = arith.constant 0 : i32
    return %arg0, %c0_i32 : i32, i32
  }
  func.func @transform_1(%arg0: i32) -> (i32, i32) {
    %c0_i32 = arith.constant 0 : i32
    %c0_i32_0 = arith.constant 0 : i32
    return %arg0, %c0_i32 : i32, i32
  }
  func.func @transform_2(%arg0: i32) -> (i32, i32) {
    %c0_i32 = arith.constant 0 : i32
    %c0_i32_0 = arith.constant 0 : i32
    return %arg0, %c0_i32 : i32, i32
  }
  func.func @transform_3(%arg0: i32) -> (i32, i32) {
    %c0_i32 = arith.constant 0 : i32
    %c0_i32_0 = arith.constant 0 : i32
    return %arg0, %c0_i32 : i32, i32
  }
  func.func @transform_4(%arg0: i32) -> (i32, i32) {
    %c0_i32 = arith.constant 0 : i32
    %c0_i32_0 = arith.constant 0 : i32
    %c0_i32_1 = arith.constant 0 : i32
    return %c0_i32, %c0_i32_0 : i32, i32
  }
  func.func @transform_5(%arg0: i32) -> (i32, i32) {
    %c0_i32 = arith.constant 0 : i32
    %c0_i32_0 = arith.constant 0 : i32
    return %arg0, %c0_i32 : i32, i32
  }
}

</mosaic_0001>

<sc_bundles>
// kernel: kernel.11.cloned.1.call-start
scs
__scs_entry_jumppad:
0x0: {  	(pc) =	sbr.rel $0x88, $3  }
0x1: {  	(tag) =	ssettag $0x0;
	lr =	simm.s32 $0x1  }
0x2: {  	[smem:$0x3F9D] =	sst lr;
	_ =	strace $0xD0000000  }
0x3: {  	_ = 	snop  }
0x4: {  	_ = 	snop  }
0x5: {  	_ = 	snop  }
0x6: {  	_ = 	snop  }
0x7: {  	_ = 	snop  }
__scs_overlays_trampoline_lowered:
0x8: {  	[smem:$0x3FAC] =	sst s0  }
0x9: {  	[smem:$0x3FAD] =	sst s1  }
0xa: {  	[smem:$0x3FAE] =	sst s2  }
0xb: {  	[smem:$0x3FAF] =	sst s3  }
0xc: {  	[smem:$0x3FB0] =	sst s4  }
0xd: {  	[smem:$0x3FB1] =	sst s5  }
0xe: {  	[smem:$0x3FB2] =	sst s6  }
0xf: {  	[smem:$0x3FB3] =	sst s7  }
0x10: {  	[smem:$0x3FB4] =	sst s8  }
0x11: {  	[smem:$0x3FB5] =	sst s9;
	s0 =	simm.s32 @!p0 $0x0  }
0x12: {  	s1 =	sld [smem:$0x3F9B];
	s0 =	simm.s32 @p0 $0x1  }
0x13: {  	[smem:$0x3FB6] =	sst s0;
	s0 =	simm.s32 @!p1 $0x0  }
0x14: {  	s2 =	sld [smem:$0x3F9A];
	s0 =	simm.s32 @p1 $0x1  }
0x15: {  	[smem:$0x3FB7] =	sst s0;
	s0 =	simm.s32 @!p2 $0x0  }
0x16: {  	s3 =	sld [smem:$0x3FDB];
	s0 =	simm.s32 @p2 $0x1  }
0x17: {  	s4 =	simm.s32 $0x1BF5;
	[smem:$0x3FB9] =	sst s0  }
0x18: {  	s0 =	sld [smem:$0x3F9C];
	_ =	swait.ge [sflag:s4], $0x0  }
0x19: {  	s7 =	sld [smem:$0x3F9D]  }
0x1a: {  	s8 =	sadd.s32 $0xFFFFE003, lr  }
0x1b: {  	s9 =	sadd.s32 $0xFFFFFEF7, lr;
	s5 =	simm.s32 $0xFFFFFFFF;
	p2 =	slt.u32 s8, $0xFFFFF086  }
0x1c: {  	p1 =	slt.u32 s9, $0xF7A;
	s5 =	simm.s32 @!p2 $0x0  }
0x1d: {  	s5 =	simm.s32 @p1 $0x1;
	p0 =	seq.s32 s7, s2  }
0x1e: {  	s7 =	smul.u32 @!p0 $0xF7A, s2;
	p2 =	seq.s32 @!p0 s5, $0x0  }
0x1f: {  	s9 =	smul.u32 $0xF7A, s1;
	s8 =	simm.s32 @!p0 $0x1BF5;
	p2 =	por !p2, p0  }
0x20: {  	[sflag:s8] =	ssyncset.s32 @!p0 $0xFFFFF086;
	s6 =	sadd.s32 @!p0 s3, s7;
	s7 =	simm.s32 @!p0 $0x108  }
0x21: {  	s3 =	sadd.s32 s3, s9;
	s6 =	sadd.s32 @!p0 $0x88, s6;
	s7 =	simm.s32 @p2 $0x1082  }
0x22: {  	[simem:s7], [sflag:s8] =	dma.local @!p0 [hbm:s6], $0xF7A  }
0x23: {  	s9 =	sor.u32 $0xD0000000, s2;
	s6 =	simm.s32 $0x108;
	_ =	swait.ge @!p0 [sflag:s8], $0x0  }
0x24: {  	s3 =	sadd.s32 $0x88, s3;
	s6 =	simm.s32 @!p1 $0x1082;
	[sflag:s4] =	ssyncset.s32 $0xFFFFF086  }
0x25: {  	[simem:s6], [sflag:s4] =	dma.local [hbm:s3], $0xF7A  }
0x26: {  	[smem:$0x3F9D] =	sst s1;
	(tag) =	ssettag s2;
	_ =	strace s9  }
0x27: {  	s1 =	sld [smem:$0x3FAD]  }
0x28: {  	s2 =	sld [smem:$0x3FAE]  }
0x29: {  	s4 =	sld [smem:$0x3FB0]  }
0x2a: {  	p0 =	seq.s32 s5, $0x0;
	s5 =	sld [smem:$0x3FB1]  }
0x2b: {  	s6 =	sld [smem:$0x3FB2]  }
0x2c: {  	s7 =	sld [smem:$0x3FB3]  }
0x2d: {  	s3 =	simm.s32 $0x108;
	s8 =	sld [smem:$0x3FB4]  }
0x2e: {  	s3 =	simm.s32 @!p0 $0x1082;
	s9 =	sld [smem:$0x3FB5]  }
0x2f: {  	lr =	sadd.s32 s0, s3;
	s0 =	sld [smem:$0x3FAC]  }
0x30: {  	s3 =	sld [smem:$0x3FAF]  }
0x31: {  	[smem:$0x3FB8] =	sst s10  }
0x32: {  	s10 =	sld [smem:$0x3FB6];
	_ =	sdelay $0x3  }
0x33: {  	p0 =	seq.s32 s10, $0x1;
	s10 =	sld [smem:$0x3FB8];
	_ =	sdelay $0x3  }
0x34: {  	[smem:$0x3FB8] =	sst s10  }
0x35: {  	s10 =	sld [smem:$0x3FB7];
	_ =	sdelay $0x3  }
0x36: {  	p1 =	seq.s32 s10, $0x1;
	s10 =	sld [smem:$0x3FB8];
	_ =	sdelay $0x3  }
0x37: {  	[smem:$0x3FB8] =	sst s10  }
0x38: {  	s10 =	sld [smem:$0x3FB9]  }
0x39: {  	_ = 	snop;
	(pc) =	sbr.ind lr, $3  }
0x3a: {  	_ = 	snop  }
0x3b: {  	_ = 	snop  }
0x3c: {  	p2 =	seq.s32 s10, $0x1;
	s10 =	sld [smem:$0x3FB8]  }
0x3d: {  	_ =	shalt  }
0x3e: {  	_ =	shalt  }
0x3f: {  	_ =	shalt  }
0x40: {  	_ =	shalt  }
0x41: {  	_ =	shalt  }
0x42: {  	_ =	shalt  }
0x43: {  	_ =	shalt  }
0x44: {  	_ =	shalt  }
0x45: {  	_ =	shalt  }
0x46: {  	_ =	shalt  }
0x47: {  	_ =	shalt  }
0x48: {  	_ =	shalt  }
0x49: {  	_ =	shalt  }
0x4a: {  	_ =	shalt  }
0x4b: {  	_ =	shalt  }
0x4c: {  	_ =	shalt  }
0x4d: {  	_ =	shalt  }
0x4e: {  	_ =	shalt  }
0x4f: {  	_ =	shalt  }
0x50: {  	_ =	shalt  }
0x51: {  	_ =	shalt  }
0x52: {  	_ =	shalt  }
0x53: {  	_ =	shalt  }
0x54: {  	_ =	shalt  }
0x55: {  	_ =	shalt  }
0x56: {  	_ =	shalt  }
0x57: {  	_ =	shalt  }
0x58: {  	_ =	shalt  }
0x59: {  	_ =	shalt  }
0x5a: {  	_ =	shalt  }
0x5b: {  	_ =	shalt  }
0x5c: {  	_ =	shalt  }
0x5d: {  	_ =	shalt  }
0x5e: {  	_ =	shalt  }
0x5f: {  	_ =	shalt  }
0x60: {  	_ =	shalt  }
0x61: {  	_ =	shalt  }
0x62: {  	_ =	shalt  }
0x63: {  	_ =	shalt  }
0x64: {  	_ =	shalt  }
0x65: {  	_ =	shalt  }
0x66: {  	_ =	shalt  }
0x67: {  	_ =	shalt  }
0x68: {  	_ =	shalt  }
0x69: {  	_ =	shalt  }
0x6a: {  	_ =	shalt  }
0x6b: {  	_ =	shalt  }
0x6c: {  	_ =	shalt  }
0x6d: {  	_ =	shalt  }
0x6e: {  	_ =	shalt  }
0x6f: {  	_ =	shalt  }
0x70: {  	_ =	shalt  }
0x71: {  	_ =	shalt  }
0x72: {  	_ =	shalt  }
0x73: {  	_ =	shalt  }
0x74: {  	_ =	shalt  }
0x75: {  	_ =	shalt  }
0x76: {  	_ =	shalt  }
0x77: {  	_ =	shalt  }
0x78: {  	_ =	shalt  }
0x79: {  	_ =	shalt  }
0x7a: {  	_ =	shalt  }
0x7b: {  	_ =	shalt  }
0x7c: {  	_ =	shalt  }
0x7d: {  	_ =	shalt  }
0x7e: {  	_ =	shalt  }
0x7f: {  	_ =	shalt  }
0x80: {  	_ =	shalt  }
0x81: {  	_ =	shalt  }
0x82: {  	_ =	shalt  }
0x83: {  	_ =	shalt  }
0x84: {  	_ =	shalt  }
0x85: {  	_ =	shalt  }
0x86: {  	_ =	shalt  }
0x87: {  	_ =	shalt  }
.Lfunc_end0:
.L_simem_size_0:
called_computation.1_lowered:
.L_overlay_start_0:
0x88: {  	s2 =	sld [smem:$0x3FD9]  }
0x89: {  	s3 =	sld [smem:$0x3FFE];
	_ =	sdelay $0x1  }
0x8a: {  	s1 =	srdreg.scid  }
0x8b: {  	s0 =	sand.u32 $0x1, s1  }
0x8c: {  	s17 =	sshll.u32 s0, $0xA;
	s2 =	sadd.s32 s3, s2  }
0x8d: {  	s2 =	sadd.s32 s2, s17  }
0x8e: {  	[smem:$0x3FC4] =	sst s2  }
0x8f: {  	_ = 	snop  }
0x90: {  	s2 =	sld [smem:$0x3FD0];
	(tm) =	ssettm $0x1  }
0x91: {  	s18 =	sld [smem:$0x3FFB];
	_ =	sdelay $0x3  }
0x92: {  	_ =	strace s18  }
0x93: {  	s3 =	sld [smem:$0x3FFC];
	_ =	sdelay $0x3  }
0x94: {  	_ =	strace s3  }
0x95: {  	s3 =	sld [smem:$0x3FFD];
	_ =	sdelay $0x3  }
0x96: {  	_ =	strace s3  }
0x97: {  	_ =	strace $0x8FFFFFFF  }
0x98: {  	s19 =	sld [smem:$0x3FDB];
	_ =	sdelay $0x1  }
0x99: {  	s4 =	simm.s32 $_scs_section_size  }
0x9a: {  	s5 =	simm.s32 $_size__tile_overlayer_lowered;
	s6 =	simm.s32 $_tile_overlayer_lowered  }
0x9b: {  	s22 =	simm.s32 $0x1BFF;
	s21 =	sshll.u32 s6, $0x1;
	s3 =	sadd.s32 s4, s19  }
0x9c: {  	s7 =	simm.s32 $0x0;
	s20 =	sshll.u32 s5, $0x1;
	s5 =	sadd.s32 s21, s3  }
0x9d: {  	[timem:s7], [sflag:s22] =	dma.local [hbm:s5], s20  }
0x9e: {  	_ =	swait.ge [sflag:s22], s20  }
0x9f: {  	s4 =	ssub.s32 $0x0, s20;
	[sflag:s22] =	ssyncset.done $0x0  }
0xa0: {  	[sflag:s22] =	ssyncadd.s32 s4;
	_ =	sdelay $0x1  }
0xa1: {  	s23 =	simm.s32 $0x1B8B  }
0xa2: {  	_ =	swait.ge [sflag:s23], $0x1  }
0xa3: {  	[sflag:s23] =	ssyncset.done $0x0  }
0xa4: {  	s25 =	simm.s32 $0x1B8E;
	s24 =	sld [smem:$0x3FFE];
	[sflag:s23] =	ssyncadd.s32 $0xFFFFFFFF  }
0xa5: {  	s26 =	simm.s32 $execute0_lowered;
	[smem:$0x3FD2] =	sst s25  }
0xa6: {  	s5 =	sshll.u32 s26, $0x1;
	_ =	strace $0x80000049;
	[dreg:$0x1] =	wrdreg $0xFFFFFFFF  }
0xa7: {  	s28 =	simm.s32 $_size_execute0_lowered;
	s3 =	sadd.s32 s3, s5;
	[dreg:$0x0] =	wrdreg $0x0  }
0xa8: {  	s5 =	sshll.u32 s28, $0x1;
	[dreg:$0x2] =	wrdreg s3  }
0xa9: {  	[dreg:$0x3] =	wrdreg s5  }
0xaa: {  	[dreg:$0x4] =	wrdreg $0xC0  }
0xab: {  	_ =	task [dreg:s7], $0x5FFFF  }
0xac: {  	[dreg:$0x1] =	wrdreg $0xFFFFFFFF  }
0xad: {  	[dreg:$0x0] =	wrdreg $0x60  }
0xae: {  	[dreg:$0x2] =	wrdreg s24  }
0xaf: {  	[dreg:$0x3] =	wrdreg s2  }
0xb0: {  	[dreg:$0x4] =	wrdreg $0x14A000  }
0xb1: {  	[dreg:$0x5] =	wrdreg $0x9  }
0xb2: {  	_ =	task.clear_ibuf [dreg:s7], $0x6FFFF;
	_ =	strace $0x90000049  }
0xb3: {  	s29 =	simm.s32 $0x9;
	_ =	strace $0x8000004B  }
0xb4: {  	_ =	swait.ge [sflag:s29], $0x1  }
0xb5: {  	[sflag:s29] =	ssyncadd.s32 $0xFFFFFFFF  }
0xb6: {  	_ =	strace $0x9000004B  }
0xb7: {  	_ =	sfence  }
0xb8: {  	s30 =	sld [smem:$0x0];
	_ =	sdelay $0x2  }
0xb9: {  	s31 =	sshll.u32 s1, $0xD;
	s1 =	sshrl.u32 s1, $0x2  }
0xba: {  	s3 =	sand.u32 $0x4000, s31;
	s1 =	sadd.s32 s1, s30  }
0xbb: {  	s0 =	sor.u32 s3, s0;
	s1 =	sshll.u32 s1, $0x11  }
0xbc: {  	s0 =	sor.u32 s1, s0  }
0xbd: {  	s0 =	sadd.s32 $0x8F2B, s0  }
0xbe: {  	[sflag:s0] =	ssyncadd.remote.s32 $0x1  }
0xbf: {  	_ =	sfence.sel $0xFFFF  }
0xc0: {  	[dreg:$0x0] =	wrdreg $0xFFFFFFFF;
	(pc) =	sbr.abs _section_cstart, $3  }
0xc1: {  	[dreg:$0x1] =	wrdreg $0xFFFFFFFF  }
0xc2: {  	_ =	task.clear_ibuf [dreg:s7], $0x2FFFF;
	_ =	strace $0x9FFFFFFF  }
0xc3: {  	(tm) =	ssettm $0x7FFFFFFF  }
tec
execute0_lowered:
.L_overlay_start_1:
0x0: {  	(tag) =	ssettag $0x1  }
0x1: {  	s0 =	rddreg [dreg:$0x0];
	s1 =	srdreg.scid  }
0x2: {  	s3 =	rddreg [dreg:$0x2];
	s7 =	stileid.u32;
	s4 =	simm.s32 $0x0  }
0x3: {  	s12 =	simm.s32 $0x11;
	s14 =	simm.s32 $0x7D;
	s15 =	simm.s32 $0x5000  }
0x4: {  	s17 =	simm.s32 $0x6F40;
	s19 =	simm.s32 $0x8E80;
	s21 =	simm.s32 $0xADC0  }
0x5: {  	s28 =	simm.s32 $0x10B80;
	s30 =	simm.s32 $0x12AC0;
	s31 =	simm.s32 $0x1  }
0x6: {  	s13 =	simm.s32 $0x5;
	s16 =	simm.s32 $0x6;
	s18 =	simm.s32 $0x7  }
0x7: {  	s20 =	simm.s32 $0x8;
	s29 =	simm.s32 $0xC;
	s9 =	simm.s32 $0xF  }
0x8: {  	s10 =	simm.s32 $0x10;
	s1 =	sand.u32 $0x1, s1;
	[smem:$0x7FF] =	sst s4  }
0x9: {  	s5 =	sadd.s32 $0x17800, s0;
	s23 =	smul.u32 $0xA000, s7;
	s2 =	sshll.u32 s1, $0x4  }
0xa: {  	_ =	strace $0x8000004A;
	s22 =	ssub.s32 $0x2, s1;
	p0 =	seq.s32 s1, $0x1  }
0xb: {  	s1 =	simm.s32 $0x3F800;
	s2 =	sor.u32 s7, s2;
	s6 =	sshrl.u32 s22, $0x1  }
0xc: {  	s7 =	sshll.u32 s7, $0x6;
	s8 =	sadd.s32 s23, s3;
	s1 =	simm.s32 @!p0 $0x2B800  }
0xd: {  	s2 =	smul.u32 $0x2800, s2;
	s4 =	ssub.s32 s22, s6;
	s11 =	sor.u32 $0x1C11, s7  }
0xe: {  	s6 =	sshrl.u32 s23, $0x3;
	s23 =	simm.s32 $0xCD00;
	s22 =	simm.s32 $0x9  }
0xf: {  	s7 =	simm.s32 $0xD;
	s26 =	smax.u32 s4, $0x1;
	[dreg:$0x4] =	wrdreg s11  }
0x10: {  	s4 =	simm.s32 $0x0;
	s2 =	sshrl.u32 s2, $0x3;
	[dreg:$0x7] =	wrdreg s26  }
0x11: {  	s26 =	simm.s32 $0xB;
	[dreg:$0xa] =	wrdreg s4;
	s2 =	sadd.s32 s2, s0  }
0x12: {  	s0 =	sadd.s32 s1, s0;
	s1 =	simm.s32 $0x3;
	s24 =	sadd.s32 $0x3800, s2  }
0x13: {  	s25 =	sadd.s32 $0xD800, s2;
	s0 =	sadd.s32 s0, s6;
	[dreg:$0x5] =	wrdreg s24  }
0x14: {  	s6 =	sshrl.u32 s8, $0x3;
	s2 =	simm.s32 $0x4;
	[dreg:$0x6] =	wrdreg s25  }
0x15: {  	s8 =	simm.s32 $0xE;
	[dreg:$0x8] =	wrdreg s0;
	s25 =	simm.s32 $0xEC40  }
0x16: {  	s0 =	simm.s32 $0x2;
	s24 =	simm.s32 $0xA;
	[dreg:$0x9] =	wrdreg s6  }
.LBB2_1:
0x17: {  	s4 =	rddreg [dreg:$0x1]  }
0x18: {  	[spmem:s6], [sflag:s11] =	dma.local [hbm:s4], $0x1400  }
0x19: {  	_ =	swait.ge [sflag:s12], $0x1400  }
0x1a: {  	[sflag:s12] =	ssyncset.done $0x0  }
0x1b: {  	s6 =	simm.s32 $0x0;
	s11 =	rddreg [dreg:$0x5];
	[sflag:s12] =	ssyncadd.s32 $0xFFFFEC00  }
0x1c: {  	[tilespmem:s6], [sflag:$0x11] =	stream.linear.gather [hbm4b:s11+s6], $0x2800, $0x38;
	[tilespmem:$0x1EA00] =	vst v63  }
0x1d: {  	_ =	swait.ge [sflag:s12], $0x2800  }
0x1e: {  	[sflag:s12] =	ssyncset.done $0x0  }
0x1f: {  	s11 =	simm.s32 $0x2800;
	s4 =	rddreg [dreg:$0x6];
	[sflag:s12] =	ssyncadd.s32 $0xFFFFD800  }
0x20: {  	[tilespmem:s11], [sflag:$0x11] =	stream.linear.gather [hbm4b:s4+s6], $0x2800, $0x38;
	[tilespmem:$0x1EA00] =	vst v63  }
0x21: {  	_ =	swait.ge [sflag:s12], $0x2800  }
0x22: {  	[sflag:s12] =	ssyncset.done $0x0  }
0x23: {  	[sflag:s12] =	ssyncadd.s32 $0xFFFFD800  }
0x24: {  	[bflag:$0x0] =	sbarrier.arrive $0xFFFF  }
0x25: {  	[tilespmem:s15], [sflag:$0x1] =	stream.indirect.gather [hbm4b:s5+s14], $0x40, s6, s14, $0xb8;
	[tilespmem:$0x1EA00] =	vst v63  }
0x26: {  	s12 =	simm.s32 $0x80  }
0x27: {  	[tilespmem:s17], [sflag:$0x2] =	stream.indirect.gather [hbm4b:s5+s14], $0x40, s12, s14, $0xb8;
	[tilespmem:$0x1EA00] =	vst v63  }
0x28: {  	s11 =	simm.s32 $0x100  }
0x29: {  	[tilespmem:s19], [sflag:$0x3] =	stream.indirect.gather [hbm4b:s5+s14], $0x40, s11, s14, $0xb8;
	[tilespmem:$0x1EA00] =	vst v63  }
0x2a: {  	s12 =	simm.s32 $0x180  }
0x2b: {  	[tilespmem:s21], [sflag:$0x4] =	stream.indirect.gather [hbm4b:s5+s14], $0x40, s12, s14, $0xb8;
	[tilespmem:$0x1EA00] =	vst v63  }
0x2c: {  	s11 =	simm.s32 $0x200  }
0x2d: {  	[tilespmem:s23], [sflag:$0x5] =	stream.indirect.gather [hbm4b:s5+s14], $0x40, s11, s14, $0xb8;
	[tilespmem:$0x1EA00] =	vst v63  }
0x2e: {  	s12 =	simm.s32 $0x280  }
0x2f: {  	[tilespmem:s25], [sflag:$0x6] =	stream.indirect.gather [hbm4b:s5+s14], $0x40, s12, s14, $0xb8;
	[tilespmem:$0x1EA00] =	vst v63  }
0x30: {  	s11 =	simm.s32 $0x300  }
0x31: {  	[tilespmem:s28], [sflag:$0x7] =	stream.indirect.gather [hbm4b:s5+s14], $0x40, s11, s14, $0xb8;
	[tilespmem:$0x1EA00] =	vst v63  }
0x32: {  	s12 =	simm.s32 $0x380  }
0x33: {  	[tilespmem:s30], [sflag:$0x8] =	stream.indirect.gather [hbm4b:s5+s14], $0x40, s12, s14, $0xb8;
	[tilespmem:$0x1EA00] =	vst v63  }
0x34: {  	_ =	swait.ge [sflag:s31], $0x1F40  }
0x35: {  	[sflag:s31] =	ssyncset.done $0x0  }
0x36: {  	s11 =	simm.s32 $0x2800;
	[sflag:s31] =	ssyncadd.s32 $0xFFFFE0C0  }
0x37: {  	[spmem:s3] =	stream.indirect.scatter.add.f32 [tilespmem:s15], [sflag:$0x9], $0x40, s11, s14, $0xb8;
	[tilespmem:$0x1EA00] =	vst v63  }
0x38: {  	_ =	swait.ge [sflag:s0], $0x1F40  }
0x39: {  	[sflag:s0] =	ssyncset.done $0x0  }
0x3a: {  	s12 =	simm.s32 $0x2880;
	[sflag:s0] =	ssyncadd.s32 $0xFFFFE0C0  }
0x3b: {  	[spmem:s3] =	stream.indirect.scatter.add.f32 [tilespmem:s17], [sflag:$0xA], $0x40, s12, s14, $0xb8;
	[tilespmem:$0x1EA00] =	vst v63  }
0x3c: {  	_ =	swait.ge [sflag:s1], $0x1F40  }
0x3d: {  	[sflag:s1] =	ssyncset.done $0x0  }
0x3e: {  	s11 =	simm.s32 $0x2900;
	[sflag:s1] =	ssyncadd.s32 $0xFFFFE0C0  }
0x3f: {  	[spmem:s3] =	stream.indirect.scatter.add.f32 [tilespmem:s19], [sflag:$0xB], $0x40, s11, s14, $0xb8;
	[tilespmem:$0x1EA00] =	vst v63  }
0x40: {  	_ =	swait.ge [sflag:s2], $0x1F40  }
0x41: {  	[sflag:s2] =	ssyncset.done $0x0  }
0x42: {  	s12 =	simm.s32 $0x2980;
	[sflag:s2] =	ssyncadd.s32 $0xFFFFE0C0  }
0x43: {  	[spmem:s3] =	stream.indirect.scatter.add.f32 [tilespmem:s21], [sflag:$0xC], $0x40, s12, s14, $0xb8;
	[tilespmem:$0x1EA00] =	vst v63  }
0x44: {  	_ =	swait.ge [sflag:s13], $0x1F40  }
0x45: {  	[sflag:s13] =	ssyncset.done $0x0  }
0x46: {  	s11 =	simm.s32 $0x2A00;
	[sflag:s13] =	ssyncadd.s32 $0xFFFFE0C0  }
0x47: {  	[spmem:s3] =	stream.indirect.scatter.add.f32 [tilespmem:s23], [sflag:$0xD], $0x40, s11, s14, $0xb8;
	[tilespmem:$0x1EA00] =	vst v63  }
0x48: {  	_ =	swait.ge [sflag:s16], $0x1F40  }
0x49: {  	[sflag:s16] =	ssyncset.done $0x0  }
0x4a: {  	s12 =	simm.s32 $0x2A80;
	[sflag:s16] =	ssyncadd.s32 $0xFFFFE0C0  }
0x4b: {  	[spmem:s3] =	stream.indirect.scatter.add.f32 [tilespmem:s25], [sflag:$0xE], $0x40, s12, s14, $0xb8;
	[tilespmem:$0x1EA00] =	vst v63  }
0x4c: {  	_ =	swait.ge [sflag:s18], $0x1F40  }
0x4d: {  	[sflag:s18] =	ssyncset.done $0x0  }
0x4e: {  	s11 =	simm.s32 $0x2B00;
	[sflag:s18] =	ssyncadd.s32 $0xFFFFE0C0  }
0x4f: {  	[spmem:s3] =	stream.indirect.scatter.add.f32 [tilespmem:s28], [sflag:$0xF], $0x40, s11, s14, $0xb8;
	[tilespmem:$0x1EA00] =	vst v63  }
0x50: {  	_ =	swait.ge [sflag:s20], $0x1F40  }
0x51: {  	[sflag:s20] =	ssyncset.done $0x0  }
0x52: {  	s12 =	simm.s32 $0x2B80;
	[sflag:s20] =	ssyncadd.s32 $0xFFFFE0C0  }
0x53: {  	[spmem:s3] =	stream.indirect.scatter.add.f32 [tilespmem:s30], [sflag:$0x10], $0x40, s12, s14, $0xb8;
	[tilespmem:$0x1EA00] =	vst v63  }
0x54: {  	s11 =	smin.u32 s6, $0x47;
	_ =	swait.ge [sflag:s22], $0x1F40  }
0x55: {  	s4 =	sshll.u32 s11, $0x7;
	[sflag:s22] =	ssyncset.done $0x0  }
0x56: {  	s4 =	sadd.s32 $0x400, s4;
	[sflag:s22] =	ssyncadd.s32 $0xFFFFE0C0  }
0x57: {  	[tilespmem:s15], [sflag:$0x1] =	stream.indirect.gather [hbm4b:s5+s14], $0x40, s4, s14, $0xb8;
	[tilespmem:$0x1EA00] =	vst v63  }
0x58: {  	s12 =	smin.u32 s6, $0x46;
	_ =	swait.ge [sflag:s24], $0x1F40  }
0x59: {  	s4 =	sshll.u32 s12, $0x7;
	[sflag:s24] =	ssyncset.done $0x0  }
0x5a: {  	s4 =	sadd.s32 $0x480, s4;
	[sflag:s24] =	ssyncadd.s32 $0xFFFFE0C0  }
0x5b: {  	[tilespmem:s17], [sflag:$0x2] =	stream.indirect.gather [hbm4b:s5+s14], $0x40, s4, s14, $0xb8;
	[tilespmem:$0x1EA00] =	vst v63  }
0x5c: {  	s11 =	smin.u32 s6, $0x45;
	_ =	swait.ge [sflag:s26], $0x1F40  }
0x5d: {  	s4 =	sshll.u32 s11, $0x7;
	[sflag:s26] =	ssyncset.done $0x0  }
0x5e: {  	s4 =	sadd.s32 $0x500, s4;
	[sflag:s26] =	ssyncadd.s32 $0xFFFFE0C0  }
0x5f: {  	[tilespmem:s19], [sflag:$0x3] =	stream.indirect.gather [hbm4b:s5+s14], $0x40, s4, s14, $0xb8;
	[tilespmem:$0x1EA00] =	vst v63  }
0x60: {  	s12 =	smin.u32 s6, $0x44;
	_ =	swait.ge [sflag:s29], $0x1F40  }
0x61: {  	s4 =	sshll.u32 s12, $0x7;
	[sflag:s29] =	ssyncset.done $0x0  }
0x62: {  	s4 =	sadd.s32 $0x580, s4;
	[sflag:s29] =	ssyncadd.s32 $0xFFFFE0C0  }
0x63: {  	[tilespmem:s21], [sflag:$0x4] =	stream.indirect.gather [hbm4b:s5+s14], $0x40, s4, s14, $0xb8;
	[tilespmem:$0x1EA00] =	vst v63  }
0x64: {  	s11 =	smin.u32 s6, $0x43;
	_ =	swait.ge [sflag:s7], $0x1F40  }
0x65: {  	s4 =	sshll.u32 s11, $0x7;
	[sflag:s7] =	ssyncset.done $0x0  }
0x66: {  	s4 =	sadd.s32 $0x600, s4;
	[sflag:s7] =	ssyncadd.s32 $0xFFFFE0C0  }
0x67: {  	[tilespmem:s23], [sflag:$0x5] =	stream.indirect.gather [hbm4b:s5+s14], $0x40, s4, s14, $0xb8;
	[tilespmem:$0x1EA00] =	vst v63  }
0x68: {  	s12 =	smin.u32 s6, $0x42;
	_ =	swait.ge [sflag:s8], $0x1F40  }
0x69: {  	s4 =	sshll.u32 s12, $0x7;
	[sflag:s8] =	ssyncset.done $0x0  }
0x6a: {  	s4 =	sadd.s32 $0x680, s4;
	[sflag:s8] =	ssyncadd.s32 $0xFFFFE0C0  }
0x6b: {  	[tilespmem:s25], [sflag:$0x6] =	stream.indirect.gather [hbm4b:s5+s14], $0x40, s4, s14, $0xb8;
	[tilespmem:$0x1EA00] =	vst v63  }
0x6c: {  	s11 =	smin.u32 s6, $0x41;
	_ =	swait.ge [sflag:s9], $0x1F40  }
0x6d: {  	s4 =	sshll.u32 s11, $0x7;
	[sflag:s9] =	ssyncset.done $0x0  }
0x6e: {  	s4 =	sadd.s32 $0x700, s4;
	[sflag:s9] =	ssyncadd.s32 $0xFFFFE0C0  }
0x6f: {  	[tilespmem:s28], [sflag:$0x7] =	stream.indirect.gather [hbm4b:s5+s14], $0x40, s4, s14, $0xb8;
	[tilespmem:$0x1EA00] =	vst v63  }
0x70: {  	s12 =	smin.u32 s6, $0x40;
	_ =	swait.ge [sflag:s10], $0x1F40  }
0x71: {  	s11 =	simm.s32 $0x1000;
	s4 =	sshll.u32 s12, $0x7;
	[sflag:s10] =	ssyncset.done $0x0  }
0x72: {  	s12 =	sadd.s32 $0x780, s4;
	s4 =	simm.s32 $0x8;
	[sflag:s10] =	ssyncadd.s32 $0xFFFFE0C0  }
.LBB2_2:
0x73: {  	[tilespmem:s30], [sflag:$0x8] =	stream.indirect.gather [hbm4b:s5+s14], $0x40, s12, s14, $0xb8;
	[tilespmem:$0x1EA00] =	vst v63  }
0x74: {  	s12 =	smov.u32 s11  }
0x75: {  	p0 =	sne.s32 s11, $0x9000;
	s11 =	sadd.s32 $0x1000, s11;
	_ =	swait.ge [sflag:s31], $0x1F40  }
0x76: {  	s12 =	sshra.s32 s12, $0x2;
	[sflag:s31] =	ssyncset.done $0x0  }
0x77: {  	s6 =	sadd.s32 $0x2800, s12;
	[sflag:s31] =	ssyncadd.s32 $0xFFFFE0C0  }
0x78: {  	[spmem:s3] =	stream.indirect.scatter.add.f32 [tilespmem:s15], [sflag:$0x9], $0x40, s6, s14, $0xb8;
	[tilespmem:$0x1EA00] =	vst v63  }
0x79: {  	_ =	swait.ge [sflag:s0], $0x1F40  }
0x7a: {  	[sflag:s0] =	ssyncset.done $0x0  }
0x7b: {  	s6 =	sadd.s32 $0x2880, s12;
	[sflag:s0] =	ssyncadd.s32 $0xFFFFE0C0  }
0x7c: {  	[spmem:s3] =	stream.indirect.scatter.add.f32 [tilespmem:s17], [sflag:$0xA], $0x40, s6, s14, $0xb8;
	[tilespmem:$0x1EA00] =	vst v63  }
0x7d: {  	_ =	swait.ge [sflag:s1], $0x1F40  }
0x7e: {  	[sflag:s1] =	ssyncset.done $0x0  }
0x7f: {  	s6 =	sadd.s32 $0x2900, s12;
	[sflag:s1] =	ssyncadd.s32 $0xFFFFE0C0  }
0x80: {  	[spmem:s3] =	stream.indirect.scatter.add.f32 [tilespmem:s19], [sflag:$0xB], $0x40, s6, s14, $0xb8;
	[tilespmem:$0x1EA00] =	vst v63  }
0x81: {  	_ =	swait.ge [sflag:s2], $0x1F40  }
0x82: {  	[sflag:s2] =	ssyncset.done $0x0  }
0x83: {  	s6 =	sadd.s32 $0x2980, s12;
	[sflag:s2] =	ssyncadd.s32 $0xFFFFE0C0  }
0x84: {  	[spmem:s3] =	stream.indirect.scatter.add.f32 [tilespmem:s21], [sflag:$0xC], $0x40, s6, s14, $0xb8;
	[tilespmem:$0x1EA00] =	vst v63  }
0x85: {  	_ =	swait.ge [sflag:s13], $0x1F40  }
0x86: {  	[sflag:s13] =	ssyncset.done $0x0  }
0x87: {  	s6 =	sadd.s32 $0x2A00, s12;
	[sflag:s13] =	ssyncadd.s32 $0xFFFFE0C0  }
0x88: {  	[spmem:s3] =	stream.indirect.scatter.add.f32 [tilespmem:s23], [sflag:$0xD], $0x40, s6, s14, $0xb8;
	[tilespmem:$0x1EA00] =	vst v63  }
0x89: {  	_ =	swait.ge [sflag:s16], $0x1F40  }
0x8a: {  	[sflag:s16] =	ssyncset.done $0x0  }
0x8b: {  	s6 =	sadd.s32 $0x2A80, s12;
	[sflag:s16] =	ssyncadd.s32 $0xFFFFE0C0  }
0x8c: {  	[spmem:s3] =	stream.indirect.scatter.add.f32 [tilespmem:s25], [sflag:$0xE], $0x40, s6, s14, $0xb8;
	[tilespmem:$0x1EA00] =	vst v63  }
0x8d: {  	_ =	swait.ge [sflag:s18], $0x1F40  }
0x8e: {  	[sflag:s18] =	ssyncset.done $0x0  }
0x8f: {  	s6 =	sadd.s32 $0x2B00, s12;
	[sflag:s18] =	ssyncadd.s32 $0xFFFFE0C0  }
0x90: {  	[spmem:s3] =	stream.indirect.scatter.add.f32 [tilespmem:s28], [sflag:$0xF], $0x40, s6, s14, $0xb8;
	[tilespmem:$0x1EA00] =	vst v63  }
0x91: {  	_ =	swait.ge [sflag:s20], $0x1F40  }
0x92: {  	[sflag:s20] =	ssyncset.done $0x0  }
0x93: {  	s6 =	sadd.s32 $0x2B80, s12;
	[sflag:s20] =	ssyncadd.s32 $0xFFFFE0C0  }
0x94: {  	[spmem:s3] =	stream.indirect.scatter.add.f32 [tilespmem:s30], [sflag:$0x10], $0x40, s6, s14, $0xb8;
	[tilespmem:$0x1EA00] =	vst v63  }
0x95: {  	s6 =	smin.u32 s4, $0x47;
	_ =	swait.ge [sflag:s22], $0x1F40  }
0x96: {  	s6 =	sshll.u32 s6, $0x7;
	[sflag:s22] =	ssyncset.done $0x0  }
0x97: {  	s6 =	sadd.s32 $0x400, s6;
	[sflag:s22] =	ssyncadd.s32 $0xFFFFE0C0  }
0x98: {  	[tilespmem:s15], [sflag:$0x1] =	stream.indirect.gather [hbm4b:s5+s14], $0x40, s6, s14, $0xb8;
	[tilespmem:$0x1EA00] =	vst v63  }
0x99: {  	s6 =	smin.u32 s4, $0x46;
	_ =	swait.ge [sflag:s24], $0x1F40  }
0x9a: {  	s6 =	sshll.u32 s6, $0x7;
	[sflag:s24] =	ssyncset.done $0x0  }
0x9b: {  	s6 =	sadd.s32 $0x480, s6;
	[sflag:s24] =	ssyncadd.s32 $0xFFFFE0C0  }
0x9c: {  	[tilespmem:s17], [sflag:$0x2] =	stream.indirect.gather [hbm4b:s5+s14], $0x40, s6, s14, $0xb8;
	[tilespmem:$0x1EA00] =	vst v63  }
0x9d: {  	s6 =	smin.u32 s4, $0x45;
	_ =	swait.ge [sflag:s26], $0x1F40  }
0x9e: {  	s6 =	sshll.u32 s6, $0x7;
	[sflag:s26] =	ssyncset.done $0x0  }
0x9f: {  	s6 =	sadd.s32 $0x500, s6;
	[sflag:s26] =	ssyncadd.s32 $0xFFFFE0C0  }
0xa0: {  	[tilespmem:s19], [sflag:$0x3] =	stream.indirect.gather [hbm4b:s5+s14], $0x40, s6, s14, $0xb8;
	[tilespmem:$0x1EA00] =	vst v63  }
0xa1: {  	s6 =	smin.u32 s4, $0x44;
	_ =	swait.ge [sflag:s29], $0x1F40  }
0xa2: {  	s6 =	sshll.u32 s6, $0x7;
	[sflag:s29] =	ssyncset.done $0x0  }
0xa3: {  	s6 =	sadd.s32 $0x580, s6;
	[sflag:s29] =	ssyncadd.s32 $0xFFFFE0C0  }
0xa4: {  	[tilespmem:s21], [sflag:$0x4] =	stream.indirect.gather [hbm4b:s5+s14], $0x40, s6, s14, $0xb8;
	[tilespmem:$0x1EA00] =	vst v63  }
0xa5: {  	s6 =	smin.u32 s4, $0x43;
	_ =	swait.ge [sflag:s7], $0x1F40  }
0xa6: {  	s6 =	sshll.u32 s6, $0x7;
	[sflag:s7] =	ssyncset.done $0x0  }
0xa7: {  	s6 =	sadd.s32 $0x600, s6;
	[sflag:s7] =	ssyncadd.s32 $0xFFFFE0C0  }
0xa8: {  	[tilespmem:s23], [sflag:$0x5] =	stream.indirect.gather [hbm4b:s5+s14], $0x40, s6, s14, $0xb8;
	[tilespmem:$0x1EA00] =	vst v63  }
0xa9: {  	s6 =	smin.u32 s4, $0x42;
	_ =	swait.ge [sflag:s8], $0x1F40  }
0xaa: {  	s6 =	sshll.u32 s6, $0x7;
	[sflag:s8] =	ssyncset.done $0x0  }
0xab: {  	s6 =	sadd.s32 $0x680, s6;
	[sflag:s8] =	ssyncadd.s32 $0xFFFFE0C0  }
0xac: {  	[tilespmem:s25], [sflag:$0x6] =	stream.indirect.gather [hbm4b:s5+s14], $0x40, s6, s14, $0xb8;
	[tilespmem:$0x1EA00] =	vst v63  }
0xad: {  	s6 =	smin.u32 s4, $0x41;
	_ =	swait.ge [sflag:s9], $0x1F40  }
0xae: {  	s6 =	sshll.u32 s6, $0x7;
	[sflag:s9] =	ssyncset.done $0x0  }
.Ltmp0:
0xaf: {  	s6 =	sadd.s32 $0x700, s6;
	[sflag:s9] =	ssyncadd.s32 $0xFFFFE0C0;
	(pc) =	sbr.rel @p0 .LBB2_2-.Ltmp0, $4  }
0xb0: {  	[tilespmem:s28], [sflag:$0x7] =	stream.indirect.gather [hbm4b:s5+s14], $0x40, s6, s14, $0xb8;
	[tilespmem:$0x1EA00] =	vst v63  }
0xb1: {  	s6 =	smin.u32 s4, $0x40;
	_ =	swait.ge [sflag:s10], $0x1F40  }
0xb2: {  	s6 =	sshll.u32 s6, $0x7;
	[sflag:s10] =	ssyncset.done $0x0  }
0xb3: {  	s4 =	sadd.s32 $0x8, s4;
	s12 =	sadd.s32 $0x780, s6;
	[sflag:s10] =	ssyncadd.s32 $0xFFFFE0C0  }
0xb4: {  	[tilespmem:s30], [sflag:$0x8] =	stream.indirect.gather [hbm4b:s5+s14], $0x40, s12, s14, $0xb8;
	[tilespmem:$0x1EA00] =	vst v63  }
0xb5: {  	_ =	swait.ge [sflag:s31], $0x1F40  }
0xb6: {  	[sflag:s31] =	ssyncset.done $0x0  }
0xb7: {  	[sflag:s31] =	ssyncadd.s32 $0xFFFFE0C0  }
0xb8: {  	_ =	swait.ge [sflag:s0], $0x1F40  }
0xb9: {  	[sflag:s0] =	ssyncset.done $0x0  }
0xba: {  	[sflag:s0] =	ssyncadd.s32 $0xFFFFE0C0  }
0xbb: {  	_ =	swait.ge [sflag:s1], $0x1F40  }
0xbc: {  	[sflag:s1] =	ssyncset.done $0x0  }
0xbd: {  	[sflag:s1] =	ssyncadd.s32 $0xFFFFE0C0  }
0xbe: {  	_ =	swait.ge [sflag:s2], $0x1F40  }
0xbf: {  	[sflag:s2] =	ssyncset.done $0x0  }
0xc0: {  	[sflag:s2] =	ssyncadd.s32 $0xFFFFE0C0  }
0xc1: {  	_ =	swait.ge [sflag:s13], $0x1F40  }
0xc2: {  	[sflag:s13] =	ssyncset.done $0x0  }
0xc3: {  	[sflag:s13] =	ssyncadd.s32 $0xFFFFE0C0  }
0xc4: {  	_ =	swait.ge [sflag:s16], $0x1F40  }
0xc5: {  	[sflag:s16] =	ssyncset.done $0x0  }
0xc6: {  	[sflag:s16] =	ssyncadd.s32 $0xFFFFE0C0  }
0xc7: {  	_ =	swait.ge [sflag:s18], $0x1F40  }
0xc8: {  	[sflag:s18] =	ssyncset.done $0x0  }
0xc9: {  	[sflag:s18] =	ssyncadd.s32 $0xFFFFE0C0  }
0xca: {  	_ =	swait.ge [sflag:s20], $0x1F40  }
0xcb: {  	[sflag:s20] =	ssyncset.done $0x0  }
0xcc: {  	[sflag:s20] =	ssyncadd.s32 $0xFFFFE0C0  }
0xcd: {  	[bflag:$0x0] =	sbarrier.arrive $0xFFFF  }
0xce: {  	s11 =	rddreg [dreg:$0x4]  }
0xcf: {  	s4 =	rddreg [dreg:$0x8]  }
0xd0: {  	s12 =	simm.s32 $0x11;
	s6 =	rddreg [dreg:$0x9]  }
0xd1: {  	[hbm:s4], [sflag:s11] =	dma.local [spmem:s6], $0x1400  }
0xd2: {  	_ =	swait.ge [sflag:s12], $0x1400  }
0xd3: {  	s4 =	rddreg [dreg:$0xa]  }
0xd4: {  	s11 =	sadd.s32 $0x1, s4;
	s4 =	rddreg [dreg:$0x7]  }
0xd5: {  	p0 =	sne.s32 s11, s4  }
.Ltmp1:
0xd6: {  	_ = 	snop;
	(pc) =	sbr.rel @p0 .LBB2_1-.Ltmp1, $3  }
0xd7: {  	_ =	sdelay $0x1  }
0xd8: {  	[sflag:s12] =	ssyncset.done $0x0;
	[dreg:$0xa] =	wrdreg s11  }
0xd9: {  	[sflag:s12] =	ssyncadd.s32 $0xFFFFEC00;
	s11 =	rddreg [dreg:$0x4]  }
0xda: {  	_ =	sfence.sel $0x180000  }
0xdb: {  	[bflag:$0x0] =	sbarrier.arrive $0xFFFF  }
0xdc: {  	_ =	strace $0x9000004A  }
0xdd: {  	s0 =	stileid.u32;
	[bflag:$0x2] =	sbarrier.arrive $0xFFFF  }
0xde: {  	p0 =	sne.s32 s0, $0x0;
	s0 =	rddreg [dreg:$0x3]  }
0xdf: {  	s0 =	sadd.s32 @!p0 $0x100000, s0  }
0xe0: {  	[sflag:s0] =	ssyncadd.tile.s32 @!p0 $0x1;
	_ =	shalt  }
.Lfunc_end2:
_tile_overlayer_lowered:
.L_overlay_start_2:
0xe1: {  	(tag) =	ssettag $0x2  }
0xe2: {  	s0 =	rddreg [dreg:$0x0];
	s2 =	stileid.u32  }
0xe3: {  	s1 =	rddreg [dreg:$0x1];
	p0 =	sne.s32 s2, $0x0  }
0xe4: {  	s3 =	rddreg [dreg:$0x2];
	[bflag:$0x3] =	sbarrier.arrive $0xFFFF;
	s2 =	simm.s32 @!p0 $0x1C11  }
0xe5: {  	[timem:s3], [sflag:s2] =	dma.local @!p0 [hbm:s0], s1  }
0xe6: {  	s0 =	simm.s32 @!p0 $0x11  }
0xe7: {  	_ =	swait.ge @!p0 [sflag:s0], s1  }
0xe8: {  	s1 =	ssub.s32 @!p0 $0x0, s1;
	[sflag:s0] =	ssyncset.done @!p0 $0x0  }
0xe9: {  	[sflag:s0] =	ssyncadd.s32 @!p0 s1  }
0xea: {  	[bflag:$0x3] =	sbarrier.arrive $0xFFFF  }
0xeb: {  	_ =	shalt  }

// kernel: kernel.14.cloned.1.call-start
scs
__scs_entry_jumppad:
0x0: {  	(pc) =	sbr.rel $0x88, $3  }
0x1: {  	(tag) =	ssettag $0x0;
	lr =	simm.s32 $0x1  }
0x2: {  	[smem:$0x3F9D] =	sst lr;
	_ =	strace $0xD0000000  }
0x3: {  	_ = 	snop  }
0x4: {  	_ = 	snop  }
0x5: {  	_ = 	snop  }
0x6: {  	_ = 	snop  }
0x7: {  	_ = 	snop  }
__scs_overlays_trampoline_lowered:
0x8: {  	[smem:$0x3FAC] =	sst s0  }
0x9: {  	[smem:$0x3FAD] =	sst s1  }
0xa: {  	[smem:$0x3FAE] =	sst s2  }
0xb: {  	[smem:$0x3FAF] =	sst s3  }
0xc: {  	[smem:$0x3FB0] =	sst s4  }
0xd: {  	[smem:$0x3FB1] =	sst s5  }
0xe: {  	[smem:$0x3FB2] =	sst s6  }
0xf: {  	[smem:$0x3FB3] =	sst s7  }
0x10: {  	[smem:$0x3FB4] =	sst s8  }
0x11: {  	[smem:$0x3FB5] =	sst s9;
	s0 =	simm.s32 @!p0 $0x0  }
0x12: {  	s1 =	sld [smem:$0x3F9B];
	s0 =	simm.s32 @p0 $0x1  }
0x13: {  	[smem:$0x3FB6] =	sst s0;
	s0 =	simm.s32 @!p1 $0x0  }
0x14: {  	s2 =	sld [smem:$0x3F9A];
	s0 =	simm.s32 @p1 $0x1  }
0x15: {  	[smem:$0x3FB7] =	sst s0;
	s0 =	simm.s32 @!p2 $0x0  }
0x16: {  	s3 =	sld [smem:$0x3FDB];
	s0 =	simm.s32 @p2 $0x1  }
0x17: {  	s4 =	simm.s32 $0x1BF5;
	[smem:$0x3FB9] =	sst s0  }
0x18: {  	s0 =	sld [smem:$0x3F9C];
	_ =	swait.ge [sflag:s4], $0x0  }
0x19: {  	s7 =	sld [smem:$0x3F9D]  }
0x1a: {  	s8 =	sadd.s32 $0xFFFFE003, lr  }
0x1b: {  	s9 =	sadd.s32 $0xFFFFFEF7, lr;
	s5 =	simm.s32 $0xFFFFFFFF;
	p2 =	slt.u32 s8, $0xFFFFF086  }
0x1c: {  	p1 =	slt.u32 s9, $0xF7A;
	s5 =	simm.s32 @!p2 $0x0  }
0x1d: {  	s5 =	simm.s32 @p1 $0x1;
	p0 =	seq.s32 s7, s2  }
0x1e: {  	s7 =	smul.u32 @!p0 $0xF7A, s2;
	p2 =	seq.s32 @!p0 s5, $0x0  }
0x1f: {  	s9 =	smul.u32 $0xF7A, s1;
	s8 =	simm.s32 @!p0 $0x1BF5;
	p2 =	por !p2, p0  }
0x20: {  	[sflag:s8] =	ssyncset.s32 @!p0 $0xFFFFF086;
	s6 =	sadd.s32 @!p0 s3, s7;
	s7 =	simm.s32 @!p0 $0x108  }
0x21: {  	s3 =	sadd.s32 s3, s9;
	s6 =	sadd.s32 @!p0 $0x88, s6;
	s7 =	simm.s32 @p2 $0x1082  }
0x22: {  	[simem:s7], [sflag:s8] =	dma.local @!p0 [hbm:s6], $0xF7A  }
0x23: {  	s9 =	sor.u32 $0xD0000000, s2;
	s6 =	simm.s32 $0x108;
	_ =	swait.ge @!p0 [sflag:s8], $0x0  }
0x24: {  	s3 =	sadd.s32 $0x88, s3;
	s6 =	simm.s32 @!p1 $0x1082;
	[sflag:s4] =	ssyncset.s32 $0xFFFFF086  }
0x25: {  	[simem:s6], [sflag:s4] =	dma.local [hbm:s3], $0xF7A  }
0x26: {  	[smem:$0x3F9D] =	sst s1;
	(tag) =	ssettag s2;
	_ =	strace s9  }
0x27: {  	s1 =	sld [smem:$0x3FAD]  }
0x28: {  	s2 =	sld [smem:$0x3FAE]  }
0x29: {  	s4 =	sld [smem:$0x3FB0]  }
0x2a: {  	p0 =	seq.s32 s5, $0x0;
	s5 =	sld [smem:$0x3FB1]  }
0x2b: {  	s6 =	sld [smem:$0x3FB2]  }
0x2c: {  	s7 =	sld [smem:$0x3FB3]  }
0x2d: {  	s3 =	simm.s32 $0x108;
	s8 =	sld [smem:$0x3FB4]  }
0x2e: {  	s3 =	simm.s32 @!p0 $0x1082;
	s9 =	sld [smem:$0x3FB5]  }
0x2f: {  	lr =	sadd.s32 s0, s3;
	s0 =	sld [smem:$0x3FAC]  }
0x30: {  	s3 =	sld [smem:$0x3FAF]  }
0x31: {  	[smem:$0x3FB8] =	sst s10  }
0x32: {  	s10 =	sld [smem:$0x3FB6];
	_ =	sdelay $0x3  }
0x33: {  	p0 =	seq.s32 s10, $0x1;
	s10 =	sld [smem:$0x3FB8];
	_ =	sdelay $0x3  }
0x34: {  	[smem:$0x3FB8] =	sst s10  }
0x35: {  	s10 =	sld [smem:$0x3FB7];
	_ =	sdelay $0x3  }
0x36: {  	p1 =	seq.s32 s10, $0x1;
	s10 =	sld [smem:$0x3FB8];
	_ =	sdelay $0x3  }
0x37: {  	[smem:$0x3FB8] =	sst s10  }
0x38: {  	s10 =	sld [smem:$0x3FB9]  }
0x39: {  	_ = 	snop;
	(pc) =	sbr.ind lr, $3  }
0x3a: {  	_ = 	snop  }
0x3b: {  	_ = 	snop  }
0x3c: {  	p2 =	seq.s32 s10, $0x1;
	s10 =	sld [smem:$0x3FB8]  }
0x3d: {  	_ =	shalt  }
0x3e: {  	_ =	shalt  }
0x3f: {  	_ =	shalt  }
0x40: {  	_ =	shalt  }
0x41: {  	_ =	shalt  }
0x42: {  	_ =	shalt  }
0x43: {  	_ =	shalt  }
0x44: {  	_ =	shalt  }
0x45: {  	_ =	shalt  }
0x46: {  	_ =	shalt  }
0x47: {  	_ =	shalt  }
0x48: {  	_ =	shalt  }
0x49: {  	_ =	shalt  }
0x4a: {  	_ =	shalt  }
0x4b: {  	_ =	shalt  }
0x4c: {  	_ =	shalt  }
0x4d: {  	_ =	shalt  }
0x4e: {  	_ =	shalt  }
0x4f: {  	_ =	shalt  }
0x50: {  	_ =	shalt  }
0x51: {  	_ =	shalt  }
0x52: {  	_ =	shalt  }
0x53: {  	_ =	shalt  }
0x54: {  	_ =	shalt  }
0x55: {  	_ =	shalt  }
0x56: {  	_ =	shalt  }
0x57: {  	_ =	shalt  }
0x58: {  	_ =	shalt  }
0x59: {  	_ =	shalt  }
0x5a: {  	_ =	shalt  }
0x5b: {  	_ =	shalt  }
0x5c: {  	_ =	shalt  }
0x5d: {  	_ =	shalt  }
0x5e: {  	_ =	shalt  }
0x5f: {  	_ =	shalt  }
0x60: {  	_ =	shalt  }
0x61: {  	_ =	shalt  }
0x62: {  	_ =	shalt  }
0x63: {  	_ =	shalt  }
0x64: {  	_ =	shalt  }
0x65: {  	_ =	shalt  }
0x66: {  	_ =	shalt  }
0x67: {  	_ =	shalt  }
0x68: {  	_ =	shalt  }
0x69: {  	_ =	shalt  }
0x6a: {  	_ =	shalt  }
0x6b: {  	_ =	shalt  }
0x6c: {  	_ =	shalt  }
0x6d: {  	_ =	shalt  }
0x6e: {  	_ =	shalt  }
0x6f: {  	_ =	shalt  }
0x70: {  	_ =	shalt  }
0x71: {  	_ =	shalt  }
0x72: {  	_ =	shalt  }
0x73: {  	_ =	shalt  }
0x74: {  	_ =	shalt  }
0x75: {  	_ =	shalt  }
0x76: {  	_ =	shalt  }
0x77: {  	_ =	shalt  }
0x78: {  	_ =	shalt  }
0x79: {  	_ =	shalt  }
0x7a: {  	_ =	shalt  }
0x7b: {  	_ =	shalt  }
0x7c: {  	_ =	shalt  }
0x7d: {  	_ =	shalt  }
0x7e: {  	_ =	shalt  }
0x7f: {  	_ =	shalt  }
0x80: {  	_ =	shalt  }
0x81: {  	_ =	shalt  }
0x82: {  	_ =	shalt  }
0x83: {  	_ =	shalt  }
0x84: {  	_ =	shalt  }
0x85: {  	_ =	shalt  }
0x86: {  	_ =	shalt  }
0x87: {  	_ =	shalt  }
.Lfunc_end0:
.L_simem_size_0:
called_computation.2_lowered:
.L_overlay_start_0:
0x88: {  	s2 =	sld [smem:$0x3FD9]  }
0x89: {  	s3 =	sld [smem:$0x3FFE];
	_ =	sdelay $0x1  }
0x8a: {  	s1 =	srdreg.scid  }
0x8b: {  	s0 =	sand.u32 $0x1, s1  }
0x8c: {  	s17 =	sshll.u32 s0, $0xA;
	s2 =	sadd.s32 s3, s2  }
0x8d: {  	s2 =	sadd.s32 s2, s17  }
0x8e: {  	[smem:$0x3FC4] =	sst s2  }
0x8f: {  	_ = 	snop  }
0x90: {  	s2 =	sld [smem:$0x3FD0];
	(tm) =	ssettm $0x1  }
0x91: {  	s18 =	sld [smem:$0x3FFB];
	_ =	sdelay $0x3  }
0x92: {  	_ =	strace s18  }
0x93: {  	s3 =	sld [smem:$0x3FFC];
	_ =	sdelay $0x3  }
0x94: {  	_ =	strace s3  }
0x95: {  	s3 =	sld [smem:$0x3FFD];
	_ =	sdelay $0x3  }
0x96: {  	_ =	strace s3  }
0x97: {  	_ =	strace $0x8FFFFFFF  }
0x98: {  	s19 =	sld [smem:$0x3FDB];
	_ =	sdelay $0x1  }
0x99: {  	s4 =	simm.s32 $_scs_section_size  }
0x9a: {  	s5 =	simm.s32 $_size__tile_overlayer_lowered;
	s6 =	simm.s32 $_tile_overlayer_lowered  }
0x9b: {  	s22 =	simm.s32 $0x1BFF;
	s21 =	sshll.u32 s6, $0x1;
	s3 =	sadd.s32 s4, s19  }
0x9c: {  	s7 =	simm.s32 $0x0;
	s20 =	sshll.u32 s5, $0x1;
	s5 =	sadd.s32 s21, s3  }
0x9d: {  	[timem:s7], [sflag:s22] =	dma.local [hbm:s5], s20  }
0x9e: {  	_ =	swait.ge [sflag:s22], s20  }
0x9f: {  	s4 =	ssub.s32 $0x0, s20;
	[sflag:s22] =	ssyncset.done $0x0  }
0xa0: {  	[sflag:s22] =	ssyncadd.s32 s4;
	_ =	sdelay $0x1  }
0xa1: {  	s23 =	simm.s32 $0x1B8B  }
0xa2: {  	_ =	swait.ge [sflag:s23], $0x1  }
0xa3: {  	[sflag:s23] =	ssyncset.done $0x0  }
0xa4: {  	s25 =	simm.s32 $0x1B8E;
	s24 =	sld [smem:$0x3FFE];
	[sflag:s23] =	ssyncadd.s32 $0xFFFFFFFF  }
0xa5: {  	s26 =	simm.s32 $execute0_lowered;
	[smem:$0x3FD2] =	sst s25  }
0xa6: {  	s5 =	sshll.u32 s26, $0x1;
	_ =	strace $0x8000004C;
	[dreg:$0x1] =	wrdreg $0xFFFFFFFF  }
0xa7: {  	s28 =	simm.s32 $_size_execute0_lowered;
	s3 =	sadd.s32 s3, s5;
	[dreg:$0x0] =	wrdreg $0x0  }
0xa8: {  	s5 =	sshll.u32 s28, $0x1;
	[dreg:$0x2] =	wrdreg s3  }
0xa9: {  	[dreg:$0x3] =	wrdreg s5  }
0xaa: {  	[dreg:$0x4] =	wrdreg $0xC0  }
0xab: {  	_ =	task [dreg:s7], $0x5FFFF  }
0xac: {  	[dreg:$0x1] =	wrdreg $0xFFFFFFFF  }
0xad: {  	[dreg:$0x0] =	wrdreg $0x60  }
0xae: {  	[dreg:$0x2] =	wrdreg s24  }
0xaf: {  	[dreg:$0x3] =	wrdreg s2  }
0xb0: {  	[dreg:$0x4] =	wrdreg $0x14A000  }
0xb1: {  	[dreg:$0x5] =	wrdreg $0x9  }
0xb2: {  	_ =	task.clear_ibuf [dreg:s7], $0x6FFFF;
	_ =	strace $0x9000004C  }
0xb3: {  	s29 =	simm.s32 $0x9;
	_ =	strace $0x8000004E  }
0xb4: {  	_ =	swait.ge [sflag:s29], $0x1  }
0xb5: {  	[sflag:s29] =	ssyncadd.s32 $0xFFFFFFFF  }
0xb6: {  	_ =	strace $0x9000004E  }
0xb7: {  	_ =	sfence  }
0xb8: {  	s30 =	sld [smem:$0x0];
	_ =	sdelay $0x2  }
0xb9: {  	s31 =	sshll.u32 s1, $0xD;
	s1 =	sshrl.u32 s1, $0x2  }
0xba: {  	s3 =	sand.u32 $0x4000, s31;
	s1 =	sadd.s32 s1, s30  }
0xbb: {  	s0 =	sor.u32 s3, s0;
	s1 =	sshll.u32 s1, $0x11  }
0xbc: {  	s0 =	sor.u32 s1, s0  }
0xbd: {  	s0 =	sadd.s32 $0x8F2B, s0  }
0xbe: {  	[sflag:s0] =	ssyncadd.remote.s32 $0x1  }
0xbf: {  	_ =	sfence.sel $0xFFFF  }
0xc0: {  	[dreg:$0x0] =	wrdreg $0xFFFFFFFF;
	(pc) =	sbr.abs _section_cstart, $3  }
0xc1: {  	[dreg:$0x1] =	wrdreg $0xFFFFFFFF  }
0xc2: {  	_ =	task.clear_ibuf [dreg:s7], $0x2FFFF;
	_ =	strace $0x9FFFFFFF  }
0xc3: {  	(tm) =	ssettm $0x7FFFFFFF  }
tec
execute0_lowered:
.L_overlay_start_1:
0x0: {  	(tag) =	ssettag $0x1  }
0x1: {  	s0 =	rddreg [dreg:$0x0];
	s1 =	srdreg.scid  }
0x2: {  	s3 =	rddreg [dreg:$0x2];
	s7 =	stileid.u32;
	s4 =	simm.s32 $0x0  }
0x3: {  	s12 =	simm.s32 $0x11;
	s14 =	simm.s32 $0x7D;
	s15 =	simm.s32 $0x5000  }
0x4: {  	s17 =	simm.s32 $0x6F40;
	s19 =	simm.s32 $0x8E80;
	s21 =	simm.s32 $0xADC0  }
0x5: {  	s28 =	simm.s32 $0x10B80;
	s30 =	simm.s32 $0x12AC0;
	s31 =	simm.s32 $0x1  }
0x6: {  	s13 =	simm.s32 $0x5;
	s16 =	simm.s32 $0x6;
	s18 =	simm.s32 $0x7  }
0x7: {  	s20 =	simm.s32 $0x8;
	s29 =	simm.s32 $0xC;
	s9 =	simm.s32 $0xF  }
0x8: {  	s10 =	simm.s32 $0x10;
	s1 =	sand.u32 $0x1, s1;
	[smem:$0x7FF] =	sst s4  }
0x9: {  	s5 =	sadd.s32 $0x17800, s0;
	s23 =	smul.u32 $0xA000, s7;
	s2 =	sshll.u32 s1, $0x4  }
0xa: {  	_ =	strace $0x8000004D;
	s22 =	ssub.s32 $0x2, s1;
	p0 =	seq.s32 s1, $0x1  }
0xb: {  	s1 =	simm.s32 $0x3F800;
	s2 =	sor.u32 s7, s2;
	s6 =	sshrl.u32 s22, $0x1  }
0xc: {  	s7 =	sshll.u32 s7, $0x6;
	s8 =	sadd.s32 s23, s3;
	s1 =	simm.s32 @!p0 $0x2B800  }
0xd: {  	s2 =	smul.u32 $0x2800, s2;
	s4 =	ssub.s32 s22, s6;
	s11 =	sor.u32 $0x1C11, s7  }
0xe: {  	s6 =	sshrl.u32 s23, $0x3;
	s23 =	simm.s32 $0xCD00;
	s22 =	simm.s32 $0x9  }
0xf: {  	s7 =	simm.s32 $0xD;
	s26 =	smax.u32 s4, $0x1;
	[dreg:$0x4] =	wrdreg s11  }
0x10: {  	s4 =	simm.s32 $0x0;
	s2 =	sshrl.u32 s2, $0x3;
	[dreg:$0x7] =	wrdreg s26  }
0x11: {  	s26 =	simm.s32 $0xB;
	[dreg:$0xa] =	wrdreg s4;
	s2 =	sadd.s32 s2, s0  }
0x12: {  	s0 =	sadd.s32 s1, s0;
	s1 =	simm.s32 $0x3;
	s24 =	sadd.s32 $0x3800, s2  }
0x13: {  	s25 =	sadd.s32 $0xD800, s2;
	s0 =	sadd.s32 s0, s6;
	[dreg:$0x5] =	wrdreg s24  }
0x14: {  	s6 =	sshrl.u32 s8, $0x3;
	s2 =	simm.s32 $0x4;
	[dreg:$0x6] =	wrdreg s25  }
0x15: {  	s8 =	simm.s32 $0xE;
	[dreg:$0x8] =	wrdreg s0;
	s25 =	simm.s32 $0xEC40  }
0x16: {  	s0 =	simm.s32 $0x2;
	s24 =	simm.s32 $0xA;
	[dreg:$0x9] =	wrdreg s6  }
.LBB2_1:
0x17: {  	s4 =	rddreg [dreg:$0x1]  }
0x18: {  	[spmem:s6], [sflag:s11] =	dma.local [hbm:s4], $0x1400  }
0x19: {  	_ =	swait.ge [sflag:s12], $0x1400  }
0x1a: {  	[sflag:s12] =	ssyncset.done $0x0  }
0x1b: {  	s6 =	simm.s32 $0x0;
	s11 =	rddreg [dreg:$0x5];
	[sflag:s12] =	ssyncadd.s32 $0xFFFFEC00  }
0x1c: {  	[tilespmem:s6], [sflag:$0x11] =	stream.linear.gather [hbm4b:s11+s6], $0x2800, $0x38;
	[tilespmem:$0x1EA00] =	vst v63  }
0x1d: {  	_ =	swait.ge [sflag:s12], $0x2800  }
0x1e: {  	[sflag:s12] =	ssyncset.done $0x0  }
0x1f: {  	s11 =	simm.s32 $0x2800;
	s4 =	rddreg [dreg:$0x6];
	[sflag:s12] =	ssyncadd.s32 $0xFFFFD800  }
0x20: {  	[tilespmem:s11], [sflag:$0x11] =	stream.linear.gather [hbm4b:s4+s6], $0x2800, $0x38;
	[tilespmem:$0x1EA00] =	vst v63  }
0x21: {  	_ =	swait.ge [sflag:s12], $0x2800  }
0x22: {  	[sflag:s12] =	ssyncset.done $0x0  }
0x23: {  	[sflag:s12] =	ssyncadd.s32 $0xFFFFD800  }
0x24: {  	[bflag:$0x0] =	sbarrier.arrive $0xFFFF  }
0x25: {  	[tilespmem:s15], [sflag:$0x1] =	stream.indirect.gather [hbm4b:s5+s14], $0x40, s6, s14, $0xb8;
	[tilespmem:$0x1EA00] =	vst v63  }
0x26: {  	s12 =	simm.s32 $0x80  }
0x27: {  	[tilespmem:s17], [sflag:$0x2] =	stream.indirect.gather [hbm4b:s5+s14], $0x40, s12, s14, $0xb8;
	[tilespmem:$0x1EA00] =	vst v63  }
0x28: {  	s11 =	simm.s32 $0x100  }
0x29: {  	[tilespmem:s19], [sflag:$0x3] =	stream.indirect.gather [hbm4b:s5+s14], $0x40, s11, s14, $0xb8;
	[tilespmem:$0x1EA00] =	vst v63  }
0x2a: {  	s12 =	simm.s32 $0x180  }
0x2b: {  	[tilespmem:s21], [sflag:$0x4] =	stream.indirect.gather [hbm4b:s5+s14], $0x40, s12, s14, $0xb8;
	[tilespmem:$0x1EA00] =	vst v63  }
0x2c: {  	s11 =	simm.s32 $0x200  }
0x2d: {  	[tilespmem:s23], [sflag:$0x5] =	stream.indirect.gather [hbm4b:s5+s14], $0x40, s11, s14, $0xb8;
	[tilespmem:$0x1EA00] =	vst v63  }
0x2e: {  	s12 =	simm.s32 $0x280  }
0x2f: {  	[tilespmem:s25], [sflag:$0x6] =	stream.indirect.gather [hbm4b:s5+s14], $0x40, s12, s14, $0xb8;
	[tilespmem:$0x1EA00] =	vst v63  }
0x30: {  	s11 =	simm.s32 $0x300  }
0x31: {  	[tilespmem:s28], [sflag:$0x7] =	stream.indirect.gather [hbm4b:s5+s14], $0x40, s11, s14, $0xb8;
	[tilespmem:$0x1EA00] =	vst v63  }
0x32: {  	s12 =	simm.s32 $0x380  }
0x33: {  	[tilespmem:s30], [sflag:$0x8] =	stream.indirect.gather [hbm4b:s5+s14], $0x40, s12, s14, $0xb8;
	[tilespmem:$0x1EA00] =	vst v63  }
0x34: {  	_ =	swait.ge [sflag:s31], $0x1F40  }
0x35: {  	[sflag:s31] =	ssyncset.done $0x0  }
0x36: {  	s11 =	simm.s32 $0x2800;
	[sflag:s31] =	ssyncadd.s32 $0xFFFFE0C0  }
0x37: {  	[spmem:s3] =	stream.indirect.scatter.add.f32 [tilespmem:s15], [sflag:$0x9], $0x40, s11, s14, $0xb8;
	[tilespmem:$0x1EA00] =	vst v63  }
0x38: {  	_ =	swait.ge [sflag:s0], $0x1F40  }
0x39: {  	[sflag:s0] =	ssyncset.done $0x0  }
0x3a: {  	s12 =	simm.s32 $0x2880;
	[sflag:s0] =	ssyncadd.s32 $0xFFFFE0C0  }
0x3b: {  	[spmem:s3] =	stream.indirect.scatter.add.f32 [tilespmem:s17], [sflag:$0xA], $0x40, s12, s14, $0xb8;
	[tilespmem:$0x1EA00] =	vst v63  }
0x3c: {  	_ =	swait.ge [sflag:s1], $0x1F40  }
0x3d: {  	[sflag:s1] =	ssyncset.done $0x0  }
0x3e: {  	s11 =	simm.s32 $0x2900;
	[sflag:s1] =	ssyncadd.s32 $0xFFFFE0C0  }
0x3f: {  	[spmem:s3] =	stream.indirect.scatter.add.f32 [tilespmem:s19], [sflag:$0xB], $0x40, s11, s14, $0xb8;
	[tilespmem:$0x1EA00] =	vst v63  }
0x40: {  	_ =	swait.ge [sflag:s2], $0x1F40  }
0x41: {  	[sflag:s2] =	ssyncset.done $0x0  }
0x42: {  	s12 =	simm.s32 $0x2980;
	[sflag:s2] =	ssyncadd.s32 $0xFFFFE0C0  }
0x43: {  	[spmem:s3] =	stream.indirect.scatter.add.f32 [tilespmem:s21], [sflag:$0xC], $0x40, s12, s14, $0xb8;
	[tilespmem:$0x1EA00] =	vst v63  }
0x44: {  	_ =	swait.ge [sflag:s13], $0x1F40  }
0x45: {  	[sflag:s13] =	ssyncset.done $0x0  }
0x46: {  	s11 =	simm.s32 $0x2A00;
	[sflag:s13] =	ssyncadd.s32 $0xFFFFE0C0  }
0x47: {  	[spmem:s3] =	stream.indirect.scatter.add.f32 [tilespmem:s23], [sflag:$0xD], $0x40, s11, s14, $0xb8;
	[tilespmem:$0x1EA00] =	vst v63  }
0x48: {  	_ =	swait.ge [sflag:s16], $0x1F40  }
0x49: {  	[sflag:s16] =	ssyncset.done $0x0  }
0x4a: {  	s12 =	simm.s32 $0x2A80;
	[sflag:s16] =	ssyncadd.s32 $0xFFFFE0C0  }
0x4b: {  	[spmem:s3] =	stream.indirect.scatter.add.f32 [tilespmem:s25], [sflag:$0xE], $0x40, s12, s14, $0xb8;
	[tilespmem:$0x1EA00] =	vst v63  }
0x4c: {  	_ =	swait.ge [sflag:s18], $0x1F40  }
0x4d: {  	[sflag:s18] =	ssyncset.done $0x0  }
0x4e: {  	s11 =	simm.s32 $0x2B00;
	[sflag:s18] =	ssyncadd.s32 $0xFFFFE0C0  }
0x4f: {  	[spmem:s3] =	stream.indirect.scatter.add.f32 [tilespmem:s28], [sflag:$0xF], $0x40, s11, s14, $0xb8;
	[tilespmem:$0x1EA00] =	vst v63  }
0x50: {  	_ =	swait.ge [sflag:s20], $0x1F40  }
0x51: {  	[sflag:s20] =	ssyncset.done $0x0  }
0x52: {  	s12 =	simm.s32 $0x2B80;
	[sflag:s20] =	ssyncadd.s32 $0xFFFFE0C0  }
0x53: {  	[spmem:s3] =	stream.indirect.scatter.add.f32 [tilespmem:s30], [sflag:$0x10], $0x40, s12, s14, $0xb8;
	[tilespmem:$0x1EA00] =	vst v63  }
0x54: {  	s11 =	smin.u32 s6, $0x47;
	_ =	swait.ge [sflag:s22], $0x1F40  }
0x55: {  	s4 =	sshll.u32 s11, $0x7;
	[sflag:s22] =	ssyncset.done $0x0  }
0x56: {  	s4 =	sadd.s32 $0x400, s4;
	[sflag:s22] =	ssyncadd.s32 $0xFFFFE0C0  }
0x57: {  	[tilespmem:s15], [sflag:$0x1] =	stream.indirect.gather [hbm4b:s5+s14], $0x40, s4, s14, $0xb8;
	[tilespmem:$0x1EA00] =	vst v63  }
0x58: {  	s12 =	smin.u32 s6, $0x46;
	_ =	swait.ge [sflag:s24], $0x1F40  }
0x59: {  	s4 =	sshll.u32 s12, $0x7;
	[sflag:s24] =	ssyncset.done $0x0  }
0x5a: {  	s4 =	sadd.s32 $0x480, s4;
	[sflag:s24] =	ssyncadd.s32 $0xFFFFE0C0  }
0x5b: {  	[tilespmem:s17], [sflag:$0x2] =	stream.indirect.gather [hbm4b:s5+s14], $0x40, s4, s14, $0xb8;
	[tilespmem:$0x1EA00] =	vst v63  }
0x5c: {  	s11 =	smin.u32 s6, $0x45;
	_ =	swait.ge [sflag:s26], $0x1F40  }
0x5d: {  	s4 =	sshll.u32 s11, $0x7;
	[sflag:s26] =	ssyncset.done $0x0  }
0x5e: {  	s4 =	sadd.s32 $0x500, s4;
	[sflag:s26] =	ssyncadd.s32 $0xFFFFE0C0  }
0x5f: {  	[tilespmem:s19], [sflag:$0x3] =	stream.indirect.gather [hbm4b:s5+s14], $0x40, s4, s14, $0xb8;
	[tilespmem:$0x1EA00] =	vst v63  }
0x60: {  	s12 =	smin.u32 s6, $0x44;
	_ =	swait.ge [sflag:s29], $0x1F40  }
0x61: {  	s4 =	sshll.u32 s12, $0x7;
	[sflag:s29] =	ssyncset.done $0x0  }
0x62: {  	s4 =	sadd.s32 $0x580, s4;
	[sflag:s29] =	ssyncadd.s32 $0xFFFFE0C0  }
0x63: {  	[tilespmem:s21], [sflag:$0x4] =	stream.indirect.gather [hbm4b:s5+s14], $0x40, s4, s14, $0xb8;
	[tilespmem:$0x1EA00] =	vst v63  }
0x64: {  	s11 =	smin.u32 s6, $0x43;
	_ =	swait.ge [sflag:s7], $0x1F40  }
0x65: {  	s4 =	sshll.u32 s11, $0x7;
	[sflag:s7] =	ssyncset.done $0x0  }
0x66: {  	s4 =	sadd.s32 $0x600, s4;
	[sflag:s7] =	ssyncadd.s32 $0xFFFFE0C0  }
0x67: {  	[tilespmem:s23], [sflag:$0x5] =	stream.indirect.gather [hbm4b:s5+s14], $0x40, s4, s14, $0xb8;
	[tilespmem:$0x1EA00] =	vst v63  }
0x68: {  	s12 =	smin.u32 s6, $0x42;
	_ =	swait.ge [sflag:s8], $0x1F40  }
0x69: {  	s4 =	sshll.u32 s12, $0x7;
	[sflag:s8] =	ssyncset.done $0x0  }
0x6a: {  	s4 =	sadd.s32 $0x680, s4;
	[sflag:s8] =	ssyncadd.s32 $0xFFFFE0C0  }
0x6b: {  	[tilespmem:s25], [sflag:$0x6] =	stream.indirect.gather [hbm4b:s5+s14], $0x40, s4, s14, $0xb8;
	[tilespmem:$0x1EA00] =	vst v63  }
0x6c: {  	s11 =	smin.u32 s6, $0x41;
	_ =	swait.ge [sflag:s9], $0x1F40  }
0x6d: {  	s4 =	sshll.u32 s11, $0x7;
	[sflag:s9] =	ssyncset.done $0x0  }
0x6e: {  	s4 =	sadd.s32 $0x700, s4;
	[sflag:s9] =	ssyncadd.s32 $0xFFFFE0C0  }
0x6f: {  	[tilespmem:s28], [sflag:$0x7] =	stream.indirect.gather [hbm4b:s5+s14], $0x40, s4, s14, $0xb8;
	[tilespmem:$0x1EA00] =	vst v63  }
0x70: {  	s12 =	smin.u32 s6, $0x40;
	_ =	swait.ge [sflag:s10], $0x1F40  }
0x71: {  	s11 =	simm.s32 $0x1000;
	s4 =	sshll.u32 s12, $0x7;
	[sflag:s10] =	ssyncset.done $0x0  }
0x72: {  	s12 =	sadd.s32 $0x780, s4;
	s4 =	simm.s32 $0x8;
	[sflag:s10] =	ssyncadd.s32 $0xFFFFE0C0  }
.LBB2_2:
0x73: {  	[tilespmem:s30], [sflag:$0x8] =	stream.indirect.gather [hbm4b:s5+s14], $0x40, s12, s14, $0xb8;
	[tilespmem:$0x1EA00] =	vst v63  }
0x74: {  	s12 =	smov.u32 s11  }
0x75: {  	p0 =	sne.s32 s11, $0x9000;
	s11 =	sadd.s32 $0x1000, s11;
	_ =	swait.ge [sflag:s31], $0x1F40  }
0x76: {  	s12 =	sshra.s32 s12, $0x2;
	[sflag:s31] =	ssyncset.done $0x0  }
0x77: {  	s6 =	sadd.s32 $0x2800, s12;
	[sflag:s31] =	ssyncadd.s32 $0xFFFFE0C0  }
0x78: {  	[spmem:s3] =	stream.indirect.scatter.add.f32 [tilespmem:s15], [sflag:$0x9], $0x40, s6, s14, $0xb8;
	[tilespmem:$0x1EA00] =	vst v63  }
0x79: {  	_ =	swait.ge [sflag:s0], $0x1F40  }
0x7a: {  	[sflag:s0] =	ssyncset.done $0x0  }
0x7b: {  	s6 =	sadd.s32 $0x2880, s12;
	[sflag:s0] =	ssyncadd.s32 $0xFFFFE0C0  }
0x7c: {  	[spmem:s3] =	stream.indirect.scatter.add.f32 [tilespmem:s17], [sflag:$0xA], $0x40, s6, s14, $0xb8;
	[tilespmem:$0x1EA00] =	vst v63  }
0x7d: {  	_ =	swait.ge [sflag:s1], $0x1F40  }
0x7e: {  	[sflag:s1] =	ssyncset.done $0x0  }
0x7f: {  	s6 =	sadd.s32 $0x2900, s12;
	[sflag:s1] =	ssyncadd.s32 $0xFFFFE0C0  }
0x80: {  	[spmem:s3] =	stream.indirect.scatter.add.f32 [tilespmem:s19], [sflag:$0xB], $0x40, s6, s14, $0xb8;
	[tilespmem:$0x1EA00] =	vst v63  }
0x81: {  	_ =	swait.ge [sflag:s2], $0x1F40  }
0x82: {  	[sflag:s2] =	ssyncset.done $0x0  }
0x83: {  	s6 =	sadd.s32 $0x2980, s12;
	[sflag:s2] =	ssyncadd.s32 $0xFFFFE0C0  }
0x84: {  	[spmem:s3] =	stream.indirect.scatter.add.f32 [tilespmem:s21], [sflag:$0xC], $0x40, s6, s14, $0xb8;
	[tilespmem:$0x1EA00] =	vst v63  }
0x85: {  	_ =	swait.ge [sflag:s13], $0x1F40  }
0x86: {  	[sflag:s13] =	ssyncset.done $0x0  }
0x87: {  	s6 =	sadd.s32 $0x2A00, s12;
	[sflag:s13] =	ssyncadd.s32 $0xFFFFE0C0  }
0x88: {  	[spmem:s3] =	stream.indirect.scatter.add.f32 [tilespmem:s23], [sflag:$0xD], $0x40, s6, s14, $0xb8;
	[tilespmem:$0x1EA00] =	vst v63  }
0x89: {  	_ =	swait.ge [sflag:s16], $0x1F40  }
0x8a: {  	[sflag:s16] =	ssyncset.done $0x0  }
0x8b: {  	s6 =	sadd.s32 $0x2A80, s12;
	[sflag:s16] =	ssyncadd.s32 $0xFFFFE0C0  }
0x8c: {  	[spmem:s3] =	stream.indirect.scatter.add.f32 [tilespmem:s25], [sflag:$0xE], $0x40, s6, s14, $0xb8;
	[tilespmem:$0x1EA00] =	vst v63  }
0x8d: {  	_ =	swait.ge [sflag:s18], $0x1F40  }
0x8e: {  	[sflag:s18] =	ssyncset.done $0x0  }
0x8f: {  	s6 =	sadd.s32 $0x2B00, s12;
	[sflag:s18] =	ssyncadd.s32 $0xFFFFE0C0  }
0x90: {  	[spmem:s3] =	stream.indirect.scatter.add.f32 [tilespmem:s28], [sflag:$0xF], $0x40, s6, s14, $0xb8;
	[tilespmem:$0x1EA00] =	vst v63  }
0x91: {  	_ =	swait.ge [sflag:s20], $0x1F40  }
0x92: {  	[sflag:s20] =	ssyncset.done $0x0  }
0x93: {  	s6 =	sadd.s32 $0x2B80, s12;
	[sflag:s20] =	ssyncadd.s32 $0xFFFFE0C0  }
0x94: {  	[spmem:s3] =	stream.indirect.scatter.add.f32 [tilespmem:s30], [sflag:$0x10], $0x40, s6, s14, $0xb8;
	[tilespmem:$0x1EA00] =	vst v63  }
0x95: {  	s6 =	smin.u32 s4, $0x47;
	_ =	swait.ge [sflag:s22], $0x1F40  }
0x96: {  	s6 =	sshll.u32 s6, $0x7;
	[sflag:s22] =	ssyncset.done $0x0  }
0x97: {  	s6 =	sadd.s32 $0x400, s6;
	[sflag:s22] =	ssyncadd.s32 $0xFFFFE0C0  }
0x98: {  	[tilespmem:s15], [sflag:$0x1] =	stream.indirect.gather [hbm4b:s5+s14], $0x40, s6, s14, $0xb8;
	[tilespmem:$0x1EA00] =	vst v63  }
0x99: {  	s6 =	smin.u32 s4, $0x46;
	_ =	swait.ge [sflag:s24], $0x1F40  }
0x9a: {  	s6 =	sshll.u32 s6, $0x7;
	[sflag:s24] =	ssyncset.done $0x0  }
0x9b: {  	s6 =	sadd.s32 $0x480, s6;
	[sflag:s24] =	ssyncadd.s32 $0xFFFFE0C0  }
0x9c: {  	[tilespmem:s17], [sflag:$0x2] =	stream.indirect.gather [hbm4b:s5+s14], $0x40, s6, s14, $0xb8;
	[tilespmem:$0x1EA00] =	vst v63  }
0x9d: {  	s6 =	smin.u32 s4, $0x45;
	_ =	swait.ge [sflag:s26], $0x1F40  }
0x9e: {  	s6 =	sshll.u32 s6, $0x7;
	[sflag:s26] =	ssyncset.done $0x0  }
0x9f: {  	s6 =	sadd.s32 $0x500, s6;
	[sflag:s26] =	ssyncadd.s32 $0xFFFFE0C0  }
0xa0: {  	[tilespmem:s19], [sflag:$0x3] =	stream.indirect.gather [hbm4b:s5+s14], $0x40, s6, s14, $0xb8;
	[tilespmem:$0x1EA00] =	vst v63  }
0xa1: {  	s6 =	smin.u32 s4, $0x44;
	_ =	swait.ge [sflag:s29], $0x1F40  }
0xa2: {  	s6 =	sshll.u32 s6, $0x7;
	[sflag:s29] =	ssyncset.done $0x0  }
0xa3: {  	s6 =	sadd.s32 $0x580, s6;
	[sflag:s29] =	ssyncadd.s32 $0xFFFFE0C0  }
0xa4: {  	[tilespmem:s21], [sflag:$0x4] =	stream.indirect.gather [hbm4b:s5+s14], $0x40, s6, s14, $0xb8;
	[tilespmem:$0x1EA00] =	vst v63  }
0xa5: {  	s6 =	smin.u32 s4, $0x43;
	_ =	swait.ge [sflag:s7], $0x1F40  }
0xa6: {  	s6 =	sshll.u32 s6, $0x7;
	[sflag:s7] =	ssyncset.done $0x0  }
0xa7: {  	s6 =	sadd.s32 $0x600, s6;
	[sflag:s7] =	ssyncadd.s32 $0xFFFFE0C0  }
0xa8: {  	[tilespmem:s23], [sflag:$0x5] =	stream.indirect.gather [hbm4b:s5+s14], $0x40, s6, s14, $0xb8;
	[tilespmem:$0x1EA00] =	vst v63  }
0xa9: {  	s6 =	smin.u32 s4, $0x42;
	_ =	swait.ge [sflag:s8], $0x1F40  }
0xaa: {  	s6 =	sshll.u32 s6, $0x7;
	[sflag:s8] =	ssyncset.done $0x0  }
0xab: {  	s6 =	sadd.s32 $0x680, s6;
	[sflag:s8] =	ssyncadd.s32 $0xFFFFE0C0  }
0xac: {  	[tilespmem:s25], [sflag:$0x6] =	stream.indirect.gather [hbm4b:s5+s14], $0x40, s6, s14, $0xb8;
	[tilespmem:$0x1EA00] =	vst v63  }
0xad: {  	s6 =	smin.u32 s4, $0x41;
	_ =	swait.ge [sflag:s9], $0x1F40  }
0xae: {  	s6 =	sshll.u32 s6, $0x7;
	[sflag:s9] =	ssyncset.done $0x0  }
.Ltmp0:
0xaf: {  	s6 =	sadd.s32 $0x700, s6;
	[sflag:s9] =	ssyncadd.s32 $0xFFFFE0C0;
	(pc) =	sbr.rel @p0 .LBB2_2-.Ltmp0, $4  }
0xb0: {  	[tilespmem:s28], [sflag:$0x7] =	stream.indirect.gather [hbm4b:s5+s14], $0x40, s6, s14, $0xb8;
	[tilespmem:$0x1EA00] =	vst v63  }
0xb1: {  	s6 =	smin.u32 s4, $0x40;
	_ =	swait.ge [sflag:s10], $0x1F40  }
0xb2: {  	s6 =	sshll.u32 s6, $0x7;
	[sflag:s10] =	ssyncset.done $0x0  }
0xb3: {  	s4 =	sadd.s32 $0x8, s4;
	s12 =	sadd.s32 $0x780, s6;
	[sflag:s10] =	ssyncadd.s32 $0xFFFFE0C0  }
0xb4: {  	[tilespmem:s30], [sflag:$0x8] =	stream.indirect.gather [hbm4b:s5+s14], $0x40, s12, s14, $0xb8;
	[tilespmem:$0x1EA00] =	vst v63  }
0xb5: {  	_ =	swait.ge [sflag:s31], $0x1F40  }
0xb6: {  	[sflag:s31] =	ssyncset.done $0x0  }
0xb7: {  	[sflag:s31] =	ssyncadd.s32 $0xFFFFE0C0  }
0xb8: {  	_ =	swait.ge [sflag:s0], $0x1F40  }
0xb9: {  	[sflag:s0] =	ssyncset.done $0x0  }
0xba: {  	[sflag:s0] =	ssyncadd.s32 $0xFFFFE0C0  }
0xbb: {  	_ =	swait.ge [sflag:s1], $0x1F40  }
0xbc: {  	[sflag:s1] =	ssyncset.done $0x0  }
0xbd: {  	[sflag:s1] =	ssyncadd.s32 $0xFFFFE0C0  }
0xbe: {  	_ =	swait.ge [sflag:s2], $0x1F40  }
0xbf: {  	[sflag:s2] =	ssyncset.done $0x0  }
0xc0: {  	[sflag:s2] =	ssyncadd.s32 $0xFFFFE0C0  }
0xc1: {  	_ =	swait.ge [sflag:s13], $0x1F40  }
0xc2: {  	[sflag:s13] =	ssyncset.done $0x0  }
0xc3: {  	[sflag:s13] =	ssyncadd.s32 $0xFFFFE0C0  }
0xc4: {  	_ =	swait.ge [sflag:s16], $0x1F40  }
0xc5: {  	[sflag:s16] =	ssyncset.done $0x0  }
0xc6: {  	[sflag:s16] =	ssyncadd.s32 $0xFFFFE0C0  }
0xc7: {  	_ =	swait.ge [sflag:s18], $0x1F40  }
0xc8: {  	[sflag:s18] =	ssyncset.done $0x0  }
0xc9: {  	[sflag:s18] =	ssyncadd.s32 $0xFFFFE0C0  }
0xca: {  	_ =	swait.ge [sflag:s20], $0x1F40  }
0xcb: {  	[sflag:s20] =	ssyncset.done $0x0  }
0xcc: {  	[sflag:s20] =	ssyncadd.s32 $0xFFFFE0C0  }
0xcd: {  	[bflag:$0x0] =	sbarrier.arrive $0xFFFF  }
0xce: {  	s11 =	rddreg [dreg:$0x4]  }
0xcf: {  	s4 =	rddreg [dreg:$0x8]  }
0xd0: {  	s12 =	simm.s32 $0x11;
	s6 =	rddreg [dreg:$0x9]  }
0xd1: {  	[hbm:s4], [sflag:s11] =	dma.local [spmem:s6], $0x1400  }
0xd2: {  	_ =	swait.ge [sflag:s12], $0x1400  }
0xd3: {  	s4 =	rddreg [dreg:$0xa]  }
0xd4: {  	s11 =	sadd.s32 $0x1, s4;
	s4 =	rddreg [dreg:$0x7]  }
0xd5: {  	p0 =	sne.s32 s11, s4  }
.Ltmp1:
0xd6: {  	_ = 	snop;
	(pc) =	sbr.rel @p0 .LBB2_1-.Ltmp1, $3  }
0xd7: {  	_ =	sdelay $0x1  }
0xd8: {  	[sflag:s12] =	ssyncset.done $0x0;
	[dreg:$0xa] =	wrdreg s11  }
0xd9: {  	[sflag:s12] =	ssyncadd.s32 $0xFFFFEC00;
	s11 =	rddreg [dreg:$0x4]  }
0xda: {  	_ =	sfence.sel $0x180000  }
0xdb: {  	[bflag:$0x0] =	sbarrier.arrive $0xFFFF  }
0xdc: {  	_ =	strace $0x9000004D  }
0xdd: {  	s0 =	stileid.u32;
	[bflag:$0x2] =	sbarrier.arrive $0xFFFF  }
0xde: {  	p0 =	sne.s32 s0, $0x0;
	s0 =	rddreg [dreg:$0x3]  }
0xdf: {  	s0 =	sadd.s32 @!p0 $0x100000, s0  }
0xe0: {  	[sflag:s0] =	ssyncadd.tile.s32 @!p0 $0x1;
	_ =	shalt  }
.Lfunc_end2:
_tile_overlayer_lowered:
.L_overlay_start_2:
0xe1: {  	(tag) =	ssettag $0x2  }
0xe2: {  	s0 =	rddreg [dreg:$0x0];
	s2 =	stileid.u32  }
0xe3: {  	s1 =	rddreg [dreg:$0x1];
	p0 =	sne.s32 s2, $0x0  }
0xe4: {  	s3 =	rddreg [dreg:$0x2];
	[bflag:$0x3] =	sbarrier.arrive $0xFFFF;
	s2 =	simm.s32 @!p0 $0x1C11  }
0xe5: {  	[timem:s3], [sflag:s2] =	dma.local @!p0 [hbm:s0], s1  }
0xe6: {  	s0 =	simm.s32 @!p0 $0x11  }
0xe7: {  	_ =	swait.ge @!p0 [sflag:s0], s1  }
0xe8: {  	s1 =	ssub.s32 @!p0 $0x0, s1;
	[sflag:s0] =	ssyncset.done @!p0 $0x0  }
0xe9: {  	[sflag:s0] =	ssyncadd.s32 @!p0 s1  }
0xea: {  	[bflag:$0x3] =	sbarrier.arrive $0xFFFF  }
0xeb: {  	_ =	shalt  }

// kernel: kernel.8.cloned.1.call-start
scs
__scs_entry_jumppad:
0x0: {  	(pc) =	sbr.rel $0x88, $3  }
0x1: {  	(tag) =	ssettag $0x0;
	lr =	simm.s32 $0x1  }
0x2: {  	[smem:$0x3F9D] =	sst lr;
	_ =	strace $0xD0000000  }
0x3: {  	_ = 	snop  }
0x4: {  	_ = 	snop  }
0x5: {  	_ = 	snop  }
0x6: {  	_ = 	snop  }
0x7: {  	_ = 	snop  }
__scs_overlays_trampoline_lowered:
0x8: {  	[smem:$0x3FAC] =	sst s0  }
0x9: {  	[smem:$0x3FAD] =	sst s1  }
0xa: {  	[smem:$0x3FAE] =	sst s2  }
0xb: {  	[smem:$0x3FAF] =	sst s3  }
0xc: {  	[smem:$0x3FB0] =	sst s4  }
0xd: {  	[smem:$0x3FB1] =	sst s5  }
0xe: {  	[smem:$0x3FB2] =	sst s6  }
0xf: {  	[smem:$0x3FB3] =	sst s7  }
0x10: {  	[smem:$0x3FB4] =	sst s8  }
0x11: {  	[smem:$0x3FB5] =	sst s9;
	s0 =	simm.s32 @!p0 $0x0  }
0x12: {  	s1 =	sld [smem:$0x3F9B];
	s0 =	simm.s32 @p0 $0x1  }
0x13: {  	[smem:$0x3FB6] =	sst s0;
	s0 =	simm.s32 @!p1 $0x0  }
0x14: {  	s2 =	sld [smem:$0x3F9A];
	s0 =	simm.s32 @p1 $0x1  }
0x15: {  	[smem:$0x3FB7] =	sst s0;
	s0 =	simm.s32 @!p2 $0x0  }
0x16: {  	s3 =	sld [smem:$0x3FDB];
	s0 =	simm.s32 @p2 $0x1  }
0x17: {  	s4 =	simm.s32 $0x1BF5;
	[smem:$0x3FB9] =	sst s0  }
0x18: {  	s0 =	sld [smem:$0x3F9C];
	_ =	swait.ge [sflag:s4], $0x0  }
0x19: {  	s7 =	sld [smem:$0x3F9D]  }
0x1a: {  	s8 =	sadd.s32 $0xFFFFE003, lr  }
0x1b: {  	s9 =	sadd.s32 $0xFFFFFEF7, lr;
	s5 =	simm.s32 $0xFFFFFFFF;
	p2 =	slt.u32 s8, $0xFFFFF086  }
0x1c: {  	p1 =	slt.u32 s9, $0xF7A;
	s5 =	simm.s32 @!p2 $0x0  }
0x1d: {  	s5 =	simm.s32 @p1 $0x1;
	p0 =	seq.s32 s7, s2  }
0x1e: {  	s7 =	smul.u32 @!p0 $0xF7A, s2;
	p2 =	seq.s32 @!p0 s5, $0x0  }
0x1f: {  	s9 =	smul.u32 $0xF7A, s1;
	s8 =	simm.s32 @!p0 $0x1BF5;
	p2 =	por !p2, p0  }
0x20: {  	[sflag:s8] =	ssyncset.s32 @!p0 $0xFFFFF086;
	s6 =	sadd.s32 @!p0 s3, s7;
	s7 =	simm.s32 @!p0 $0x108  }
0x21: {  	s3 =	sadd.s32 s3, s9;
	s6 =	sadd.s32 @!p0 $0x88, s6;
	s7 =	simm.s32 @p2 $0x1082  }
0x22: {  	[simem:s7], [sflag:s8] =	dma.local @!p0 [hbm:s6], $0xF7A  }
0x23: {  	s9 =	sor.u32 $0xD0000000, s2;
	s6 =	simm.s32 $0x108;
	_ =	swait.ge @!p0 [sflag:s8], $0x0  }
0x24: {  	s3 =	sadd.s32 $0x88, s3;
	s6 =	simm.s32 @!p1 $0x1082;
	[sflag:s4] =	ssyncset.s32 $0xFFFFF086  }
0x25: {  	[simem:s6], [sflag:s4] =	dma.local [hbm:s3], $0xF7A  }
0x26: {  	[smem:$0x3F9D] =	sst s1;
	(tag) =	ssettag s2;
	_ =	strace s9  }
0x27: {  	s1 =	sld [smem:$0x3FAD]  }
0x28: {  	s2 =	sld [smem:$0x3FAE]  }
0x29: {  	s4 =	sld [smem:$0x3FB0]  }
0x2a: {  	p0 =	seq.s32 s5, $0x0;
	s5 =	sld [smem:$0x3FB1]  }
0x2b: {  	s6 =	sld [smem:$0x3FB2]  }
0x2c: {  	s7 =	sld [smem:$0x3FB3]  }
0x2d: {  	s3 =	simm.s32 $0x108;
	s8 =	sld [smem:$0x3FB4]  }
0x2e: {  	s3 =	simm.s32 @!p0 $0x1082;
	s9 =	sld [smem:$0x3FB5]  }
0x2f: {  	lr =	sadd.s32 s0, s3;
	s0 =	sld [smem:$0x3FAC]  }
0x30: {  	s3 =	sld [smem:$0x3FAF]  }
0x31: {  	[smem:$0x3FB8] =	sst s10  }
0x32: {  	s10 =	sld [smem:$0x3FB6];
	_ =	sdelay $0x3  }
0x33: {  	p0 =	seq.s32 s10, $0x1;
	s10 =	sld [smem:$0x3FB8];
	_ =	sdelay $0x3  }
0x34: {  	[smem:$0x3FB8] =	sst s10  }
0x35: {  	s10 =	sld [smem:$0x3FB7];
	_ =	sdelay $0x3  }
0x36: {  	p1 =	seq.s32 s10, $0x1;
	s10 =	sld [smem:$0x3FB8];
	_ =	sdelay $0x3  }
0x37: {  	[smem:$0x3FB8] =	sst s10  }
0x38: {  	s10 =	sld [smem:$0x3FB9]  }
0x39: {  	_ = 	snop;
	(pc) =	sbr.ind lr, $3  }
0x3a: {  	_ = 	snop  }
0x3b: {  	_ = 	snop  }
0x3c: {  	p2 =	seq.s32 s10, $0x1;
	s10 =	sld [smem:$0x3FB8]  }
0x3d: {  	_ =	shalt  }
0x3e: {  	_ =	shalt  }
0x3f: {  	_ =	shalt  }
0x40: {  	_ =	shalt  }
0x41: {  	_ =	shalt  }
0x42: {  	_ =	shalt  }
0x43: {  	_ =	shalt  }
0x44: {  	_ =	shalt  }
0x45: {  	_ =	shalt  }
0x46: {  	_ =	shalt  }
0x47: {  	_ =	shalt  }
0x48: {  	_ =	shalt  }
0x49: {  	_ =	shalt  }
0x4a: {  	_ =	shalt  }
0x4b: {  	_ =	shalt  }
0x4c: {  	_ =	shalt  }
0x4d: {  	_ =	shalt  }
0x4e: {  	_ =	shalt  }
0x4f: {  	_ =	shalt  }
0x50: {  	_ =	shalt  }
0x51: {  	_ =	shalt  }
0x52: {  	_ =	shalt  }
0x53: {  	_ =	shalt  }
0x54: {  	_ =	shalt  }
0x55: {  	_ =	shalt  }
0x56: {  	_ =	shalt  }
0x57: {  	_ =	shalt  }
0x58: {  	_ =	shalt  }
0x59: {  	_ =	shalt  }
0x5a: {  	_ =	shalt  }
0x5b: {  	_ =	shalt  }
0x5c: {  	_ =	shalt  }
0x5d: {  	_ =	shalt  }
0x5e: {  	_ =	shalt  }
0x5f: {  	_ =	shalt  }
0x60: {  	_ =	shalt  }
0x61: {  	_ =	shalt  }
0x62: {  	_ =	shalt  }
0x63: {  	_ =	shalt  }
0x64: {  	_ =	shalt  }
0x65: {  	_ =	shalt  }
0x66: {  	_ =	shalt  }
0x67: {  	_ =	shalt  }
0x68: {  	_ =	shalt  }
0x69: {  	_ =	shalt  }
0x6a: {  	_ =	shalt  }
0x6b: {  	_ =	shalt  }
0x6c: {  	_ =	shalt  }
0x6d: {  	_ =	shalt  }
0x6e: {  	_ =	shalt  }
0x6f: {  	_ =	shalt  }
0x70: {  	_ =	shalt  }
0x71: {  	_ =	shalt  }
0x72: {  	_ =	shalt  }
0x73: {  	_ =	shalt  }
0x74: {  	_ =	shalt  }
0x75: {  	_ =	shalt  }
0x76: {  	_ =	shalt  }
0x77: {  	_ =	shalt  }
0x78: {  	_ =	shalt  }
0x79: {  	_ =	shalt  }
0x7a: {  	_ =	shalt  }
0x7b: {  	_ =	shalt  }
0x7c: {  	_ =	shalt  }
0x7d: {  	_ =	shalt  }
0x7e: {  	_ =	shalt  }
0x7f: {  	_ =	shalt  }
0x80: {  	_ =	shalt  }
0x81: {  	_ =	shalt  }
0x82: {  	_ =	shalt  }
0x83: {  	_ =	shalt  }
0x84: {  	_ =	shalt  }
0x85: {  	_ =	shalt  }
0x86: {  	_ =	shalt  }
0x87: {  	_ =	shalt  }
.Lfunc_end0:
.L_simem_size_0:
called_computation_lowered:
.L_overlay_start_0:
0x88: {  	s2 =	sld [smem:$0x3FD9]  }
0x89: {  	s3 =	sld [smem:$0x3FFE];
	_ =	sdelay $0x1  }
0x8a: {  	s1 =	srdreg.scid  }
0x8b: {  	s0 =	sand.u32 $0x1, s1  }
0x8c: {  	s17 =	sshll.u32 s0, $0xA;
	s2 =	sadd.s32 s3, s2  }
0x8d: {  	s2 =	sadd.s32 s2, s17  }
0x8e: {  	[smem:$0x3FC4] =	sst s2  }
0x8f: {  	_ = 	snop  }
0x90: {  	s2 =	sld [smem:$0x3FD0];
	(tm) =	ssettm $0x1  }
0x91: {  	s18 =	sld [smem:$0x3FFB];
	_ =	sdelay $0x3  }
0x92: {  	_ =	strace s18  }
0x93: {  	s3 =	sld [smem:$0x3FFC];
	_ =	sdelay $0x3  }
0x94: {  	_ =	strace s3  }
0x95: {  	s3 =	sld [smem:$0x3FFD];
	_ =	sdelay $0x3  }
0x96: {  	_ =	strace s3  }
0x97: {  	_ =	strace $0x8FFFFFFF  }
0x98: {  	s19 =	sld [smem:$0x3FDB];
	_ =	sdelay $0x1  }
0x99: {  	s4 =	simm.s32 $_scs_section_size  }
0x9a: {  	s5 =	simm.s32 $_size__tile_overlayer_lowered;
	s6 =	simm.s32 $_tile_overlayer_lowered  }
0x9b: {  	s22 =	simm.s32 $0x1BFF;
	s21 =	sshll.u32 s6, $0x1;
	s3 =	sadd.s32 s4, s19  }
0x9c: {  	s7 =	simm.s32 $0x0;
	s20 =	sshll.u32 s5, $0x1;
	s5 =	sadd.s32 s21, s3  }
0x9d: {  	[timem:s7], [sflag:s22] =	dma.local [hbm:s5], s20  }
0x9e: {  	_ =	swait.ge [sflag:s22], s20  }
0x9f: {  	s4 =	ssub.s32 $0x0, s20;
	[sflag:s22] =	ssyncset.done $0x0  }
0xa0: {  	[sflag:s22] =	ssyncadd.s32 s4;
	_ =	sdelay $0x1  }
0xa1: {  	s23 =	simm.s32 $0x1B8B  }
0xa2: {  	_ =	swait.ge [sflag:s23], $0x1  }
0xa3: {  	[sflag:s23] =	ssyncset.done $0x0  }
0xa4: {  	s25 =	simm.s32 $0x1B8E;
	s24 =	sld [smem:$0x3FFE];
	[sflag:s23] =	ssyncadd.s32 $0xFFFFFFFF  }
0xa5: {  	s26 =	simm.s32 $execute0_lowered;
	[smem:$0x3FD2] =	sst s25  }
0xa6: {  	s5 =	sshll.u32 s26, $0x1;
	_ =	strace $0x80000046;
	[dreg:$0x1] =	wrdreg $0xFFFFFFFF  }
0xa7: {  	s28 =	simm.s32 $_size_execute0_lowered;
	s3 =	sadd.s32 s3, s5;
	[dreg:$0x0] =	wrdreg $0x0  }
0xa8: {  	s5 =	sshll.u32 s28, $0x1;
	[dreg:$0x2] =	wrdreg s3  }
0xa9: {  	[dreg:$0x3] =	wrdreg s5  }
0xaa: {  	[dreg:$0x4] =	wrdreg $0xC0  }
0xab: {  	_ =	task [dreg:s7], $0x5FFFF  }
0xac: {  	[dreg:$0x1] =	wrdreg $0xFFFFFFFF  }
0xad: {  	[dreg:$0x0] =	wrdreg $0x60  }
0xae: {  	[dreg:$0x2] =	wrdreg s24  }
0xaf: {  	[dreg:$0x3] =	wrdreg s2  }
0xb0: {  	[dreg:$0x4] =	wrdreg $0x28800  }
0xb1: {  	[dreg:$0x5] =	wrdreg $0x9  }
0xb2: {  	_ =	task.clear_ibuf [dreg:s7], $0x6FFFF;
	_ =	strace $0x90000046  }
0xb3: {  	s29 =	simm.s32 $0x9;
	_ =	strace $0x80000048  }
0xb4: {  	_ =	swait.ge [sflag:s29], $0x1  }
0xb5: {  	[sflag:s29] =	ssyncadd.s32 $0xFFFFFFFF  }
0xb6: {  	_ =	strace $0x90000048  }
0xb7: {  	_ =	sfence  }
0xb8: {  	s30 =	sld [smem:$0x0];
	_ =	sdelay $0x2  }
0xb9: {  	s31 =	sshll.u32 s1, $0xD;
	s1 =	sshrl.u32 s1, $0x2  }
0xba: {  	s3 =	sand.u32 $0x4000, s31;
	s1 =	sadd.s32 s1, s30  }
0xbb: {  	s0 =	sor.u32 s3, s0;
	s1 =	sshll.u32 s1, $0x11  }
0xbc: {  	s0 =	sor.u32 s1, s0  }
0xbd: {  	s0 =	sadd.s32 $0x8F2B, s0  }
0xbe: {  	[sflag:s0] =	ssyncadd.remote.s32 $0x1  }
0xbf: {  	_ =	sfence.sel $0xFFFF  }
0xc0: {  	[dreg:$0x0] =	wrdreg $0xFFFFFFFF;
	(pc) =	sbr.abs _section_cstart, $3  }
0xc1: {  	[dreg:$0x1] =	wrdreg $0xFFFFFFFF  }
0xc2: {  	_ =	task.clear_ibuf [dreg:s7], $0x2FFFF;
	_ =	strace $0x9FFFFFFF  }
0xc3: {  	(tm) =	ssettm $0x7FFFFFFF  }
tec
execute0_lowered:
.L_overlay_start_1:
0x0: {  	(tag) =	ssettag $0x1  }
0x1: {  	s0 =	rddreg [dreg:$0x0]  }
0x2: {  	s5 =	rddreg [dreg:$0x1]  }
0x3: {  	s1 =	rddreg [dreg:$0x2]  }
0x4: {  	s3 =	simm.s32 $0x0;
	s4 =	srdreg.scid;
	s2 =	stileid.u32  }
0x5: {  	s13 =	simm.s32 $0x7D;
	s14 =	simm.s32 $0x80;
	s15 =	simm.s32 $0x100  }
0x6: {  	s16 =	simm.s32 $0x180;
	s17 =	simm.s32 $0x200;
	s18 =	simm.s32 $0x280  }
0x7: {  	s19 =	simm.s32 $0x300;
	s20 =	simm.s32 $0x380;
	s21 =	simm.s32 $0x1  }
0x8: {  	s22 =	simm.s32 $0x2;
	s23 =	simm.s32 $0x3;
	s24 =	simm.s32 $0x4  }
0x9: {  	s25 =	simm.s32 $0x5;
	s28 =	simm.s32 $0x7;
	s29 =	simm.s32 $0x8  }
0xa: {  	s30 =	simm.s32 $0x0;
	[smem:$0x7FF] =	sst s3;
	s6 =	sand.u32 $0x1, s4  }
0xb: {  	s8 =	smul.u32 $0x280, s2;
	s4 =	sadd.s32 $0x17800, s0;
	s31 =	sshll.u32 s2, $0x6  }
0xc: {  	_ =	strace $0x80000047;
	s7 =	ssub.s32 $0x2, s6;
	s9 =	sshll.u32 s6, $0x4  }
0xd: {  	p0 =	seq.s32 s6, $0x1;
	s6 =	sor.u32 $0x1C09, s31;
	s10 =	sshrl.u32 s7, $0x1  }
0xe: {  	s9 =	sor.u32 s2, s9;
	s11 =	sshrl.u32 s8, $0x3;
	s12 =	sadd.s32 s8, s1  }
0xf: {  	s10 =	ssub.s32 s7, s10;
	s26 =	smul.u32 $0x2800, s9;
	s9 =	simm.s32 $0x18000  }
0x10: {  	s5 =	sadd.s32 s5, s11;
	s9 =	simm.s32 @!p0 $0x17A00;
	s8 =	smax.u32 s10, $0x1  }
0x11: {  	s10 =	sshrl.u32 s12, $0x3;
	s12 =	simm.s32 $0x2800;
	s7 =	sshrl.u32 s26, $0x3  }
0x12: {  	s26 =	simm.s32 $0x6;
	s7 =	sadd.s32 s0, s7;
	s0 =	sadd.s32 s9, s0  }
0x13: {  	s7 =	sadd.s32 $0xD800, s7;
	s9 =	sadd.s32 s0, s11;
	s11 =	simm.s32 $0x9  }
.LBB2_1:
0x14: {  	[spmem:s10], [sflag:s6] =	dma.local [hbm:s5], $0x50  }
0x15: {  	_ =	swait.ge [sflag:s11], $0x50  }
0x16: {  	[sflag:s11] =	ssyncset.done $0x0  }
0x17: {  	[sflag:s11] =	ssyncadd.s32 $0xFFFFFFB0  }
0x18: {  	[tilespmem:s3], [sflag:$0x9] =	stream.linear.gather [hbm4b:s7+s3], $0x2800, $0x38;
	[tilespmem:$0x2B00] =	vst v63  }
0x19: {  	_ =	swait.ge [sflag:s11], $0x2800  }
0x1a: {  	[sflag:s11] =	ssyncset.done $0x0  }
0x1b: {  	[sflag:s11] =	ssyncadd.s32 $0xFFFFD800  }
0x1c: {  	[tilespmem:s12], [sflag:$0x9] =	stream.linear.gather [hbm4b:s4+s3], $0x80, $0x38;
	[tilespmem:$0x2B00] =	vst v63  }
0x1d: {  	_ =	swait.ge [sflag:s11], $0x80  }
0x1e: {  	[sflag:s11] =	ssyncset.done $0x0  }
0x1f: {  	[sflag:s11] =	ssyncadd.s32 $0xFFFFFF80  }
0x20: {  	[bflag:$0x0] =	sbarrier.arrive $0xFFFF  }
0x21: {  	[spmem:s1] =	stream.indirect.scatter.add.f32 [tilespmem:s12], [sflag:$0x1], $0x1, s3, s13, $0xb8;
	[tilespmem:$0x2B00] =	vst v63  }
0x22: {  	_ = 	snop  }
0x23: {  	[spmem:s1] =	stream.indirect.scatter.add.f32 [tilespmem:s12], [sflag:$0x2], $0x1, s14, s13, $0xb8;
	[tilespmem:$0x2B00] =	vst v63  }
0x24: {  	_ = 	snop  }
0x25: {  	[spmem:s1] =	stream.indirect.scatter.add.f32 [tilespmem:s12], [sflag:$0x3], $0x1, s15, s13, $0xb8;
	[tilespmem:$0x2B00] =	vst v63  }
0x26: {  	_ = 	snop  }
0x27: {  	[spmem:s1] =	stream.indirect.scatter.add.f32 [tilespmem:s12], [sflag:$0x4], $0x1, s16, s13, $0xb8;
	[tilespmem:$0x2B00] =	vst v63  }
0x28: {  	_ = 	snop  }
0x29: {  	[spmem:s1] =	stream.indirect.scatter.add.f32 [tilespmem:s12], [sflag:$0x5], $0x1, s17, s13, $0xb8;
	[tilespmem:$0x2B00] =	vst v63  }
0x2a: {  	_ = 	snop  }
0x2b: {  	[spmem:s1] =	stream.indirect.scatter.add.f32 [tilespmem:s12], [sflag:$0x6], $0x1, s18, s13, $0xb8;
	[tilespmem:$0x2B00] =	vst v63  }
0x2c: {  	_ = 	snop  }
0x2d: {  	[spmem:s1] =	stream.indirect.scatter.add.f32 [tilespmem:s12], [sflag:$0x7], $0x1, s19, s13, $0xb8;
	[tilespmem:$0x2B00] =	vst v63  }
0x2e: {  	_ = 	snop  }
0x2f: {  	[spmem:s1] =	stream.indirect.scatter.add.f32 [tilespmem:s12], [sflag:$0x8], $0x1, s20, s13, $0xb8;
	[tilespmem:$0x2B00] =	vst v63  }
0x30: {  	_ =	swait.ge [sflag:s21], $0x7D  }
0x31: {  	[sflag:s21] =	ssyncset.done $0x0  }
0x32: {  	s0 =	simm.s32 $0x400;
	[sflag:s21] =	ssyncadd.s32 $0xFFFFFF83  }
0x33: {  	[spmem:s1] =	stream.indirect.scatter.add.f32 [tilespmem:s12], [sflag:$0x1], $0x1, s0, s13, $0xb8;
	[tilespmem:$0x2B00] =	vst v63  }
0x34: {  	_ =	swait.ge [sflag:s22], $0x7D  }
0x35: {  	[sflag:s22] =	ssyncset.done $0x0  }
0x36: {  	s2 =	simm.s32 $0x480;
	[sflag:s22] =	ssyncadd.s32 $0xFFFFFF83  }
0x37: {  	[spmem:s1] =	stream.indirect.scatter.add.f32 [tilespmem:s12], [sflag:$0x2], $0x1, s2, s13, $0xb8;
	[tilespmem:$0x2B00] =	vst v63  }
0x38: {  	_ =	swait.ge [sflag:s23], $0x7D  }
0x39: {  	[sflag:s23] =	ssyncset.done $0x0  }
0x3a: {  	s2 =	simm.s32 $0x500;
	[sflag:s23] =	ssyncadd.s32 $0xFFFFFF83  }
0x3b: {  	[spmem:s1] =	stream.indirect.scatter.add.f32 [tilespmem:s12], [sflag:$0x3], $0x1, s2, s13, $0xb8;
	[tilespmem:$0x2B00] =	vst v63  }
0x3c: {  	_ =	swait.ge [sflag:s24], $0x7D  }
0x3d: {  	[sflag:s24] =	ssyncset.done $0x0  }
0x3e: {  	s2 =	simm.s32 $0x580;
	[sflag:s24] =	ssyncadd.s32 $0xFFFFFF83  }
0x3f: {  	[spmem:s1] =	stream.indirect.scatter.add.f32 [tilespmem:s12], [sflag:$0x4], $0x1, s2, s13, $0xb8;
	[tilespmem:$0x2B00] =	vst v63  }
0x40: {  	_ =	swait.ge [sflag:s25], $0x7D  }
0x41: {  	[sflag:s25] =	ssyncset.done $0x0  }
0x42: {  	s2 =	simm.s32 $0x600;
	[sflag:s25] =	ssyncadd.s32 $0xFFFFFF83  }
0x43: {  	[spmem:s1] =	stream.indirect.scatter.add.f32 [tilespmem:s12], [sflag:$0x5], $0x1, s2, s13, $0xb8;
	[tilespmem:$0x2B00] =	vst v63  }
0x44: {  	_ =	swait.ge [sflag:s26], $0x7D  }
0x45: {  	[sflag:s26] =	ssyncset.done $0x0  }
0x46: {  	s2 =	simm.s32 $0x680;
	[sflag:s26] =	ssyncadd.s32 $0xFFFFFF83  }
0x47: {  	[spmem:s1] =	stream.indirect.scatter.add.f32 [tilespmem:s12], [sflag:$0x6], $0x1, s2, s13, $0xb8;
	[tilespmem:$0x2B00] =	vst v63  }
0x48: {  	_ =	swait.ge [sflag:s28], $0x7D  }
0x49: {  	[sflag:s28] =	ssyncset.done $0x0  }
0x4a: {  	s2 =	simm.s32 $0x700;
	[sflag:s28] =	ssyncadd.s32 $0xFFFFFF83  }
0x4b: {  	[spmem:s1] =	stream.indirect.scatter.add.f32 [tilespmem:s12], [sflag:$0x7], $0x1, s2, s13, $0xb8;
	[tilespmem:$0x2B00] =	vst v63  }
0x4c: {  	_ =	swait.ge [sflag:s29], $0x7D  }
0x4d: {  	[sflag:s29] =	ssyncset.done $0x0  }
0x4e: {  	s31 =	simm.s32 $0x1000;
	s0 =	simm.s32 $0x780;
	[sflag:s29] =	ssyncadd.s32 $0xFFFFFF83  }
.LBB2_2:
0x4f: {  	[spmem:s1] =	stream.indirect.scatter.add.f32 [tilespmem:s12], [sflag:$0x8], $0x1, s0, s13, $0xb8;
	[tilespmem:$0x2B00] =	vst v63  }
0x50: {  	s0 =	smov.u32 s31  }
0x51: {  	p0 =	sne.s32 s31, $0x8000;
	s31 =	sadd.s32 $0x1000, s31;
	_ =	swait.ge [sflag:s21], $0x7D  }
0x52: {  	s0 =	sshra.s32 s0, $0x2;
	[sflag:s21] =	ssyncset.done $0x0  }
0x53: {  	s2 =	sadd.s32 $0x400, s0;
	[sflag:s21] =	ssyncadd.s32 $0xFFFFFF83  }
0x54: {  	[spmem:s1] =	stream.indirect.scatter.add.f32 [tilespmem:s12], [sflag:$0x1], $0x1, s2, s13, $0xb8;
	[tilespmem:$0x2B00] =	vst v63  }
0x55: {  	_ =	swait.ge [sflag:s22], $0x7D  }
0x56: {  	[sflag:s22] =	ssyncset.done $0x0  }
0x57: {  	s2 =	sadd.s32 $0x480, s0;
	[sflag:s22] =	ssyncadd.s32 $0xFFFFFF83  }
0x58: {  	[spmem:s1] =	stream.indirect.scatter.add.f32 [tilespmem:s12], [sflag:$0x2], $0x1, s2, s13, $0xb8;
	[tilespmem:$0x2B00] =	vst v63  }
0x59: {  	_ =	swait.ge [sflag:s23], $0x7D  }
0x5a: {  	[sflag:s23] =	ssyncset.done $0x0  }
0x5b: {  	s2 =	sadd.s32 $0x500, s0;
	[sflag:s23] =	ssyncadd.s32 $0xFFFFFF83  }
0x5c: {  	[spmem:s1] =	stream.indirect.scatter.add.f32 [tilespmem:s12], [sflag:$0x3], $0x1, s2, s13, $0xb8;
	[tilespmem:$0x2B00] =	vst v63  }
0x5d: {  	_ =	swait.ge [sflag:s24], $0x7D  }
0x5e: {  	[sflag:s24] =	ssyncset.done $0x0  }
0x5f: {  	s2 =	sadd.s32 $0x580, s0;
	[sflag:s24] =	ssyncadd.s32 $0xFFFFFF83  }
0x60: {  	[spmem:s1] =	stream.indirect.scatter.add.f32 [tilespmem:s12], [sflag:$0x4], $0x1, s2, s13, $0xb8;
	[tilespmem:$0x2B00] =	vst v63  }
0x61: {  	_ =	swait.ge [sflag:s25], $0x7D  }
0x62: {  	[sflag:s25] =	ssyncset.done $0x0  }
0x63: {  	s2 =	sadd.s32 $0x600, s0;
	[sflag:s25] =	ssyncadd.s32 $0xFFFFFF83  }
0x64: {  	[spmem:s1] =	stream.indirect.scatter.add.f32 [tilespmem:s12], [sflag:$0x5], $0x1, s2, s13, $0xb8;
	[tilespmem:$0x2B00] =	vst v63  }
0x65: {  	_ =	swait.ge [sflag:s26], $0x7D  }
0x66: {  	[sflag:s26] =	ssyncset.done $0x0  }
0x67: {  	s2 =	sadd.s32 $0x680, s0;
	[sflag:s26] =	ssyncadd.s32 $0xFFFFFF83  }
0x68: {  	[spmem:s1] =	stream.indirect.scatter.add.f32 [tilespmem:s12], [sflag:$0x6], $0x1, s2, s13, $0xb8;
	[tilespmem:$0x2B00] =	vst v63  }
0x69: {  	_ =	swait.ge [sflag:s28], $0x7D  }
0x6a: {  	[sflag:s28] =	ssyncset.done $0x0  }
.Ltmp0:
0x6b: {  	s2 =	sadd.s32 $0x700, s0;
	[sflag:s28] =	ssyncadd.s32 $0xFFFFFF83;
	(pc) =	sbr.rel @p0 .LBB2_2-.Ltmp0, $4  }
0x6c: {  	[spmem:s1] =	stream.indirect.scatter.add.f32 [tilespmem:s12], [sflag:$0x7], $0x1, s2, s13, $0xb8;
	[tilespmem:$0x2B00] =	vst v63  }
0x6d: {  	_ =	swait.ge [sflag:s29], $0x7D  }
0x6e: {  	[sflag:s29] =	ssyncset.done $0x0  }
0x6f: {  	s0 =	sadd.s32 $0x780, s0;
	[sflag:s29] =	ssyncadd.s32 $0xFFFFFF83  }
0x70: {  	[spmem:s1] =	stream.indirect.scatter.add.f32 [tilespmem:s12], [sflag:$0x8], $0x1, s0, s13, $0xb8;
	[tilespmem:$0x2B00] =	vst v63  }
0x71: {  	_ =	swait.ge [sflag:s21], $0x7D  }
0x72: {  	[sflag:s21] =	ssyncset.done $0x0  }
0x73: {  	[sflag:s21] =	ssyncadd.s32 $0xFFFFFF83  }
0x74: {  	_ =	swait.ge [sflag:s22], $0x7D  }
0x75: {  	[sflag:s22] =	ssyncset.done $0x0  }
0x76: {  	[sflag:s22] =	ssyncadd.s32 $0xFFFFFF83  }
0x77: {  	_ =	swait.ge [sflag:s23], $0x7D  }
0x78: {  	[sflag:s23] =	ssyncset.done $0x0  }
0x79: {  	[sflag:s23] =	ssyncadd.s32 $0xFFFFFF83  }
0x7a: {  	_ =	swait.ge [sflag:s24], $0x7D  }
0x7b: {  	[sflag:s24] =	ssyncset.done $0x0  }
0x7c: {  	[sflag:s24] =	ssyncadd.s32 $0xFFFFFF83  }
0x7d: {  	_ =	swait.ge [sflag:s25], $0x7D  }
0x7e: {  	[sflag:s25] =	ssyncset.done $0x0  }
0x7f: {  	[sflag:s25] =	ssyncadd.s32 $0xFFFFFF83  }
0x80: {  	_ =	swait.ge [sflag:s26], $0x7D  }
0x81: {  	[sflag:s26] =	ssyncset.done $0x0  }
0x82: {  	[sflag:s26] =	ssyncadd.s32 $0xFFFFFF83  }
0x83: {  	_ =	swait.ge [sflag:s28], $0x7D  }
0x84: {  	[sflag:s28] =	ssyncset.done $0x0  }
0x85: {  	[sflag:s28] =	ssyncadd.s32 $0xFFFFFF83  }
0x86: {  	_ =	swait.ge [sflag:s29], $0x7D  }
0x87: {  	s30 =	sadd.s32 $0x1, s30;
	[sflag:s29] =	ssyncset.done $0x0  }
0x88: {  	p0 =	sne.s32 s30, s8;
	[sflag:s29] =	ssyncadd.s32 $0xFFFFFF83  }
.Ltmp1:
0x89: {  	[bflag:$0x0] =	sbarrier.arrive $0xFFFF;
	(pc) =	sbr.rel @p0 .LBB2_1-.Ltmp1, $4  }
0x8a: {  	[hbm:s9], [sflag:s6] =	dma.local [spmem:s10], $0x50  }
0x8b: {  	_ =	swait.ge [sflag:s11], $0x50  }
0x8c: {  	[sflag:s11] =	ssyncset.done $0x0  }
0x8d: {  	[sflag:s11] =	ssyncadd.s32 $0xFFFFFFB0  }
0x8e: {  	_ =	sfence.sel $0x180000  }
0x8f: {  	[bflag:$0x0] =	sbarrier.arrive $0xFFFF  }
0x90: {  	_ =	strace $0x90000047  }
0x91: {  	s0 =	stileid.u32;
	[bflag:$0x2] =	sbarrier.arrive $0xFFFF  }
0x92: {  	p0 =	sne.s32 s0, $0x0;
	s0 =	rddreg [dreg:$0x3]  }
0x93: {  	s0 =	sadd.s32 @!p0 $0x100000, s0  }
0x94: {  	[sflag:s0] =	ssyncadd.tile.s32 @!p0 $0x1;
	_ =	shalt  }
.Lfunc_end2:
_tile_overlayer_lowered:
.L_overlay_start_2:
0x95: {  	(tag) =	ssettag $0x2  }
0x96: {  	s0 =	rddreg [dreg:$0x0];
	s2 =	stileid.u32  }
0x97: {  	s1 =	rddreg [dreg:$0x1];
	p0 =	sne.s32 s2, $0x0  }
0x98: {  	s3 =	rddreg [dreg:$0x2];
	[bflag:$0x3] =	sbarrier.arrive $0xFFFF;
	s2 =	simm.s32 @!p0 $0x1C09  }
0x99: {  	[timem:s3], [sflag:s2] =	dma.local @!p0 [hbm:s0], s1  }
0x9a: {  	s0 =	simm.s32 @!p0 $0x9  }
0x9b: {  	_ =	swait.ge @!p0 [sflag:s0], s1  }
0x9c: {  	s1 =	ssub.s32 @!p0 $0x0, s1;
	[sflag:s0] =	ssyncset.done @!p0 $0x0  }
0x9d: {  	[sflag:s0] =	ssyncadd.s32 @!p0 s1  }
0x9e: {  	[bflag:$0x3] =	sbarrier.arrive $0xFFFF  }
0x9f: {  	_ =	shalt  }

</sc_bundles>
